<compile_context>
chip_gen: v7x
topology: tpu7x:2x2x1
jax: 0.10.2.dev20260603
libtpu: 0.0.44.dev20260713+nightly
codegen_flags: <defaults>
</compile_context>

<pallas_src>
import functools

import jax
import jax.numpy as jnp
from jax import lax
from jax.experimental import pallas as pl
from jax.experimental.pallas import tpu as pltpu
from jax.experimental.pallas import tpu_sc as plsc

_K = 64


def _tc_body(x_ref, cls_ref, pos_ref, out_ref):
    BB, P, D = x_ref.shape
    for i in range(BB):
        out_ref[i, 0:1, 0:D] = cls_ref[...]
        out_ref[i, 1 : P + 1, 0:D] = x_ref[i]
        out_ref[i, :, D:] = pos_ref[...]


def _tc_kernel(x, cls_embedding, pos):
    B, P, D = x.shape
    E = pos.shape[1]
    bb = 4 if B % 4 == 0 else 1
    return pl.pallas_call(
        _tc_body,
        grid=(B // bb,),
        in_specs=[
            pl.BlockSpec((bb, P, D), lambda b: (b, 0, 0)),
            pl.BlockSpec((1, D), lambda b: (0, 0)),
            pl.BlockSpec((P + 1, E), lambda b: (0, 0)),
        ],
        out_specs=pl.BlockSpec((bb, P + 1, D + E), lambda b: (b, 0, 0)),
        out_shape=jax.ShapeDtypeStruct((B, P + 1, D + E), x.dtype),
    )(x, cls_embedding, pos)


def kernel(x, cls_embedding, pos_embedding_global, pos_embedding_local):
    B, P, D = x.shape
    pos = pos_embedding_global if P == 576 else pos_embedding_local
    E = pos.shape[1]
    R = P + 1
    if (R - 1) % _K != 0 or D % 16 != 0:
        return _tc_kernel(x, cls_embedding, pos)
    x2 = x.reshape(B * P, D)
    info = plsc.get_sparse_core_info()
    nc = info.num_cores
    nw = nc * info.num_subcores
    per = -(-B // nw)
    nch = (R - 1) // _K

    @functools.partial(
        pl.kernel,
        out_type=jax.ShapeDtypeStruct((B, R, D + E), x.dtype),
        mesh=plsc.VectorSubcoreMesh(core_axis_name="c", subcore_axis_name="s"),
        scratch_types=[
            pltpu.VMEM((_K, D), x.dtype),
            pltpu.VMEM((_K, D), x.dtype),
            pltpu.VMEM((1, D), x.dtype),
            pltpu.VMEM((1, D), x.dtype),
            pltpu.VMEM((_K,), jnp.int32),
            pltpu.VMEM((_K,), jnp.int32),
            pltpu.VMEM((16,), jnp.int32),
            pltpu.SemaphoreType.DMA,
            pltpu.SemaphoreType.DMA,
            pltpu.SemaphoreType.DMA,
            pltpu.SemaphoreType.DMA,
            pltpu.SemaphoreType.DMA,
            pltpu.SemaphoreType.DMA,
        ],
    )
    def sc_embed(
        x2_hbm, cls_hbm, pos_hbm, out_hbm,
        buf_a, buf_b, cls_v, last_v, idx_a, idx_b, idx_l,
        sia, sib, soa, sob, sp, sl,
    ):
        wid = lax.axis_index("s") * nc + lax.axis_index("c")
        bufs = (buf_a, buf_b)
        idxs = (idx_a, idx_b)
        sin = (sia, sib)
        sout = (soa, sob)
        ccls = pltpu.make_async_copy(cls_hbm, cls_v, sl)
        ccls.start()
        ccls.wait()
        for j in range(per):
            b = wid * per + j

            @pl.when(b < B)
            def _():
                base = b * P

                def fill_idx(c):
                    idx_ref = idxs[c % 2]
                    for g in range(_K // 16):
                        v = lax.iota(jnp.int32, 16) + (c * _K + g * 16 - 1)
                        idx_ref[pl.ds(g * 16, 16)] = jnp.clip(v, 0, P - 1) + base

                def mk_gather(c):
                    return pltpu.make_async_copy(
                        x2_hbm.at[pl.ds(base + c * _K, _K)], bufs[c % 2], sin[c % 2]
                    )

                def mk_out(c):
                    return pltpu.make_async_copy(
                        bufs[c % 2],
                        out_hbm.at[b, pl.ds(c * _K, _K), pl.ds(0, D)],
                        sout[c % 2],
                    )

                cpos = pltpu.make_async_copy(
                    pos_hbm, out_hbm.at[b, :, pl.ds(D, E)], sp
                )
                cpos.start()
                idx_l[pl.ds(0, 16)] = jnp.full((16,), base + P - 1, jnp.int32)
                glast = pltpu.make_async_copy(
                    x2_hbm.at[idx_l.at[pl.ds(0, 1)]], last_v, sl
                )
                glast.start()
                olast = pltpu.make_async_copy(
                    last_v, out_hbm.at[b, pl.ds(P, 1), pl.ds(0, D)], sl
                )
                gathers = [mk_gather(c) for c in range(nch)]
                outs = [mk_out(c) for c in range(nch)]
                fill_idx(0)
                gathers[0].start()
                glast.wait()
                olast.start()
                for c in range(nch):
                    gathers[c].wait()
                    if c == 0:
                        for g in range(D // 16):
                            bufs[0][0, pl.ds(g * 16, 16)] = cls_v[0, pl.ds(g * 16, 16)]
                    outs[c].start()
                    if c + 1 < nch:
                        if c >= 1:
                            outs[c - 1].wait()
                        fill_idx(c + 1)
                        gathers[c + 1].start()
                if nch >= 2:
                    outs[nch - 2].wait()
                outs[nch - 1].wait()
                olast.wait()
                cpos.wait()

    return sc_embed(x2, cls_embedding, pos)

# --- scband reference (transcript-rebuilt; emitter-appended) ---
"""Pipeline reference for scband-embedding-layer-5884105195952 (READ-ONLY COPY).

The authoritative reference and input builder live on the scoring server;
editing this copy changes nothing except your own understanding.
"""

import jax, jax.numpy as jnp
import numpy as np

NUM_GLOBAL_PATCHES = 576
NUM_LOCAL_PATCHES = 196
INPUT_DIM = 768
EMBEDDING_DIM = 768


def setup_inputs(seed: int = 0) -> dict:
    key = jax.random.key(seed)
    k1, k2, k3, k4 = jax.random.split(key, 4)
    x = jax.random.normal(k1, (64, NUM_GLOBAL_PATCHES, INPUT_DIM), dtype=jnp.float32)
    cls_embedding = jax.random.normal(k2, (1, INPUT_DIM), dtype=jnp.float32)
    pos_embedding_global = jax.random.normal(k3, (NUM_GLOBAL_PATCHES + 1, EMBEDDING_DIM), dtype=jnp.float32)
    pos_embedding_local = jax.random.normal(k4, (NUM_LOCAL_PATCHES + 1, EMBEDDING_DIM), dtype=jnp.float32)
    return {
        "x": x,
        "cls_embedding": cls_embedding,
        "pos_embedding_global": pos_embedding_global,
        "pos_embedding_local": pos_embedding_local,
    }


def reference(x, cls_embedding, pos_embedding_global, pos_embedding_local):
    B, P, D = x.shape
    # indices = repeat(arange(P+1), B) -> [B, P+1]
    indices = jnp.broadcast_to(jnp.arange(P + 1, dtype=jnp.int32)[None, :], (B, P + 1))
    if P == NUM_GLOBAL_PATCHES:
        pos_embeds = jnp.take(pos_embedding_global, indices, axis=0)
    elif P == NUM_LOCAL_PATCHES:
        pos_embeds = jnp.take(pos_embedding_local, indices, axis=0)
    else:
        raise RuntimeError(
            f"Num patches {P} not matching global {NUM_GLOBAL_PATCHES} or local {NUM_LOCAL_PATCHES} patches"
        )
    cls_idx = jnp.zeros((B, 1), dtype=jnp.int32)
    cls_embeds = jnp.take(cls_embedding, cls_idx, axis=0)  # [B, 1, D]
    x = jnp.concatenate([cls_embeds, x], axis=1)  # [B, P+1, D]
    x = jnp.concatenate([x, pos_embeds], axis=-1)  # [B, P+1, D + E]
    return x

if __name__ == "__main__":
    import jax
    _d = setup_inputs()
    print(jax.jit(kernel)(*tuple(_d.values())))

</pallas_src>

<mosaic_0001>
#map = affine_map<(d0, d1) -> (0, 0)>
#map1 = affine_map<(d0, d1) -> (0, 0, 0)>
module attributes {stable_mosaic.version = 14 : i64} {
  func.func @sc_embed(%arg0: i32, %arg1: i32, %arg2: memref<36864x768xf32, #tpu.memory_space<hbm>>, %arg3: memref<1x768xf32, #tpu.memory_space<hbm>>, %arg4: memref<577x768xf32, #tpu.memory_space<hbm>>, %arg5: memref<64x577x1536xf32, #tpu.memory_space<hbm>>, %arg6: memref<64x768xf32, #tpu.memory_space<vmem>>, %arg7: memref<64x768xf32, #tpu.memory_space<vmem>>, %arg8: memref<1x768xf32, #tpu.memory_space<vmem>>, %arg9: memref<1x768xf32, #tpu.memory_space<vmem>>, %arg10: memref<64xi32, #tpu.memory_space<vmem>>, %arg11: memref<64xi32, #tpu.memory_space<vmem>>, %arg12: memref<16xi32, #tpu.memory_space<vmem>>, %arg13: memref<!tpu.dma_semaphore, #tpu.memory_space<semaphore_mem>>, %arg14: memref<!tpu.dma_semaphore, #tpu.memory_space<semaphore_mem>>, %arg15: memref<!tpu.dma_semaphore, #tpu.memory_space<semaphore_mem>>, %arg16: memref<!tpu.dma_semaphore, #tpu.memory_space<semaphore_mem>>, %arg17: memref<!tpu.dma_semaphore, #tpu.memory_space<semaphore_mem>>, %arg18: memref<!tpu.dma_semaphore, #tpu.memory_space<semaphore_mem>>) attributes {dimension_semantics = [#tpu.dimension_semantics<core_parallel>, #tpu.dimension_semantics<subcore_parallel>], iteration_bounds = array<i64: 2, 16>, scalar_prefetch = 0 : i64, scratch_operands = 13 : i64, tpu.core_type = #tpu.core_type<sc_vector_subcore>, window_params = [{transform_indices = #map}, {transform_indices = #map}, {transform_indices = #map}, {transform_indices = #map1}]} {
    %mul3A = arith.constant 2 : i32
    %mul3A_0 = arith.muli %arg1, %mul3A : i32
    %add3A = arith.addi %mul3A_0, %arg0 : i32
    tpu.enqueue_dma source(%arg3 : memref<1x768xf32, #tpu.memory_space<hbm>>) target(%arg8 : memref<1x768xf32, #tpu.memory_space<vmem>>) target_semaphore(%arg18 : memref<!tpu.dma_semaphore, #tpu.memory_space<semaphore_mem>>)
    tpu.wait_dma2 semaphore(%arg18 : memref<!tpu.dma_semaphore, #tpu.memory_space<semaphore_mem>>) src(%arg3 : memref<1x768xf32, #tpu.memory_space<hbm>>) dst(%arg8 : memref<1x768xf32, #tpu.memory_space<vmem>>)
    %mul3A_1 = arith.constant 2 : i32
    %mul3A_2 = arith.muli %add3A, %mul3A_1 : i32
    %add3A_3 = arith.constant 0 : i32
    %add3A_4 = arith.addi %mul3A_2, %add3A_3 : i32
    %lt3A = arith.constant 64 : i32
    %lt3A_5 = arith.cmpi slt, %add3A_4, %lt3A : i32
    %convert_element_type3A = arith.extui %lt3A_5 : i1 to i32
    %cond3A = arith.constant 0 : i32
    %cond3A_6 = arith.cmpi ne, %convert_element_type3A, %cond3A : i32
    scf.if %cond3A_6 {
      %mul3A_16 = arith.constant 576 : i32
      %mul3A_17 = arith.muli %add3A_4, %mul3A_16 : i32
      %dma_start3A = arith.constant 0 : i32
      %dma_start3A_18 = arith.constant 768 : i32
      %dma_start3A_19 = tpu.memref_slice %arg5[%add3A_4, %dma_start3A, %dma_start3A_18] : memref<64x577x1536xf32, #tpu.memory_space<hbm>> -> memref<1x577x768xf32, #tpu.memory_space<hbm>>
      %dma_start3A_20 = tpu.memref_squeeze %dma_start3A_19 : memref<1x577x768xf32, #tpu.memory_space<hbm>> -> memref<577x768xf32, #tpu.memory_space<hbm>>
      tpu.enqueue_dma source(%arg4 : memref<577x768xf32, #tpu.memory_space<hbm>>) target(%dma_start3A_20 : memref<577x768xf32, #tpu.memory_space<hbm>>) target_semaphore(%arg17 : memref<!tpu.dma_semaphore, #tpu.memory_space<semaphore_mem>>)
      %add3A_21 = arith.constant 576 : i32
      %add3A_22 = arith.addi %mul3A_17, %add3A_21 : i32
      %sub3A = arith.constant 1 : i32
      %sub3A_23 = arith.subi %add3A_22, %sub3A : i32
      %broadcast_in_dim3A = vector.broadcast %sub3A_23 : i32 to vector<16xi32>
      %swap3A = arith.constant 0 : index
      %swap3A_24 = tpu.vector_load %arg12[%swap3A] {strides = array<i32>} : memref<16xi32, #tpu.memory_space<vmem>>, vector<16xi32>,
      %swap3A_25 = vector.shape_cast %swap3A_24 : vector<16xi32> to vector<16xi32>
      %swap3A_26 = vector.shape_cast %broadcast_in_dim3A : vector<16xi32> to vector<16xi32>
      tpu.vector_store %arg12[%swap3A], %swap3A_26 {strides = array<i32>} : memref<16xi32, #tpu.memory_space<vmem>>, vector<16xi32>,
      %dma_start3A_27 = arith.constant 0 : i32
      %dma_start3A_28 = tpu.memref_slice %arg12[%dma_start3A_27] : memref<16xi32, #tpu.memory_space<vmem>> -> memref<1xi32, #tpu.memory_space<vmem>>
      %dma_start3A_29 = arith.constant 0 : i32
      %dma_start3A_30 = arith.constant 0 : i32
      %dma_start3A_31 = tpu.memref_slice %arg2[%dma_start3A_29, %dma_start3A_30] : memref<36864x768xf32, #tpu.memory_space<hbm>> -> memref<36864x768xf32, #tpu.memory_space<hbm>>
      tpu.enqueue_indirect_dma source(%dma_start3A_31 : memref<36864x768xf32, #tpu.memory_space<hbm>>) target(%arg9 : memref<1x768xf32, #tpu.memory_space<vmem>>) offsets(%dma_start3A_28 : memref<1xi32, #tpu.memory_space<vmem>>) semaphore(%arg18 : memref<!tpu.dma_semaphore, #tpu.memory_space<semaphore_mem>>)
      %add3A_32 = arith.constant 0 : i32
      %add3A_33 = arith.addi %mul3A_17, %add3A_32 : i32
      %add3A_34 = arith.constant 64 : i32
      %add3A_35 = arith.addi %mul3A_17, %add3A_34 : i32
      %add3A_36 = arith.constant 128 : i32
      %add3A_37 = arith.addi %mul3A_17, %add3A_36 : i32
      %add3A_38 = arith.constant 192 : i32
      %add3A_39 = arith.addi %mul3A_17, %add3A_38 : i32
      %add3A_40 = arith.constant 256 : i32
      %add3A_41 = arith.addi %mul3A_17, %add3A_40 : i32
      %add3A_42 = arith.constant 320 : i32
      %add3A_43 = arith.addi %mul3A_17, %add3A_42 : i32
      %add3A_44 = arith.constant 384 : i32
      %add3A_45 = arith.addi %mul3A_17, %add3A_44 : i32
      %add3A_46 = arith.constant 448 : i32
      %add3A_47 = arith.addi %mul3A_17, %add3A_46 : i32
      %add3A_48 = arith.constant 512 : i32
      %add3A_49 = arith.addi %mul3A_17, %add3A_48 : i32
      %iota3A = tpu.iota {dimensions = array<i32: 0>} : vector<16xi32>
      %add3A_50 = arith.constant -1 : i32
      %add3A_51 = vector.broadcast %add3A_50 : i32 to vector<16xi32>
      %add3A_52 = arith.addi %iota3A, %add3A_51 : vector<16xi32>
      %jit3A = arith.constant 0 : i32
      %jit3A_53 = arith.constant 575 : i32
      %max3A = vector.broadcast %jit3A : i32 to vector<16xi32>
      %max3A_54 = arith.maxsi %max3A, %add3A_52 : vector<16xi32>
      %min3A = vector.broadcast %jit3A_53 : i32 to vector<16xi32>
      %min3A_55 = arith.minsi %min3A, %max3A_54 : vector<16xi32>
      %add3A_56 = vector.broadcast %mul3A_17 : i32 to vector<16xi32>
      %add3A_57 = arith.addi %min3A_55, %add3A_56 : vector<16xi32>
      %swap3A_58 = arith.constant 0 : index
      %swap3A_59 = tpu.vector_load %arg10[%swap3A_58] {strides = array<i32>} : memref<64xi32, #tpu.memory_space<vmem>>, vector<16xi32>,
      %swap3A_60 = vector.shape_cast %swap3A_59 : vector<16xi32> to vector<16xi32>
      %swap3A_61 = vector.shape_cast %add3A_57 : vector<16xi32> to vector<16xi32>
      tpu.vector_store %arg10[%swap3A_58], %swap3A_61 {strides = array<i32>} : memref<64xi32, #tpu.memory_space<vmem>>, vector<16xi32>,
      %iota3A_62 = tpu.iota {dimensions = array<i32: 0>} : vector<16xi32>
      %add3A_63 = arith.constant 15 : i32
      %add3A_64 = vector.broadcast %add3A_63 : i32 to vector<16xi32>
      %add3A_65 = arith.addi %iota3A_62, %add3A_64 : vector<16xi32>
      %jit3A_66 = arith.constant 0 : i32
      %jit3A_67 = arith.constant 575 : i32
      %max3A_68 = vector.broadcast %jit3A_66 : i32 to vector<16xi32>
      %max3A_69 = arith.maxsi %max3A_68, %add3A_65 : vector<16xi32>
      %min3A_70 = vector.broadcast %jit3A_67 : i32 to vector<16xi32>
      %min3A_71 = arith.minsi %min3A_70, %max3A_69 : vector<16xi32>
      %add3A_72 = vector.broadcast %mul3A_17 : i32 to vector<16xi32>
      %add3A_73 = arith.addi %min3A_71, %add3A_72 : vector<16xi32>
      %swap3A_74 = arith.constant 16 : index
      %swap3A_75 = tpu.vector_load %arg10[%swap3A_74] {strides = array<i32>} : memref<64xi32, #tpu.memory_space<vmem>>, vector<16xi32>,
      %swap3A_76 = vector.shape_cast %swap3A_75 : vector<16xi32> to vector<16xi32>
      %swap3A_77 = vector.shape_cast %add3A_73 : vector<16xi32> to vector<16xi32>
      tpu.vector_store %arg10[%swap3A_74], %swap3A_77 {strides = array<i32>} : memref<64xi32, #tpu.memory_space<vmem>>, vector<16xi32>,
      %iota3A_78 = tpu.iota {dimensions = array<i32: 0>} : vector<16xi32>
      %add3A_79 = arith.constant 31 : i32
      %add3A_80 = vector.broadcast %add3A_79 : i32 to vector<16xi32>
      %add3A_81 = arith.addi %iota3A_78, %add3A_80 : vector<16xi32>
      %jit3A_82 = arith.constant 0 : i32
      %jit3A_83 = arith.constant 575 : i32
      %max3A_84 = vector.broadcast %jit3A_82 : i32 to vector<16xi32>
      %max3A_85 = arith.maxsi %max3A_84, %add3A_81 : vector<16xi32>
      %min3A_86 = vector.broadcast %jit3A_83 : i32 to vector<16xi32>
      %min3A_87 = arith.minsi %min3A_86, %max3A_85 : vector<16xi32>
      %add3A_88 = vector.broadcast %mul3A_17 : i32 to vector<16xi32>
      %add3A_89 = arith.addi %min3A_87, %add3A_88 : vector<16xi32>
      %swap3A_90 = arith.constant 32 : index
      %swap3A_91 = tpu.vector_load %arg10[%swap3A_90] {strides = array<i32>} : memref<64xi32, #tpu.memory_space<vmem>>, vector<16xi32>,
      %swap3A_92 = vector.shape_cast %swap3A_91 : vector<16xi32> to vector<16xi32>
      %swap3A_93 = vector.shape_cast %add3A_89 : vector<16xi32> to vector<16xi32>
      tpu.vector_store %arg10[%swap3A_90], %swap3A_93 {strides = array<i32>} : memref<64xi32, #tpu.memory_space<vmem>>, vector<16xi32>,
      %iota3A_94 = tpu.iota {dimensions = array<i32: 0>} : vector<16xi32>
      %add3A_95 = arith.constant 47 : i32
      %add3A_96 = vector.broadcast %add3A_95 : i32 to vector<16xi32>
      %add3A_97 = arith.addi %iota3A_94, %add3A_96 : vector<16xi32>
      %jit3A_98 = arith.constant 0 : i32
      %jit3A_99 = arith.constant 575 : i32
      %max3A_100 = vector.broadcast %jit3A_98 : i32 to vector<16xi32>
      %max3A_101 = arith.maxsi %max3A_100, %add3A_97 : vector<16xi32>
      %min3A_102 = vector.broadcast %jit3A_99 : i32 to vector<16xi32>
      %min3A_103 = arith.minsi %min3A_102, %max3A_101 : vector<16xi32>
      %add3A_104 = vector.broadcast %mul3A_17 : i32 to vector<16xi32>
      %add3A_105 = arith.addi %min3A_103, %add3A_104 : vector<16xi32>
      %swap3A_106 = arith.constant 48 : index
      %swap3A_107 = tpu.vector_load %arg10[%swap3A_106] {strides = array<i32>} : memref<64xi32, #tpu.memory_space<vmem>>, vector<16xi32>,
      %swap3A_108 = vector.shape_cast %swap3A_107 : vector<16xi32> to vector<16xi32>
      %swap3A_109 = vector.shape_cast %add3A_105 : vector<16xi32> to vector<16xi32>
      tpu.vector_store %arg10[%swap3A_106], %swap3A_109 {strides = array<i32>} : memref<64xi32, #tpu.memory_space<vmem>>, vector<16xi32>,
      %dma_start3A_110 = arith.constant 0 : i32
      %dma_start3A_111 = tpu.memref_slice %arg2[%add3A_33, %dma_start3A_110] : memref<36864x768xf32, #tpu.memory_space<hbm>> -> memref<64x768xf32, #tpu.memory_space<hbm>>
      %dma_start3A_112 = arith.constant 0 : i32
      %dma_start3A_113 = tpu.memref_slice %arg2[%add3A_33, %dma_start3A_112] : memref<36864x768xf32, #tpu.memory_space<hbm>> -> memref<64x768xf32, #tpu.memory_space<hbm>>
      tpu.enqueue_dma source(%dma_start3A_113 : memref<64x768xf32, #tpu.memory_space<hbm>>) target(%arg6 : memref<64x768xf32, #tpu.memory_space<vmem>>) target_semaphore(%arg13 : memref<!tpu.dma_semaphore, #tpu.memory_space<semaphore_mem>>)
      %dma_wait3A = arith.constant 0 : i32
      %dma_wait3A_114 = tpu.memref_slice %arg12[%dma_wait3A] : memref<16xi32, #tpu.memory_space<vmem>> -> memref<1xi32, #tpu.memory_space<vmem>>
      %dma_wait3A_115 = arith.constant 0 : i32
      %dma_wait3A_116 = arith.constant 0 : i32
      %dma_wait3A_117 = tpu.memref_slice %arg2[%dma_wait3A_115, %dma_wait3A_116] : memref<36864x768xf32, #tpu.memory_space<hbm>> -> memref<36864x768xf32, #tpu.memory_space<hbm>>
      tpu.wait_indirect_dma semaphore(%arg18 : memref<!tpu.dma_semaphore, #tpu.memory_space<semaphore_mem>>) src(%dma_wait3A_117 : memref<36864x768xf32, #tpu.memory_space<hbm>>) dst(%arg9 : memref<1x768xf32, #tpu.memory_space<vmem>>)
      %dma_start3A_118 = arith.constant 576 : i32
      %dma_start3A_119 = arith.constant 0 : i32
      %dma_start3A_120 = tpu.memref_slice %arg5[%add3A_4, %dma_start3A_118, %dma_start3A_119] : memref<64x577x1536xf32, #tpu.memory_space<hbm>> -> memref<1x1x768xf32, #tpu.memory_space<hbm>>
      %dma_start3A_121 = tpu.memref_squeeze %dma_start3A_120 : memref<1x1x768xf32, #tpu.memory_space<hbm>> -> memref<1x768xf32, #tpu.memory_space<hbm>>
      %dma_start3A_122 = arith.constant 576 : i32
      %dma_start3A_123 = arith.constant 0 : i32
      %dma_start3A_124 = tpu.memref_slice %arg5[%add3A_4, %dma_start3A_122, %dma_start3A_123] : memref<64x577x1536xf32, #tpu.memory_space<hbm>> -> memref<1x1x768xf32, #tpu.memory_space<hbm>>
      %dma_start3A_125 = tpu.memref_squeeze %dma_start3A_124 : memref<1x1x768xf32, #tpu.memory_space<hbm>> -> memref<1x768xf32, #tpu.memory_space<hbm>>
      tpu.enqueue_dma source(%arg9 : memref<1x768xf32, #tpu.memory_space<vmem>>) target(%dma_start3A_125 : memref<1x768xf32, #tpu.memory_space<hbm>>) target_semaphore(%arg18 : memref<!tpu.dma_semaphore, #tpu.memory_space<semaphore_mem>>)
      %dma_wait3A_126 = arith.constant 0 : i32
      %dma_wait3A_127 = tpu.memref_slice %arg2[%add3A_33, %dma_wait3A_126] : memref<36864x768xf32, #tpu.memory_space<hbm>> -> memref<64x768xf32, #tpu.memory_space<hbm>>
      %dma_wait3A_128 = arith.constant 0 : i32
      %dma_wait3A_129 = tpu.memref_slice %arg2[%add3A_33, %dma_wait3A_128] : memref<36864x768xf32, #tpu.memory_space<hbm>> -> memref<64x768xf32, #tpu.memory_space<hbm>>
      tpu.wait_dma2 semaphore(%arg13 : memref<!tpu.dma_semaphore, #tpu.memory_space<semaphore_mem>>) src(%dma_wait3A_129 : memref<64x768xf32, #tpu.memory_space<hbm>>) dst(%arg6 : memref<64x768xf32, #tpu.memory_space<vmem>>)
      %get3A = arith.constant 0 : i32
      %get3A_130 = arith.index_cast %get3A : i32 to index
      %get3A_131 = arith.constant 0 : index
      %get3A_132 = tpu.vector_load %arg8[%get3A_130, %get3A_131] {strides = array<i32>} : memref<1x768xf32, #tpu.memory_space<vmem>>, vector<1x16xf32>,
      %get3A_133 = vector.shape_cast %get3A_132 : vector<1x16xf32> to vector<16xf32>
      %swap3A_134 = arith.constant 0 : i32
      %swap3A_135 = arith.index_cast %swap3A_134 : i32 to index
      %swap3A_136 = arith.constant 0 : index
      %swap3A_137 = tpu.vector_load %arg6[%swap3A_135, %swap3A_136] {strides = array<i32>} : memref<64x768xf32, #tpu.memory_space<vmem>>, vector<1x16xf32>,
      %swap3A_138 = vector.shape_cast %swap3A_137 : vector<1x16xf32> to vector<16xf32>
      %swap3A_139 = vector.shape_cast %get3A_133 : vector<16xf32> to vector<1x16xf32>
      tpu.vector_store %arg6[%swap3A_135, %swap3A_136], %swap3A_139 {strides = array<i32>} : memref<64x768xf32, #tpu.memory_space<vmem>>, vector<1x16xf32>,
      %get3A_140 = arith.constant 0 : i32
      %get3A_141 = arith.index_cast %get3A_140 : i32 to index
      %get3A_142 = arith.constant 16 : index
      %get3A_143 = tpu.vector_load %arg8[%get3A_141, %get3A_142] {strides = array<i32>} : memref<1x768xf32, #tpu.memory_space<vmem>>, vector<1x16xf32>,
      %get3A_144 = vector.shape_cast %get3A_143 : vector<1x16xf32> to vector<16xf32>
      %swap3A_145 = arith.constant 0 : i32
      %swap3A_146 = arith.index_cast %swap3A_145 : i32 to index
      %swap3A_147 = arith.constant 16 : index
      %swap3A_148 = tpu.vector_load %arg6[%swap3A_146, %swap3A_147] {strides = array<i32>} : memref<64x768xf32, #tpu.memory_space<vmem>>, vector<1x16xf32>,
      %swap3A_149 = vector.shape_cast %swap3A_148 : vector<1x16xf32> to vector<16xf32>
      %swap3A_150 = vector.shape_cast %get3A_144 : vector<16xf32> to vector<1x16xf32>
      tpu.vector_store %arg6[%swap3A_146, %swap3A_147], %swap3A_150 {strides = array<i32>} : memref<64x768xf32, #tpu.memory_space<vmem>>, vector<1x16xf32>,
      %get3A_151 = arith.constant 0 : i32
      %get3A_152 = arith.index_cast %get3A_151 : i32 to index
      %get3A_153 = arith.constant 32 : index
      %get3A_154 = tpu.vector_load %arg8[%get3A_152, %get3A_153] {strides = array<i32>} : memref<1x768xf32, #tpu.memory_space<vmem>>, vector<1x16xf32>,
      %get3A_155 = vector.shape_cast %get3A_154 : vector<1x16xf32> to vector<16xf32>
      %swap3A_156 = arith.constant 0 : i32
      %swap3A_157 = arith.index_cast %swap3A_156 : i32 to index
      %swap3A_158 = arith.constant 32 : index
      %swap3A_159 = tpu.vector_load %arg6[%swap3A_157, %swap3A_158] {strides = array<i32>} : memref<64x768xf32, #tpu.memory_space<vmem>>, vector<1x16xf32>,
      %swap3A_160 = vector.shape_cast %swap3A_159 : vector<1x16xf32> to vector<16xf32>
      %swap3A_161 = vector.shape_cast %get3A_155 : vector<16xf32> to vector<1x16xf32>
      tpu.vector_store %arg6[%swap3A_157, %swap3A_158], %swap3A_161 {strides = array<i32>} : memref<64x768xf32, #tpu.memory_space<vmem>>, vector<1x16xf32>,
      %get3A_162 = arith.constant 0 : i32
      %get3A_163 = arith.index_cast %get3A_162 : i32 to index
      %get3A_164 = arith.constant 48 : index
      %get3A_165 = tpu.vector_load %arg8[%get3A_163, %get3A_164] {strides = array<i32>} : memref<1x768xf32, #tpu.memory_space<vmem>>, vector<1x16xf32>,
      %get3A_166 = vector.shape_cast %get3A_165 : vector<1x16xf32> to vector<16xf32>
      %swap3A_167 = arith.constant 0 : i32
      %swap3A_168 = arith.index_cast %swap3A_167 : i32 to index
      %swap3A_169 = arith.constant 48 : index
      %swap3A_170 = tpu.vector_load %arg6[%swap3A_168, %swap3A_169] {strides = array<i32>} : memref<64x768xf32, #tpu.memory_space<vmem>>, vector<1x16xf32>,
      %swap3A_171 = vector.shape_cast %swap3A_170 : vector<1x16xf32> to vector<16xf32>
      %swap3A_172 = vector.shape_cast %get3A_166 : vector<16xf32> to vector<1x16xf32>
      tpu.vector_store %arg6[%swap3A_168, %swap3A_169], %swap3A_172 {strides = array<i32>} : memref<64x768xf32, #tpu.memory_space<vmem>>, vector<1x16xf32>,
      %get3A_173 = arith.constant 0 : i32
      %get3A_174 = arith.index_cast %get3A_173 : i32 to index
      %get3A_175 = arith.constant 64 : index
      %get3A_176 = tpu.vector_load %arg8[%get3A_174, %get3A_175] {strides = array<i32>} : memref<1x768xf32, #tpu.memory_space<vmem>>, vector<1x16xf32>,
      %get3A_177 = vector.shape_cast %get3A_176 : vector<1x16xf32> to vector<16xf32>
      %swap3A_178 = arith.constant 0 : i32
      %swap3A_179 = arith.index_cast %swap3A_178 : i32 to index
      %swap3A_180 = arith.constant 64 : index
      %swap3A_181 = tpu.vector_load %arg6[%swap3A_179, %swap3A_180] {strides = array<i32>} : memref<64x768xf32, #tpu.memory_space<vmem>>, vector<1x16xf32>,
      %swap3A_182 = vector.shape_cast %swap3A_181 : vector<1x16xf32> to vector<16xf32>
      %swap3A_183 = vector.shape_cast %get3A_177 : vector<16xf32> to vector<1x16xf32>
      tpu.vector_store %arg6[%swap3A_179, %swap3A_180], %swap3A_183 {strides = array<i32>} : memref<64x768xf32, #tpu.memory_space<vmem>>, vector<1x16xf32>,
      %get3A_184 = arith.constant 0 : i32
      %get3A_185 = arith.index_cast %get3A_184 : i32 to index
      %get3A_186 = arith.constant 80 : index
      %get3A_187 = tpu.vector_load %arg8[%get3A_185, %get3A_186] {strides = array<i32>} : memref<1x768xf32, #tpu.memory_space<vmem>>, vector<1x16xf32>,
      %get3A_188 = vector.shape_cast %get3A_187 : vector<1x16xf32> to vector<16xf32>
      %swap3A_189 = arith.constant 0 : i32
      %swap3A_190 = arith.index_cast %swap3A_189 : i32 to index
      %swap3A_191 = arith.constant 80 : index
      %swap3A_192 = tpu.vector_load %arg6[%swap3A_190, %swap3A_191] {strides = array<i32>} : memref<64x768xf32, #tpu.memory_space<vmem>>, vector<1x16xf32>,
      %swap3A_193 = vector.shape_cast %swap3A_192 : vector<1x16xf32> to vector<16xf32>
      %swap3A_194 = vector.shape_cast %get3A_188 : vector<16xf32> to vector<1x16xf32>
      tpu.vector_store %arg6[%swap3A_190, %swap3A_191], %swap3A_194 {strides = array<i32>} : memref<64x768xf32, #tpu.memory_space<vmem>>, vector<1x16xf32>,
      %get3A_195 = arith.constant 0 : i32
      %get3A_196 = arith.index_cast %get3A_195 : i32 to index
      %get3A_197 = arith.constant 96 : index
      %get3A_198 = tpu.vector_load %arg8[%get3A_196, %get3A_197] {strides = array<i32>} : memref<1x768xf32, #tpu.memory_space<vmem>>, vector<1x16xf32>,
      %get3A_199 = vector.shape_cast %get3A_198 : vector<1x16xf32> to vector<16xf32>
      %swap3A_200 = arith.constant 0 : i32
      %swap3A_201 = arith.index_cast %swap3A_200 : i32 to index
      %swap3A_202 = arith.constant 96 : index
      %swap3A_203 = tpu.vector_load %arg6[%swap3A_201, %swap3A_202] {strides = array<i32>} : memref<64x768xf32, #tpu.memory_space<vmem>>, vector<1x16xf32>,
      %swap3A_204 = vector.shape_cast %swap3A_203 : vector<1x16xf32> to vector<16xf32>
      %swap3A_205 = vector.shape_cast %get3A_199 : vector<16xf32> to vector<1x16xf32>
      tpu.vector_store %arg6[%swap3A_201, %swap3A_202], %swap3A_205 {strides = array<i32>} : memref<64x768xf32, #tpu.memory_space<vmem>>, vector<1x16xf32>,
      %get3A_206 = arith.constant 0 : i32
      %get3A_207 = arith.index_cast %get3A_206 : i32 to index
      %get3A_208 = arith.constant 112 : index
      %get3A_209 = tpu.vector_load %arg8[%get3A_207, %get3A_208] {strides = array<i32>} : memref<1x768xf32, #tpu.memory_space<vmem>>, vector<1x16xf32>,
      %get3A_210 = vector.shape_cast %get3A_209 : vector<1x16xf32> to vector<16xf32>
      %swap3A_211 = arith.constant 0 : i32
      %swap3A_212 = arith.index_cast %swap3A_211 : i32 to index
      %swap3A_213 = arith.constant 112 : index
      %swap3A_214 = tpu.vector_load %arg6[%swap3A_212, %swap3A_213] {strides = array<i32>} : memref<64x768xf32, #tpu.memory_space<vmem>>, vector<1x16xf32>,
      %swap3A_215 = vector.shape_cast %swap3A_214 : vector<1x16xf32> to vector<16xf32>
      %swap3A_216 = vector.shape_cast %get3A_210 : vector<16xf32> to vector<1x16xf32>
      tpu.vector_store %arg6[%swap3A_212, %swap3A_213], %swap3A_216 {strides = array<i32>} : memref<64x768xf32, #tpu.memory_space<vmem>>, vector<1x16xf32>,
      %get3A_217 = arith.constant 0 : i32
      %get3A_218 = arith.index_cast %get3A_217 : i32 to index
      %get3A_219 = arith.constant 128 : index
      %get3A_220 = tpu.vector_load %arg8[%get3A_218, %get3A_219] {strides = array<i32>} : memref<1x768xf32, #tpu.memory_space<vmem>>, vector<1x16xf32>,
      %get3A_221 = vector.shape_cast %get3A_220 : vector<1x16xf32> to vector<16xf32>
      %swap3A_222 = arith.constant 0 : i32
      %swap3A_223 = arith.index_cast %swap3A_222 : i32 to index
      %swap3A_224 = arith.constant 128 : index
      %swap3A_225 = tpu.vector_load %arg6[%swap3A_223, %swap3A_224] {strides = array<i32>} : memref<64x768xf32, #tpu.memory_space<vmem>>, vector<1x16xf32>,
      %swap3A_226 = vector.shape_cast %swap3A_225 : vector<1x16xf32> to vector<16xf32>
      %swap3A_227 = vector.shape_cast %get3A_221 : vector<16xf32> to vector<1x16xf32>
      tpu.vector_store %arg6[%swap3A_223, %swap3A_224], %swap3A_227 {strides = array<i32>} : memref<64x768xf32, #tpu.memory_space<vmem>>, vector<1x16xf32>,
      %get3A_228 = arith.constant 0 : i32
      %get3A_229 = arith.index_cast %get3A_228 : i32 to index
      %get3A_230 = arith.constant 144 : index
      %get3A_231 = tpu.vector_load %arg8[%get3A_229, %get3A_230] {strides = array<i32>} : memref<1x768xf32, #tpu.memory_space<vmem>>, vector<1x16xf32>,
      %get3A_232 = vector.shape_cast %get3A_231 : vector<1x16xf32> to vector<16xf32>
      %swap3A_233 = arith.constant 0 : i32
      %swap3A_234 = arith.index_cast %swap3A_233 : i32 to index
      %swap3A_235 = arith.constant 144 : index
      %swap3A_236 = tpu.vector_load %arg6[%swap3A_234, %swap3A_235] {strides = array<i32>} : memref<64x768xf32, #tpu.memory_space<vmem>>, vector<1x16xf32>,
      %swap3A_237 = vector.shape_cast %swap3A_236 : vector<1x16xf32> to vector<16xf32>
      %swap3A_238 = vector.shape_cast %get3A_232 : vector<16xf32> to vector<1x16xf32>
      tpu.vector_store %arg6[%swap3A_234, %swap3A_235], %swap3A_238 {strides = array<i32>} : memref<64x768xf32, #tpu.memory_space<vmem>>, vector<1x16xf32>,
      %get3A_239 = arith.constant 0 : i32
      %get3A_240 = arith.index_cast %get3A_239 : i32 to index
      %get3A_241 = arith.constant 160 : index
      %get3A_242 = tpu.vector_load %arg8[%get3A_240, %get3A_241] {strides = array<i32>} : memref<1x768xf32, #tpu.memory_space<vmem>>, vector<1x16xf32>,
      %get3A_243 = vector.shape_cast %get3A_242 : vector<1x16xf32> to vector<16xf32>
      %swap3A_244 = arith.constant 0 : i32
      %swap3A_245 = arith.index_cast %swap3A_244 : i32 to index
      %swap3A_246 = arith.constant 160 : index
      %swap3A_247 = tpu.vector_load %arg6[%swap3A_245, %swap3A_246] {strides = array<i32>} : memref<64x768xf32, #tpu.memory_space<vmem>>, vector<1x16xf32>,
      %swap3A_248 = vector.shape_cast %swap3A_247 : vector<1x16xf32> to vector<16xf32>
      %swap3A_249 = vector.shape_cast %get3A_243 : vector<16xf32> to vector<1x16xf32>
      tpu.vector_store %arg6[%swap3A_245, %swap3A_246], %swap3A_249 {strides = array<i32>} : memref<64x768xf32, #tpu.memory_space<vmem>>, vector<1x16xf32>,
      %get3A_250 = arith.constant 0 : i32
      %get3A_251 = arith.index_cast %get3A_250 : i32 to index
      %get3A_252 = arith.constant 176 : index
      %get3A_253 = tpu.vector_load %arg8[%get3A_251, %get3A_252] {strides = array<i32>} : memref<1x768xf32, #tpu.memory_space<vmem>>, vector<1x16xf32>,
      %get3A_254 = vector.shape_cast %get3A_253 : vector<1x16xf32> to vector<16xf32>
      %swap3A_255 = arith.constant 0 : i32
      %swap3A_256 = arith.index_cast %swap3A_255 : i32 to index
      %swap3A_257 = arith.constant 176 : index
      %swap3A_258 = tpu.vector_load %arg6[%swap3A_256, %swap3A_257] {strides = array<i32>} : memref<64x768xf32, #tpu.memory_space<vmem>>, vector<1x16xf32>,
      %swap3A_259 = vector.shape_cast %swap3A_258 : vector<1x16xf32> to vector<16xf32>
      %swap3A_260 = vector.shape_cast %get3A_254 : vector<16xf32> to vector<1x16xf32>
      tpu.vector_store %arg6[%swap3A_256, %swap3A_257], %swap3A_260 {strides = array<i32>} : memref<64x768xf32, #tpu.memory_space<vmem>>, vector<1x16xf32>,
      %get3A_261 = arith.constant 0 : i32
      %get3A_262 = arith.index_cast %get3A_261 : i32 to index
      %get3A_263 = arith.constant 192 : index
      %get3A_264 = tpu.vector_load %arg8[%get3A_262, %get3A_263] {strides = array<i32>} : memref<1x768xf32, #tpu.memory_space<vmem>>, vector<1x16xf32>,
      %get3A_265 = vector.shape_cast %get3A_264 : vector<1x16xf32> to vector<16xf32>
      %swap3A_266 = arith.constant 0 : i32
      %swap3A_267 = arith.index_cast %swap3A_266 : i32 to index
      %swap3A_268 = arith.constant 192 : index
      %swap3A_269 = tpu.vector_load %arg6[%swap3A_267, %swap3A_268] {strides = array<i32>} : memref<64x768xf32, #tpu.memory_space<vmem>>, vector<1x16xf32>,
      %swap3A_270 = vector.shape_cast %swap3A_269 : vector<1x16xf32> to vector<16xf32>
      %swap3A_271 = vector.shape_cast %get3A_265 : vector<16xf32> to vector<1x16xf32>
      tpu.vector_store %arg6[%swap3A_267, %swap3A_268], %swap3A_271 {strides = array<i32>} : memref<64x768xf32, #tpu.memory_space<vmem>>, vector<1x16xf32>,
      %get3A_272 = arith.constant 0 : i32
      %get3A_273 = arith.index_cast %get3A_272 : i32 to index
      %get3A_274 = arith.constant 208 : index
      %get3A_275 = tpu.vector_load %arg8[%get3A_273, %get3A_274] {strides = array<i32>} : memref<1x768xf32, #tpu.memory_space<vmem>>, vector<1x16xf32>,
      %get3A_276 = vector.shape_cast %get3A_275 : vector<1x16xf32> to vector<16xf32>
      %swap3A_277 = arith.constant 0 : i32
      %swap3A_278 = arith.index_cast %swap3A_277 : i32 to index
      %swap3A_279 = arith.constant 208 : index
      %swap3A_280 = tpu.vector_load %arg6[%swap3A_278, %swap3A_279] {strides = array<i32>} : memref<64x768xf32, #tpu.memory_space<vmem>>, vector<1x16xf32>,
      %swap3A_281 = vector.shape_cast %swap3A_280 : vector<1x16xf32> to vector<16xf32>
      %swap3A_282 = vector.shape_cast %get3A_276 : vector<16xf32> to vector<1x16xf32>
      tpu.vector_store %arg6[%swap3A_278, %swap3A_279], %swap3A_282 {strides = array<i32>} : memref<64x768xf32, #tpu.memory_space<vmem>>, vector<1x16xf32>,
      %get3A_283 = arith.constant 0 : i32
      %get3A_284 = arith.index_cast %get3A_283 : i32 to index
      %get3A_285 = arith.constant 224 : index
      %get3A_286 = tpu.vector_load %arg8[%get3A_284, %get3A_285] {strides = array<i32>} : memref<1x768xf32, #tpu.memory_space<vmem>>, vector<1x16xf32>,
      %get3A_287 = vector.shape_cast %get3A_286 : vector<1x16xf32> to vector<16xf32>
      %swap3A_288 = arith.constant 0 : i32
      %swap3A_289 = arith.index_cast %swap3A_288 : i32 to index
      %swap3A_290 = arith.constant 224 : index
      %swap3A_291 = tpu.vector_load %arg6[%swap3A_289, %swap3A_290] {strides = array<i32>} : memref<64x768xf32, #tpu.memory_space<vmem>>, vector<1x16xf32>,
      %swap3A_292 = vector.shape_cast %swap3A_291 : vector<1x16xf32> to vector<16xf32>
      %swap3A_293 = vector.shape_cast %get3A_287 : vector<16xf32> to vector<1x16xf32>
      tpu.vector_store %arg6[%swap3A_289, %swap3A_290], %swap3A_293 {strides = array<i32>} : memref<64x768xf32, #tpu.memory_space<vmem>>, vector<1x16xf32>,
      %get3A_294 = arith.constant 0 : i32
      %get3A_295 = arith.index_cast %get3A_294 : i32 to index
      %get3A_296 = arith.constant 240 : index
      %get3A_297 = tpu.vector_load %arg8[%get3A_295, %get3A_296] {strides = array<i32>} : memref<1x768xf32, #tpu.memory_space<vmem>>, vector<1x16xf32>,
      %get3A_298 = vector.shape_cast %get3A_297 : vector<1x16xf32> to vector<16xf32>
      %swap3A_299 = arith.constant 0 : i32
      %swap3A_300 = arith.index_cast %swap3A_299 : i32 to index
      %swap3A_301 = arith.constant 240 : index
      %swap3A_302 = tpu.vector_load %arg6[%swap3A_300, %swap3A_301] {strides = array<i32>} : memref<64x768xf32, #tpu.memory_space<vmem>>, vector<1x16xf32>,
      %swap3A_303 = vector.shape_cast %swap3A_302 : vector<1x16xf32> to vector<16xf32>
      %swap3A_304 = vector.shape_cast %get3A_298 : vector<16xf32> to vector<1x16xf32>
      tpu.vector_store %arg6[%swap3A_300, %swap3A_301], %swap3A_304 {strides = array<i32>} : memref<64x768xf32, #tpu.memory_space<vmem>>, vector<1x16xf32>,
      %get3A_305 = arith.constant 0 : i32
      %get3A_306 = arith.index_cast %get3A_305 : i32 to index
      %get3A_307 = arith.constant 256 : index
      %get3A_308 = tpu.vector_load %arg8[%get3A_306, %get3A_307] {strides = array<i32>} : memref<1x768xf32, #tpu.memory_space<vmem>>, vector<1x16xf32>,
      %get3A_309 = vector.shape_cast %get3A_308 : vector<1x16xf32> to vector<16xf32>
      %swap3A_310 = arith.constant 0 : i32
      %swap3A_311 = arith.index_cast %swap3A_310 : i32 to index
      %swap3A_312 = arith.constant 256 : index
      %swap3A_313 = tpu.vector_load %arg6[%swap3A_311, %swap3A_312] {strides = array<i32>} : memref<64x768xf32, #tpu.memory_space<vmem>>, vector<1x16xf32>,
      %swap3A_314 = vector.shape_cast %swap3A_313 : vector<1x16xf32> to vector<16xf32>
      %swap3A_315 = vector.shape_cast %get3A_309 : vector<16xf32> to vector<1x16xf32>
      tpu.vector_store %arg6[%swap3A_311, %swap3A_312], %swap3A_315 {strides = array<i32>} : memref<64x768xf32, #tpu.memory_space<vmem>>, vector<1x16xf32>,
      %get3A_316 = arith.constant 0 : i32
      %get3A_317 = arith.index_cast %get3A_316 : i32 to index
      %get3A_318 = arith.constant 272 : index
      %get3A_319 = tpu.vector_load %arg8[%get3A_317, %get3A_318] {strides = array<i32>} : memref<1x768xf32, #tpu.memory_space<vmem>>, vector<1x16xf32>,
      %get3A_320 = vector.shape_cast %get3A_319 : vector<1x16xf32> to vector<16xf32>
      %swap3A_321 = arith.constant 0 : i32
      %swap3A_322 = arith.index_cast %swap3A_321 : i32 to index
      %swap3A_323 = arith.constant 272 : index
      %swap3A_324 = tpu.vector_load %arg6[%swap3A_322, %swap3A_323] {strides = array<i32>} : memref<64x768xf32, #tpu.memory_space<vmem>>, vector<1x16xf32>,
      %swap3A_325 = vector.shape_cast %swap3A_324 : vector<1x16xf32> to vector<16xf32>
      %swap3A_326 = vector.shape_cast %get3A_320 : vector<16xf32> to vector<1x16xf32>
      tpu.vector_store %arg6[%swap3A_322, %swap3A_323], %swap3A_326 {strides = array<i32>} : memref<64x768xf32, #tpu.memory_space<vmem>>, vector<1x16xf32>,
      %get3A_327 = arith.constant 0 : i32
      %get3A_328 = arith.index_cast %get3A_327 : i32 to index
      %get3A_329 = arith.constant 288 : index
      %get3A_330 = tpu.vector_load %arg8[%get3A_328, %get3A_329] {strides = array<i32>} : memref<1x768xf32, #tpu.memory_space<vmem>>, vector<1x16xf32>,
      %get3A_331 = vector.shape_cast %get3A_330 : vector<1x16xf32> to vector<16xf32>
      %swap3A_332 = arith.constant 0 : i32
      %swap3A_333 = arith.index_cast %swap3A_332 : i32 to index
      %swap3A_334 = arith.constant 288 : index
      %swap3A_335 = tpu.vector_load %arg6[%swap3A_333, %swap3A_334] {strides = array<i32>} : memref<64x768xf32, #tpu.memory_space<vmem>>, vector<1x16xf32>,
      %swap3A_336 = vector.shape_cast %swap3A_335 : vector<1x16xf32> to vector<16xf32>
      %swap3A_337 = vector.shape_cast %get3A_331 : vector<16xf32> to vector<1x16xf32>
      tpu.vector_store %arg6[%swap3A_333, %swap3A_334], %swap3A_337 {strides = array<i32>} : memref<64x768xf32, #tpu.memory_space<vmem>>, vector<1x16xf32>,
      %get3A_338 = arith.constant 0 : i32
      %get3A_339 = arith.index_cast %get3A_338 : i32 to index
      %get3A_340 = arith.constant 304 : index
      %get3A_341 = tpu.vector_load %arg8[%get3A_339, %get3A_340] {strides = array<i32>} : memref<1x768xf32, #tpu.memory_space<vmem>>, vector<1x16xf32>,
      %get3A_342 = vector.shape_cast %get3A_341 : vector<1x16xf32> to vector<16xf32>
      %swap3A_343 = arith.constant 0 : i32
      %swap3A_344 = arith.index_cast %swap3A_343 : i32 to index
      %swap3A_345 = arith.constant 304 : index
      %swap3A_346 = tpu.vector_load %arg6[%swap3A_344, %swap3A_345] {strides = array<i32>} : memref<64x768xf32, #tpu.memory_space<vmem>>, vector<1x16xf32>,
      %swap3A_347 = vector.shape_cast %swap3A_346 : vector<1x16xf32> to vector<16xf32>
      %swap3A_348 = vector.shape_cast %get3A_342 : vector<16xf32> to vector<1x16xf32>
      tpu.vector_store %arg6[%swap3A_344, %swap3A_345], %swap3A_348 {strides = array<i32>} : memref<64x768xf32, #tpu.memory_space<vmem>>, vector<1x16xf32>,
      %get3A_349 = arith.constant 0 : i32
      %get3A_350 = arith.index_cast %get3A_349 : i32 to index
      %get3A_351 = arith.constant 320 : index
      %get3A_352 = tpu.vector_load %arg8[%get3A_350, %get3A_351] {strides = array<i32>} : memref<1x768xf32, #tpu.memory_space<vmem>>, vector<1x16xf32>,
      %get3A_353 = vector.shape_cast %get3A_352 : vector<1x16xf32> to vector<16xf32>
      %swap3A_354 = arith.constant 0 : i32
      %swap3A_355 = arith.index_cast %swap3A_354 : i32 to index
      %swap3A_356 = arith.constant 320 : index
      %swap3A_357 = tpu.vector_load %arg6[%swap3A_355, %swap3A_356] {strides = array<i32>} : memref<64x768xf32, #tpu.memory_space<vmem>>, vector<1x16xf32>,
      %swap3A_358 = vector.shape_cast %swap3A_357 : vector<1x16xf32> to vector<16xf32>
      %swap3A_359 = vector.shape_cast %get3A_353 : vector<16xf32> to vector<1x16xf32>
      tpu.vector_store %arg6[%swap3A_355, %swap3A_356], %swap3A_359 {strides = array<i32>} : memref<64x768xf32, #tpu.memory_space<vmem>>, vector<1x16xf32>,
      %get3A_360 = arith.constant 0 : i32
      %get3A_361 = arith.index_cast %get3A_360 : i32 to index
      %get3A_362 = arith.constant 336 : index
      %get3A_363 = tpu.vector_load %arg8[%get3A_361, %get3A_362] {strides = array<i32>} : memref<1x768xf32, #tpu.memory_space<vmem>>, vector<1x16xf32>,
      %get3A_364 = vector.shape_cast %get3A_363 : vector<1x16xf32> to vector<16xf32>
      %swap3A_365 = arith.constant 0 : i32
      %swap3A_366 = arith.index_cast %swap3A_365 : i32 to index
      %swap3A_367 = arith.constant 336 : index
      %swap3A_368 = tpu.vector_load %arg6[%swap3A_366, %swap3A_367] {strides = array<i32>} : memref<64x768xf32, #tpu.memory_space<vmem>>, vector<1x16xf32>,
      %swap3A_369 = vector.shape_cast %swap3A_368 : vector<1x16xf32> to vector<16xf32>
      %swap3A_370 = vector.shape_cast %get3A_364 : vector<16xf32> to vector<1x16xf32>
      tpu.vector_store %arg6[%swap3A_366, %swap3A_367], %swap3A_370 {strides = array<i32>} : memref<64x768xf32, #tpu.memory_space<vmem>>, vector<1x16xf32>,
      %get3A_371 = arith.constant 0 : i32
      %get3A_372 = arith.index_cast %get3A_371 : i32 to index
      %get3A_373 = arith.constant 352 : index
      %get3A_374 = tpu.vector_load %arg8[%get3A_372, %get3A_373] {strides = array<i32>} : memref<1x768xf32, #tpu.memory_space<vmem>>, vector<1x16xf32>,
      %get3A_375 = vector.shape_cast %get3A_374 : vector<1x16xf32> to vector<16xf32>
      %swap3A_376 = arith.constant 0 : i32
      %swap3A_377 = arith.index_cast %swap3A_376 : i32 to index
      %swap3A_378 = arith.constant 352 : index
      %swap3A_379 = tpu.vector_load %arg6[%swap3A_377, %swap3A_378] {strides = array<i32>} : memref<64x768xf32, #tpu.memory_space<vmem>>, vector<1x16xf32>,
      %swap3A_380 = vector.shape_cast %swap3A_379 : vector<1x16xf32> to vector<16xf32>
      %swap3A_381 = vector.shape_cast %get3A_375 : vector<16xf32> to vector<1x16xf32>
      tpu.vector_store %arg6[%swap3A_377, %swap3A_378], %swap3A_381 {strides = array<i32>} : memref<64x768xf32, #tpu.memory_space<vmem>>, vector<1x16xf32>,
      %get3A_382 = arith.constant 0 : i32
      %get3A_383 = arith.index_cast %get3A_382 : i32 to index
      %get3A_384 = arith.constant 368 : index
      %get3A_385 = tpu.vector_load %arg8[%get3A_383, %get3A_384] {strides = array<i32>} : memref<1x768xf32, #tpu.memory_space<vmem>>, vector<1x16xf32>,
      %get3A_386 = vector.shape_cast %get3A_385 : vector<1x16xf32> to vector<16xf32>
      %swap3A_387 = arith.constant 0 : i32
      %swap3A_388 = arith.index_cast %swap3A_387 : i32 to index
      %swap3A_389 = arith.constant 368 : index
      %swap3A_390 = tpu.vector_load %arg6[%swap3A_388, %swap3A_389] {strides = array<i32>} : memref<64x768xf32, #tpu.memory_space<vmem>>, vector<1x16xf32>,
      %swap3A_391 = vector.shape_cast %swap3A_390 : vector<1x16xf32> to vector<16xf32>
      %swap3A_392 = vector.shape_cast %get3A_386 : vector<16xf32> to vector<1x16xf32>
      tpu.vector_store %arg6[%swap3A_388, %swap3A_389], %swap3A_392 {strides = array<i32>} : memref<64x768xf32, #tpu.memory_space<vmem>>, vector<1x16xf32>,
      %get3A_393 = arith.constant 0 : i32
      %get3A_394 = arith.index_cast %get3A_393 : i32 to index
      %get3A_395 = arith.constant 384 : index
      %get3A_396 = tpu.vector_load %arg8[%get3A_394, %get3A_395] {strides = array<i32>} : memref<1x768xf32, #tpu.memory_space<vmem>>, vector<1x16xf32>,
      %get3A_397 = vector.shape_cast %get3A_396 : vector<1x16xf32> to vector<16xf32>
      %swap3A_398 = arith.constant 0 : i32
      %swap3A_399 = arith.index_cast %swap3A_398 : i32 to index
      %swap3A_400 = arith.constant 384 : index
      %swap3A_401 = tpu.vector_load %arg6[%swap3A_399, %swap3A_400] {strides = array<i32>} : memref<64x768xf32, #tpu.memory_space<vmem>>, vector<1x16xf32>,
      %swap3A_402 = vector.shape_cast %swap3A_401 : vector<1x16xf32> to vector<16xf32>
      %swap3A_403 = vector.shape_cast %get3A_397 : vector<16xf32> to vector<1x16xf32>
      tpu.vector_store %arg6[%swap3A_399, %swap3A_400], %swap3A_403 {strides = array<i32>} : memref<64x768xf32, #tpu.memory_space<vmem>>, vector<1x16xf32>,
      %get3A_404 = arith.constant 0 : i32
      %get3A_405 = arith.index_cast %get3A_404 : i32 to index
      %get3A_406 = arith.constant 400 : index
      %get3A_407 = tpu.vector_load %arg8[%get3A_405, %get3A_406] {strides = array<i32>} : memref<1x768xf32, #tpu.memory_space<vmem>>, vector<1x16xf32>,
      %get3A_408 = vector.shape_cast %get3A_407 : vector<1x16xf32> to vector<16xf32>
      %swap3A_409 = arith.constant 0 : i32
      %swap3A_410 = arith.index_cast %swap3A_409 : i32 to index
      %swap3A_411 = arith.constant 400 : index
      %swap3A_412 = tpu.vector_load %arg6[%swap3A_410, %swap3A_411] {strides = array<i32>} : memref<64x768xf32, #tpu.memory_space<vmem>>, vector<1x16xf32>,
      %swap3A_413 = vector.shape_cast %swap3A_412 : vector<1x16xf32> to vector<16xf32>
      %swap3A_414 = vector.shape_cast %get3A_408 : vector<16xf32> to vector<1x16xf32>
      tpu.vector_store %arg6[%swap3A_410, %swap3A_411], %swap3A_414 {strides = array<i32>} : memref<64x768xf32, #tpu.memory_space<vmem>>, vector<1x16xf32>,
      %get3A_415 = arith.constant 0 : i32
      %get3A_416 = arith.index_cast %get3A_415 : i32 to index
      %get3A_417 = arith.constant 416 : index
      %get3A_418 = tpu.vector_load %arg8[%get3A_416, %get3A_417] {strides = array<i32>} : memref<1x768xf32, #tpu.memory_space<vmem>>, vector<1x16xf32>,
      %get3A_419 = vector.shape_cast %get3A_418 : vector<1x16xf32> to vector<16xf32>
      %swap3A_420 = arith.constant 0 : i32
      %swap3A_421 = arith.index_cast %swap3A_420 : i32 to index
      %swap3A_422 = arith.constant 416 : index
      %swap3A_423 = tpu.vector_load %arg6[%swap3A_421, %swap3A_422] {strides = array<i32>} : memref<64x768xf32, #tpu.memory_space<vmem>>, vector<1x16xf32>,
      %swap3A_424 = vector.shape_cast %swap3A_423 : vector<1x16xf32> to vector<16xf32>
      %swap3A_425 = vector.shape_cast %get3A_419 : vector<16xf32> to vector<1x16xf32>
      tpu.vector_store %arg6[%swap3A_421, %swap3A_422], %swap3A_425 {strides = array<i32>} : memref<64x768xf32, #tpu.memory_space<vmem>>, vector<1x16xf32>,
      %get3A_426 = arith.constant 0 : i32
      %get3A_427 = arith.index_cast %get3A_426 : i32 to index
      %get3A_428 = arith.constant 432 : index
      %get3A_429 = tpu.vector_load %arg8[%get3A_427, %get3A_428] {strides = array<i32>} : memref<1x768xf32, #tpu.memory_space<vmem>>, vector<1x16xf32>,
      %get3A_430 = vector.shape_cast %get3A_429 : vector<1x16xf32> to vector<16xf32>
      %swap3A_431 = arith.constant 0 : i32
      %swap3A_432 = arith.index_cast %swap3A_431 : i32 to index
      %swap3A_433 = arith.constant 432 : index
      %swap3A_434 = tpu.vector_load %arg6[%swap3A_432, %swap3A_433] {strides = array<i32>} : memref<64x768xf32, #tpu.memory_space<vmem>>, vector<1x16xf32>,
      %swap3A_435 = vector.shape_cast %swap3A_434 : vector<1x16xf32> to vector<16xf32>
      %swap3A_436 = vector.shape_cast %get3A_430 : vector<16xf32> to vector<1x16xf32>
      tpu.vector_store %arg6[%swap3A_432, %swap3A_433], %swap3A_436 {strides = array<i32>} : memref<64x768xf32, #tpu.memory_space<vmem>>, vector<1x16xf32>,
      %get3A_437 = arith.constant 0 : i32
      %get3A_438 = arith.index_cast %get3A_437 : i32 to index
      %get3A_439 = arith.constant 448 : index
      %get3A_440 = tpu.vector_load %arg8[%get3A_438, %get3A_439] {strides = array<i32>} : memref<1x768xf32, #tpu.memory_space<vmem>>, vector<1x16xf32>,
      %get3A_441 = vector.shape_cast %get3A_440 : vector<1x16xf32> to vector<16xf32>
      %swap3A_442 = arith.constant 0 : i32
      %swap3A_443 = arith.index_cast %swap3A_442 : i32 to index
      %swap3A_444 = arith.constant 448 : index
      %swap3A_445 = tpu.vector_load %arg6[%swap3A_443, %swap3A_444] {strides = array<i32>} : memref<64x768xf32, #tpu.memory_space<vmem>>, vector<1x16xf32>,
      %swap3A_446 = vector.shape_cast %swap3A_445 : vector<1x16xf32> to vector<16xf32>
      %swap3A_447 = vector.shape_cast %get3A_441 : vector<16xf32> to vector<1x16xf32>
      tpu.vector_store %arg6[%swap3A_443, %swap3A_444], %swap3A_447 {strides = array<i32>} : memref<64x768xf32, #tpu.memory_space<vmem>>, vector<1x16xf32>,
      %get3A_448 = arith.constant 0 : i32
      %get3A_449 = arith.index_cast %get3A_448 : i32 to index
      %get3A_450 = arith.constant 464 : index
      %get3A_451 = tpu.vector_load %arg8[%get3A_449, %get3A_450] {strides = array<i32>} : memref<1x768xf32, #tpu.memory_space<vmem>>, vector<1x16xf32>,
      %get3A_452 = vector.shape_cast %get3A_451 : vector<1x16xf32> to vector<16xf32>
      %swap3A_453 = arith.constant 0 : i32
      %swap3A_454 = arith.index_cast %swap3A_453 : i32 to index
      %swap3A_455 = arith.constant 464 : index
      %swap3A_456 = tpu.vector_load %arg6[%swap3A_454, %swap3A_455] {strides = array<i32>} : memref<64x768xf32, #tpu.memory_space<vmem>>, vector<1x16xf32>,
      %swap3A_457 = vector.shape_cast %swap3A_456 : vector<1x16xf32> to vector<16xf32>
      %swap3A_458 = vector.shape_cast %get3A_452 : vector<16xf32> to vector<1x16xf32>
      tpu.vector_store %arg6[%swap3A_454, %swap3A_455], %swap3A_458 {strides = array<i32>} : memref<64x768xf32, #tpu.memory_space<vmem>>, vector<1x16xf32>,
      %get3A_459 = arith.constant 0 : i32
      %get3A_460 = arith.index_cast %get3A_459 : i32 to index
      %get3A_461 = arith.constant 480 : index
      %get3A_462 = tpu.vector_load %arg8[%get3A_460, %get3A_461] {strides = array<i32>} : memref<1x768xf32, #tpu.memory_space<vmem>>, vector<1x16xf32>,
      %get3A_463 = vector.shape_cast %get3A_462 : vector<1x16xf32> to vector<16xf32>
      %swap3A_464 = arith.constant 0 : i32
      %swap3A_465 = arith.index_cast %swap3A_464 : i32 to index
      %swap3A_466 = arith.constant 480 : index
      %swap3A_467 = tpu.vector_load %arg6[%swap3A_465, %swap3A_466] {strides = array<i32>} : memref<64x768xf32, #tpu.memory_space<vmem>>, vector<1x16xf32>,
      %swap3A_468 = vector.shape_cast %swap3A_467 : vector<1x16xf32> to vector<16xf32>
      %swap3A_469 = vector.shape_cast %get3A_463 : vector<16xf32> to vector<1x16xf32>
      tpu.vector_store %arg6[%swap3A_465, %swap3A_466], %swap3A_469 {strides = array<i32>} : memref<64x768xf32, #tpu.memory_space<vmem>>, vector<1x16xf32>,
      %get3A_470 = arith.constant 0 : i32
      %get3A_471 = arith.index_cast %get3A_470 : i32 to index
      %get3A_472 = arith.constant 496 : index
      %get3A_473 = tpu.vector_load %arg8[%get3A_471, %get3A_472] {strides = array<i32>} : memref<1x768xf32, #tpu.memory_space<vmem>>, vector<1x16xf32>,
      %get3A_474 = vector.shape_cast %get3A_473 : vector<1x16xf32> to vector<16xf32>
      %swap3A_475 = arith.constant 0 : i32
      %swap3A_476 = arith.index_cast %swap3A_475 : i32 to index
      %swap3A_477 = arith.constant 496 : index
      %swap3A_478 = tpu.vector_load %arg6[%swap3A_476, %swap3A_477] {strides = array<i32>} : memref<64x768xf32, #tpu.memory_space<vmem>>, vector<1x16xf32>,
      %swap3A_479 = vector.shape_cast %swap3A_478 : vector<1x16xf32> to vector<16xf32>
      %swap3A_480 = vector.shape_cast %get3A_474 : vector<16xf32> to vector<1x16xf32>
      tpu.vector_store %arg6[%swap3A_476, %swap3A_477], %swap3A_480 {strides = array<i32>} : memref<64x768xf32, #tpu.memory_space<vmem>>, vector<1x16xf32>,
      %get3A_481 = arith.constant 0 : i32
      %get3A_482 = arith.index_cast %get3A_481 : i32 to index
      %get3A_483 = arith.constant 512 : index
      %get3A_484 = tpu.vector_load %arg8[%get3A_482, %get3A_483] {strides = array<i32>} : memref<1x768xf32, #tpu.memory_space<vmem>>, vector<1x16xf32>,
      %get3A_485 = vector.shape_cast %get3A_484 : vector<1x16xf32> to vector<16xf32>
      %swap3A_486 = arith.constant 0 : i32
      %swap3A_487 = arith.index_cast %swap3A_486 : i32 to index
      %swap3A_488 = arith.constant 512 : index
      %swap3A_489 = tpu.vector_load %arg6[%swap3A_487, %swap3A_488] {strides = array<i32>} : memref<64x768xf32, #tpu.memory_space<vmem>>, vector<1x16xf32>,
      %swap3A_490 = vector.shape_cast %swap3A_489 : vector<1x16xf32> to vector<16xf32>
      %swap3A_491 = vector.shape_cast %get3A_485 : vector<16xf32> to vector<1x16xf32>
      tpu.vector_store %arg6[%swap3A_487, %swap3A_488], %swap3A_491 {strides = array<i32>} : memref<64x768xf32, #tpu.memory_space<vmem>>, vector<1x16xf32>,
      %get3A_492 = arith.constant 0 : i32
      %get3A_493 = arith.index_cast %get3A_492 : i32 to index
      %get3A_494 = arith.constant 528 : index
      %get3A_495 = tpu.vector_load %arg8[%get3A_493, %get3A_494] {strides = array<i32>} : memref<1x768xf32, #tpu.memory_space<vmem>>, vector<1x16xf32>,
      %get3A_496 = vector.shape_cast %get3A_495 : vector<1x16xf32> to vector<16xf32>
      %swap3A_497 = arith.constant 0 : i32
      %swap3A_498 = arith.index_cast %swap3A_497 : i32 to index
      %swap3A_499 = arith.constant 528 : index
      %swap3A_500 = tpu.vector_load %arg6[%swap3A_498, %swap3A_499] {strides = array<i32>} : memref<64x768xf32, #tpu.memory_space<vmem>>, vector<1x16xf32>,
      %swap3A_501 = vector.shape_cast %swap3A_500 : vector<1x16xf32> to vector<16xf32>
      %swap3A_502 = vector.shape_cast %get3A_496 : vector<16xf32> to vector<1x16xf32>
      tpu.vector_store %arg6[%swap3A_498, %swap3A_499], %swap3A_502 {strides = array<i32>} : memref<64x768xf32, #tpu.memory_space<vmem>>, vector<1x16xf32>,
      %get3A_503 = arith.constant 0 : i32
      %get3A_504 = arith.index_cast %get3A_503 : i32 to index
      %get3A_505 = arith.constant 544 : index
      %get3A_506 = tpu.vector_load %arg8[%get3A_504, %get3A_505] {strides = array<i32>} : memref<1x768xf32, #tpu.memory_space<vmem>>, vector<1x16xf32>,
      %get3A_507 = vector.shape_cast %get3A_506 : vector<1x16xf32> to vector<16xf32>
      %swap3A_508 = arith.constant 0 : i32
      %swap3A_509 = arith.index_cast %swap3A_508 : i32 to index
      %swap3A_510 = arith.constant 544 : index
      %swap3A_511 = tpu.vector_load %arg6[%swap3A_509, %swap3A_510] {strides = array<i32>} : memref<64x768xf32, #tpu.memory_space<vmem>>, vector<1x16xf32>,
      %swap3A_512 = vector.shape_cast %swap3A_511 : vector<1x16xf32> to vector<16xf32>
      %swap3A_513 = vector.shape_cast %get3A_507 : vector<16xf32> to vector<1x16xf32>
      tpu.vector_store %arg6[%swap3A_509, %swap3A_510], %swap3A_513 {strides = array<i32>} : memref<64x768xf32, #tpu.memory_space<vmem>>, vector<1x16xf32>,
      %get3A_514 = arith.constant 0 : i32
      %get3A_515 = arith.index_cast %get3A_514 : i32 to index
      %get3A_516 = arith.constant 560 : index
      %get3A_517 = tpu.vector_load %arg8[%get3A_515, %get3A_516] {strides = array<i32>} : memref<1x768xf32, #tpu.memory_space<vmem>>, vector<1x16xf32>,
      %get3A_518 = vector.shape_cast %get3A_517 : vector<1x16xf32> to vector<16xf32>
      %swap3A_519 = arith.constant 0 : i32
      %swap3A_520 = arith.index_cast %swap3A_519 : i32 to index
      %swap3A_521 = arith.constant 560 : index
      %swap3A_522 = tpu.vector_load %arg6[%swap3A_520, %swap3A_521] {strides = array<i32>} : memref<64x768xf32, #tpu.memory_space<vmem>>, vector<1x16xf32>,
      %swap3A_523 = vector.shape_cast %swap3A_522 : vector<1x16xf32> to vector<16xf32>
      %swap3A_524 = vector.shape_cast %get3A_518 : vector<16xf32> to vector<1x16xf32>
      tpu.vector_store %arg6[%swap3A_520, %swap3A_521], %swap3A_524 {strides = array<i32>} : memref<64x768xf32, #tpu.memory_space<vmem>>, vector<1x16xf32>,
      %get3A_525 = arith.constant 0 : i32
      %get3A_526 = arith.index_cast %get3A_525 : i32 to index
      %get3A_527 = arith.constant 576 : index
      %get3A_528 = tpu.vector_load %arg8[%get3A_526, %get3A_527] {strides = array<i32>} : memref<1x768xf32, #tpu.memory_space<vmem>>, vector<1x16xf32>,
      %get3A_529 = vector.shape_cast %get3A_528 : vector<1x16xf32> to vector<16xf32>
      %swap3A_530 = arith.constant 0 : i32
      %swap3A_531 = arith.index_cast %swap3A_530 : i32 to index
      %swap3A_532 = arith.constant 576 : index
      %swap3A_533 = tpu.vector_load %arg6[%swap3A_531, %swap3A_532] {strides = array<i32>} : memref<64x768xf32, #tpu.memory_space<vmem>>, vector<1x16xf32>,
      %swap3A_534 = vector.shape_cast %swap3A_533 : vector<1x16xf32> to vector<16xf32>
      %swap3A_535 = vector.shape_cast %get3A_529 : vector<16xf32> to vector<1x16xf32>
      tpu.vector_store %arg6[%swap3A_531, %swap3A_532], %swap3A_535 {strides = array<i32>} : memref<64x768xf32, #tpu.memory_space<vmem>>, vector<1x16xf32>,
      %get3A_536 = arith.constant 0 : i32
      %get3A_537 = arith.index_cast %get3A_536 : i32 to index
      %get3A_538 = arith.constant 592 : index
      %get3A_539 = tpu.vector_load %arg8[%get3A_537, %get3A_538] {strides = array<i32>} : memref<1x768xf32, #tpu.memory_space<vmem>>, vector<1x16xf32>,
      %get3A_540 = vector.shape_cast %get3A_539 : vector<1x16xf32> to vector<16xf32>
      %swap3A_541 = arith.constant 0 : i32
      %swap3A_542 = arith.index_cast %swap3A_541 : i32 to index
      %swap3A_543 = arith.constant 592 : index
      %swap3A_544 = tpu.vector_load %arg6[%swap3A_542, %swap3A_543] {strides = array<i32>} : memref<64x768xf32, #tpu.memory_space<vmem>>, vector<1x16xf32>,
      %swap3A_545 = vector.shape_cast %swap3A_544 : vector<1x16xf32> to vector<16xf32>
      %swap3A_546 = vector.shape_cast %get3A_540 : vector<16xf32> to vector<1x16xf32>
      tpu.vector_store %arg6[%swap3A_542, %swap3A_543], %swap3A_546 {strides = array<i32>} : memref<64x768xf32, #tpu.memory_space<vmem>>, vector<1x16xf32>,
      %get3A_547 = arith.constant 0 : i32
      %get3A_548 = arith.index_cast %get3A_547 : i32 to index
      %get3A_549 = arith.constant 608 : index
      %get3A_550 = tpu.vector_load %arg8[%get3A_548, %get3A_549] {strides = array<i32>} : memref<1x768xf32, #tpu.memory_space<vmem>>, vector<1x16xf32>,
      %get3A_551 = vector.shape_cast %get3A_550 : vector<1x16xf32> to vector<16xf32>
      %swap3A_552 = arith.constant 0 : i32
      %swap3A_553 = arith.index_cast %swap3A_552 : i32 to index
      %swap3A_554 = arith.constant 608 : index
      %swap3A_555 = tpu.vector_load %arg6[%swap3A_553, %swap3A_554] {strides = array<i32>} : memref<64x768xf32, #tpu.memory_space<vmem>>, vector<1x16xf32>,
      %swap3A_556 = vector.shape_cast %swap3A_555 : vector<1x16xf32> to vector<16xf32>
      %swap3A_557 = vector.shape_cast %get3A_551 : vector<16xf32> to vector<1x16xf32>
      tpu.vector_store %arg6[%swap3A_553, %swap3A_554], %swap3A_557 {strides = array<i32>} : memref<64x768xf32, #tpu.memory_space<vmem>>, vector<1x16xf32>,
      %get3A_558 = arith.constant 0 : i32
      %get3A_559 = arith.index_cast %get3A_558 : i32 to index
      %get3A_560 = arith.constant 624 : index
      %get3A_561 = tpu.vector_load %arg8[%get3A_559, %get3A_560] {strides = array<i32>} : memref<1x768xf32, #tpu.memory_space<vmem>>, vector<1x16xf32>,
      %get3A_562 = vector.shape_cast %get3A_561 : vector<1x16xf32> to vector<16xf32>
      %swap3A_563 = arith.constant 0 : i32
      %swap3A_564 = arith.index_cast %swap3A_563 : i32 to index
      %swap3A_565 = arith.constant 624 : index
      %swap3A_566 = tpu.vector_load %arg6[%swap3A_564, %swap3A_565] {strides = array<i32>} : memref<64x768xf32, #tpu.memory_space<vmem>>, vector<1x16xf32>,
      %swap3A_567 = vector.shape_cast %swap3A_566 : vector<1x16xf32> to vector<16xf32>
      %swap3A_568 = vector.shape_cast %get3A_562 : vector<16xf32> to vector<1x16xf32>
      tpu.vector_store %arg6[%swap3A_564, %swap3A_565], %swap3A_568 {strides = array<i32>} : memref<64x768xf32, #tpu.memory_space<vmem>>, vector<1x16xf32>,
      %get3A_569 = arith.constant 0 : i32
      %get3A_570 = arith.index_cast %get3A_569 : i32 to index
      %get3A_571 = arith.constant 640 : index
      %get3A_572 = tpu.vector_load %arg8[%get3A_570, %get3A_571] {strides = array<i32>} : memref<1x768xf32, #tpu.memory_space<vmem>>, vector<1x16xf32>,
      %get3A_573 = vector.shape_cast %get3A_572 : vector<1x16xf32> to vector<16xf32>
      %swap3A_574 = arith.constant 0 : i32
      %swap3A_575 = arith.index_cast %swap3A_574 : i32 to index
      %swap3A_576 = arith.constant 640 : index
      %swap3A_577 = tpu.vector_load %arg6[%swap3A_575, %swap3A_576] {strides = array<i32>} : memref<64x768xf32, #tpu.memory_space<vmem>>, vector<1x16xf32>,
      %swap3A_578 = vector.shape_cast %swap3A_577 : vector<1x16xf32> to vector<16xf32>
      %swap3A_579 = vector.shape_cast %get3A_573 : vector<16xf32> to vector<1x16xf32>
      tpu.vector_store %arg6[%swap3A_575, %swap3A_576], %swap3A_579 {strides = array<i32>} : memref<64x768xf32, #tpu.memory_space<vmem>>, vector<1x16xf32>,
      %get3A_580 = arith.constant 0 : i32
      %get3A_581 = arith.index_cast %get3A_580 : i32 to index
      %get3A_582 = arith.constant 656 : index
      %get3A_583 = tpu.vector_load %arg8[%get3A_581, %get3A_582] {strides = array<i32>} : memref<1x768xf32, #tpu.memory_space<vmem>>, vector<1x16xf32>,
      %get3A_584 = vector.shape_cast %get3A_583 : vector<1x16xf32> to vector<16xf32>
      %swap3A_585 = arith.constant 0 : i32
      %swap3A_586 = arith.index_cast %swap3A_585 : i32 to index
      %swap3A_587 = arith.constant 656 : index
      %swap3A_588 = tpu.vector_load %arg6[%swap3A_586, %swap3A_587] {strides = array<i32>} : memref<64x768xf32, #tpu.memory_space<vmem>>, vector<1x16xf32>,
      %swap3A_589 = vector.shape_cast %swap3A_588 : vector<1x16xf32> to vector<16xf32>
      %swap3A_590 = vector.shape_cast %get3A_584 : vector<16xf32> to vector<1x16xf32>
      tpu.vector_store %arg6[%swap3A_586, %swap3A_587], %swap3A_590 {strides = array<i32>} : memref<64x768xf32, #tpu.memory_space<vmem>>, vector<1x16xf32>,
      %get3A_591 = arith.constant 0 : i32
      %get3A_592 = arith.index_cast %get3A_591 : i32 to index
      %get3A_593 = arith.constant 672 : index
      %get3A_594 = tpu.vector_load %arg8[%get3A_592, %get3A_593] {strides = array<i32>} : memref<1x768xf32, #tpu.memory_space<vmem>>, vector<1x16xf32>,
      %get3A_595 = vector.shape_cast %get3A_594 : vector<1x16xf32> to vector<16xf32>
      %swap3A_596 = arith.constant 0 : i32
      %swap3A_597 = arith.index_cast %swap3A_596 : i32 to index
      %swap3A_598 = arith.constant 672 : index
      %swap3A_599 = tpu.vector_load %arg6[%swap3A_597, %swap3A_598] {strides = array<i32>} : memref<64x768xf32, #tpu.memory_space<vmem>>, vector<1x16xf32>,
      %swap3A_600 = vector.shape_cast %swap3A_599 : vector<1x16xf32> to vector<16xf32>
      %swap3A_601 = vector.shape_cast %get3A_595 : vector<16xf32> to vector<1x16xf32>
      tpu.vector_store %arg6[%swap3A_597, %swap3A_598], %swap3A_601 {strides = array<i32>} : memref<64x768xf32, #tpu.memory_space<vmem>>, vector<1x16xf32>,
      %get3A_602 = arith.constant 0 : i32
      %get3A_603 = arith.index_cast %get3A_602 : i32 to index
      %get3A_604 = arith.constant 688 : index
      %get3A_605 = tpu.vector_load %arg8[%get3A_603, %get3A_604] {strides = array<i32>} : memref<1x768xf32, #tpu.memory_space<vmem>>, vector<1x16xf32>,
      %get3A_606 = vector.shape_cast %get3A_605 : vector<1x16xf32> to vector<16xf32>
      %swap3A_607 = arith.constant 0 : i32
      %swap3A_608 = arith.index_cast %swap3A_607 : i32 to index
      %swap3A_609 = arith.constant 688 : index
      %swap3A_610 = tpu.vector_load %arg6[%swap3A_608, %swap3A_609] {strides = array<i32>} : memref<64x768xf32, #tpu.memory_space<vmem>>, vector<1x16xf32>,
      %swap3A_611 = vector.shape_cast %swap3A_610 : vector<1x16xf32> to vector<16xf32>
      %swap3A_612 = vector.shape_cast %get3A_606 : vector<16xf32> to vector<1x16xf32>
      tpu.vector_store %arg6[%swap3A_608, %swap3A_609], %swap3A_612 {strides = array<i32>} : memref<64x768xf32, #tpu.memory_space<vmem>>, vector<1x16xf32>,
      %get3A_613 = arith.constant 0 : i32
      %get3A_614 = arith.index_cast %get3A_613 : i32 to index
      %get3A_615 = arith.constant 704 : index
      %get3A_616 = tpu.vector_load %arg8[%get3A_614, %get3A_615] {strides = array<i32>} : memref<1x768xf32, #tpu.memory_space<vmem>>, vector<1x16xf32>,
      %get3A_617 = vector.shape_cast %get3A_616 : vector<1x16xf32> to vector<16xf32>
      %swap3A_618 = arith.constant 0 : i32
      %swap3A_619 = arith.index_cast %swap3A_618 : i32 to index
      %swap3A_620 = arith.constant 704 : index
      %swap3A_621 = tpu.vector_load %arg6[%swap3A_619, %swap3A_620] {strides = array<i32>} : memref<64x768xf32, #tpu.memory_space<vmem>>, vector<1x16xf32>,
      %swap3A_622 = vector.shape_cast %swap3A_621 : vector<1x16xf32> to vector<16xf32>
      %swap3A_623 = vector.shape_cast %get3A_617 : vector<16xf32> to vector<1x16xf32>
      tpu.vector_store %arg6[%swap3A_619, %swap3A_620], %swap3A_623 {strides = array<i32>} : memref<64x768xf32, #tpu.memory_space<vmem>>, vector<1x16xf32>,
      %get3A_624 = arith.constant 0 : i32
      %get3A_625 = arith.index_cast %get3A_624 : i32 to index
      %get3A_626 = arith.constant 720 : index
      %get3A_627 = tpu.vector_load %arg8[%get3A_625, %get3A_626] {strides = array<i32>} : memref<1x768xf32, #tpu.memory_space<vmem>>, vector<1x16xf32>,
      %get3A_628 = vector.shape_cast %get3A_627 : vector<1x16xf32> to vector<16xf32>
      %swap3A_629 = arith.constant 0 : i32
      %swap3A_630 = arith.index_cast %swap3A_629 : i32 to index
      %swap3A_631 = arith.constant 720 : index
      %swap3A_632 = tpu.vector_load %arg6[%swap3A_630, %swap3A_631] {strides = array<i32>} : memref<64x768xf32, #tpu.memory_space<vmem>>, vector<1x16xf32>,
      %swap3A_633 = vector.shape_cast %swap3A_632 : vector<1x16xf32> to vector<16xf32>
      %swap3A_634 = vector.shape_cast %get3A_628 : vector<16xf32> to vector<1x16xf32>
      tpu.vector_store %arg6[%swap3A_630, %swap3A_631], %swap3A_634 {strides = array<i32>} : memref<64x768xf32, #tpu.memory_space<vmem>>, vector<1x16xf32>,
      %get3A_635 = arith.constant 0 : i32
      %get3A_636 = arith.index_cast %get3A_635 : i32 to index
      %get3A_637 = arith.constant 736 : index
      %get3A_638 = tpu.vector_load %arg8[%get3A_636, %get3A_637] {strides = array<i32>} : memref<1x768xf32, #tpu.memory_space<vmem>>, vector<1x16xf32>,
      %get3A_639 = vector.shape_cast %get3A_638 : vector<1x16xf32> to vector<16xf32>
      %swap3A_640 = arith.constant 0 : i32
      %swap3A_641 = arith.index_cast %swap3A_640 : i32 to index
      %swap3A_642 = arith.constant 736 : index
      %swap3A_643 = tpu.vector_load %arg6[%swap3A_641, %swap3A_642] {strides = array<i32>} : memref<64x768xf32, #tpu.memory_space<vmem>>, vector<1x16xf32>,
      %swap3A_644 = vector.shape_cast %swap3A_643 : vector<1x16xf32> to vector<16xf32>
      %swap3A_645 = vector.shape_cast %get3A_639 : vector<16xf32> to vector<1x16xf32>
      tpu.vector_store %arg6[%swap3A_641, %swap3A_642], %swap3A_645 {strides = array<i32>} : memref<64x768xf32, #tpu.memory_space<vmem>>, vector<1x16xf32>,
      %get3A_646 = arith.constant 0 : i32
      %get3A_647 = arith.index_cast %get3A_646 : i32 to index
      %get3A_648 = arith.constant 752 : index
      %get3A_649 = tpu.vector_load %arg8[%get3A_647, %get3A_648] {strides = array<i32>} : memref<1x768xf32, #tpu.memory_space<vmem>>, vector<1x16xf32>,
      %get3A_650 = vector.shape_cast %get3A_649 : vector<1x16xf32> to vector<16xf32>
      %swap3A_651 = arith.constant 0 : i32
      %swap3A_652 = arith.index_cast %swap3A_651 : i32 to index
      %swap3A_653 = arith.constant 752 : index
      %swap3A_654 = tpu.vector_load %arg6[%swap3A_652, %swap3A_653] {strides = array<i32>} : memref<64x768xf32, #tpu.memory_space<vmem>>, vector<1x16xf32>,
      %swap3A_655 = vector.shape_cast %swap3A_654 : vector<1x16xf32> to vector<16xf32>
      %swap3A_656 = vector.shape_cast %get3A_650 : vector<16xf32> to vector<1x16xf32>
      tpu.vector_store %arg6[%swap3A_652, %swap3A_653], %swap3A_656 {strides = array<i32>} : memref<64x768xf32, #tpu.memory_space<vmem>>, vector<1x16xf32>,
      %dma_start3A_657 = arith.constant 0 : i32
      %dma_start3A_658 = arith.constant 0 : i32
      %dma_start3A_659 = tpu.memref_slice %arg5[%add3A_4, %dma_start3A_657, %dma_start3A_658] : memref<64x577x1536xf32, #tpu.memory_space<hbm>> -> memref<1x64x768xf32, #tpu.memory_space<hbm>>
      %dma_start3A_660 = tpu.memref_squeeze %dma_start3A_659 : memref<1x64x768xf32, #tpu.memory_space<hbm>> -> memref<64x768xf32, #tpu.memory_space<hbm>>
      %dma_start3A_661 = arith.constant 0 : i32
      %dma_start3A_662 = arith.constant 0 : i32
      %dma_start3A_663 = tpu.memref_slice %arg5[%add3A_4, %dma_start3A_661, %dma_start3A_662] : memref<64x577x1536xf32, #tpu.memory_space<hbm>> -> memref<1x64x768xf32, #tpu.memory_space<hbm>>
      %dma_start3A_664 = tpu.memref_squeeze %dma_start3A_663 : memref<1x64x768xf32, #tpu.memory_space<hbm>> -> memref<64x768xf32, #tpu.memory_space<hbm>>
      tpu.enqueue_dma source(%arg6 : memref<64x768xf32, #tpu.memory_space<vmem>>) target(%dma_start3A_664 : memref<64x768xf32, #tpu.memory_space<hbm>>) target_semaphore(%arg15 : memref<!tpu.dma_semaphore, #tpu.memory_space<semaphore_mem>>)
      %iota3A_665 = tpu.iota {dimensions = array<i32: 0>} : vector<16xi32>
      %add3A_666 = arith.constant 63 : i32
      %add3A_667 = vector.broadcast %add3A_666 : i32 to vector<16xi32>
      %add3A_668 = arith.addi %iota3A_665, %add3A_667 : vector<16xi32>
      %jit3A_669 = arith.constant 0 : i32
      %jit3A_670 = arith.constant 575 : i32
      %max3A_671 = vector.broadcast %jit3A_669 : i32 to vector<16xi32>
      %max3A_672 = arith.maxsi %max3A_671, %add3A_668 : vector<16xi32>
      %min3A_673 = vector.broadcast %jit3A_670 : i32 to vector<16xi32>
      %min3A_674 = arith.minsi %min3A_673, %max3A_672 : vector<16xi32>
      %add3A_675 = vector.broadcast %mul3A_17 : i32 to vector<16xi32>
      %add3A_676 = arith.addi %min3A_674, %add3A_675 : vector<16xi32>
      %swap3A_677 = arith.constant 0 : index
      %swap3A_678 = tpu.vector_load %arg11[%swap3A_677] {strides = array<i32>} : memref<64xi32, #tpu.memory_space<vmem>>, vector<16xi32>,
      %swap3A_679 = vector.shape_cast %swap3A_678 : vector<16xi32> to vector<16xi32>
      %swap3A_680 = vector.shape_cast %add3A_676 : vector<16xi32> to vector<16xi32>
      tpu.vector_store %arg11[%swap3A_677], %swap3A_680 {strides = array<i32>} : memref<64xi32, #tpu.memory_space<vmem>>, vector<16xi32>,
      %iota3A_681 = tpu.iota {dimensions = array<i32: 0>} : vector<16xi32>
      %add3A_682 = arith.constant 79 : i32
      %add3A_683 = vector.broadcast %add3A_682 : i32 to vector<16xi32>
      %add3A_684 = arith.addi %iota3A_681, %add3A_683 : vector<16xi32>
      %jit3A_685 = arith.constant 0 : i32
      %jit3A_686 = arith.constant 575 : i32
      %max3A_687 = vector.broadcast %jit3A_685 : i32 to vector<16xi32>
      %max3A_688 = arith.maxsi %max3A_687, %add3A_684 : vector<16xi32>
      %min3A_689 = vector.broadcast %jit3A_686 : i32 to vector<16xi32>
      %min3A_690 = arith.minsi %min3A_689, %max3A_688 : vector<16xi32>
      %add3A_691 = vector.broadcast %mul3A_17 : i32 to vector<16xi32>
      %add3A_692 = arith.addi %min3A_690, %add3A_691 : vector<16xi32>
      %swap3A_693 = arith.constant 16 : index
      %swap3A_694 = tpu.vector_load %arg11[%swap3A_693] {strides = array<i32>} : memref<64xi32, #tpu.memory_space<vmem>>, vector<16xi32>,
      %swap3A_695 = vector.shape_cast %swap3A_694 : vector<16xi32> to vector<16xi32>
      %swap3A_696 = vector.shape_cast %add3A_692 : vector<16xi32> to vector<16xi32>
      tpu.vector_store %arg11[%swap3A_693], %swap3A_696 {strides = array<i32>} : memref<64xi32, #tpu.memory_space<vmem>>, vector<16xi32>,
      %iota3A_697 = tpu.iota {dimensions = array<i32: 0>} : vector<16xi32>
      %add3A_698 = arith.constant 95 : i32
      %add3A_699 = vector.broadcast %add3A_698 : i32 to vector<16xi32>
      %add3A_700 = arith.addi %iota3A_697, %add3A_699 : vector<16xi32>
      %jit3A_701 = arith.constant 0 : i32
      %jit3A_702 = arith.constant 575 : i32
      %max3A_703 = vector.broadcast %jit3A_701 : i32 to vector<16xi32>
      %max3A_704 = arith.maxsi %max3A_703, %add3A_700 : vector<16xi32>
      %min3A_705 = vector.broadcast %jit3A_702 : i32 to vector<16xi32>
      %min3A_706 = arith.minsi %min3A_705, %max3A_704 : vector<16xi32>
      %add3A_707 = vector.broadcast %mul3A_17 : i32 to vector<16xi32>
      %add3A_708 = arith.addi %min3A_706, %add3A_707 : vector<16xi32>
      %swap3A_709 = arith.constant 32 : index
      %swap3A_710 = tpu.vector_load %arg11[%swap3A_709] {strides = array<i32>} : memref<64xi32, #tpu.memory_space<vmem>>, vector<16xi32>,
      %swap3A_711 = vector.shape_cast %swap3A_710 : vector<16xi32> to vector<16xi32>
      %swap3A_712 = vector.shape_cast %add3A_708 : vector<16xi32> to vector<16xi32>
      tpu.vector_store %arg11[%swap3A_709], %swap3A_712 {strides = array<i32>} : memref<64xi32, #tpu.memory_space<vmem>>, vector<16xi32>,
      %iota3A_713 = tpu.iota {dimensions = array<i32: 0>} : vector<16xi32>
      %add3A_714 = arith.constant 111 : i32
      %add3A_715 = vector.broadcast %add3A_714 : i32 to vector<16xi32>
      %add3A_716 = arith.addi %iota3A_713, %add3A_715 : vector<16xi32>
      %jit3A_717 = arith.constant 0 : i32
      %jit3A_718 = arith.constant 575 : i32
      %max3A_719 = vector.broadcast %jit3A_717 : i32 to vector<16xi32>
      %max3A_720 = arith.maxsi %max3A_719, %add3A_716 : vector<16xi32>
      %min3A_721 = vector.broadcast %jit3A_718 : i32 to vector<16xi32>
      %min3A_722 = arith.minsi %min3A_721, %max3A_720 : vector<16xi32>
      %add3A_723 = vector.broadcast %mul3A_17 : i32 to vector<16xi32>
      %add3A_724 = arith.addi %min3A_722, %add3A_723 : vector<16xi32>
      %swap3A_725 = arith.constant 48 : index
      %swap3A_726 = tpu.vector_load %arg11[%swap3A_725] {strides = array<i32>} : memref<64xi32, #tpu.memory_space<vmem>>, vector<16xi32>,
      %swap3A_727 = vector.shape_cast %swap3A_726 : vector<16xi32> to vector<16xi32>
      %swap3A_728 = vector.shape_cast %add3A_724 : vector<16xi32> to vector<16xi32>
      tpu.vector_store %arg11[%swap3A_725], %swap3A_728 {strides = array<i32>} : memref<64xi32, #tpu.memory_space<vmem>>, vector<16xi32>,
      %dma_start3A_729 = arith.constant 0 : i32
      %dma_start3A_730 = tpu.memref_slice %arg2[%add3A_35, %dma_start3A_729] : memref<36864x768xf32, #tpu.memory_space<hbm>> -> memref<64x768xf32, #tpu.memory_space<hbm>>
      %dma_start3A_731 = arith.constant 0 : i32
      %dma_start3A_732 = tpu.memref_slice %arg2[%add3A_35, %dma_start3A_731] : memref<36864x768xf32, #tpu.memory_space<hbm>> -> memref<64x768xf32, #tpu.memory_space<hbm>>
      tpu.enqueue_dma source(%dma_start3A_732 : memref<64x768xf32, #tpu.memory_space<hbm>>) target(%arg7 : memref<64x768xf32, #tpu.memory_space<vmem>>) target_semaphore(%arg14 : memref<!tpu.dma_semaphore, #tpu.memory_space<semaphore_mem>>)
      %dma_wait3A_733 = arith.constant 0 : i32
      %dma_wait3A_734 = tpu.memref_slice %arg2[%add3A_35, %dma_wait3A_733] : memref<36864x768xf32, #tpu.memory_space<hbm>> -> memref<64x768xf32, #tpu.memory_space<hbm>>
      %dma_wait3A_735 = arith.constant 0 : i32
      %dma_wait3A_736 = tpu.memref_slice %arg2[%add3A_35, %dma_wait3A_735] : memref<36864x768xf32, #tpu.memory_space<hbm>> -> memref<64x768xf32, #tpu.memory_space<hbm>>
      tpu.wait_dma2 semaphore(%arg14 : memref<!tpu.dma_semaphore, #tpu.memory_space<semaphore_mem>>) src(%dma_wait3A_736 : memref<64x768xf32, #tpu.memory_space<hbm>>) dst(%arg7 : memref<64x768xf32, #tpu.memory_space<vmem>>)
      %dma_start3A_737 = arith.constant 64 : i32
      %dma_start3A_738 = arith.constant 0 : i32
      %dma_start3A_739 = tpu.memref_slice %arg5[%add3A_4, %dma_start3A_737, %dma_start3A_738] : memref<64x577x1536xf32, #tpu.memory_space<hbm>> -> memref<1x64x768xf32, #tpu.memory_space<hbm>>
      %dma_start3A_740 = tpu.memref_squeeze %dma_start3A_739 : memref<1x64x768xf32, #tpu.memory_space<hbm>> -> memref<64x768xf32, #tpu.memory_space<hbm>>
      %dma_start3A_741 = arith.constant 64 : i32
      %dma_start3A_742 = arith.constant 0 : i32
      %dma_start3A_743 = tpu.memref_slice %arg5[%add3A_4, %dma_start3A_741, %dma_start3A_742] : memref<64x577x1536xf32, #tpu.memory_space<hbm>> -> memref<1x64x768xf32, #tpu.memory_space<hbm>>
      %dma_start3A_744 = tpu.memref_squeeze %dma_start3A_743 : memref<1x64x768xf32, #tpu.memory_space<hbm>> -> memref<64x768xf32, #tpu.memory_space<hbm>>
      tpu.enqueue_dma source(%arg7 : memref<64x768xf32, #tpu.memory_space<vmem>>) target(%dma_start3A_744 : memref<64x768xf32, #tpu.memory_space<hbm>>) target_semaphore(%arg16 : memref<!tpu.dma_semaphore, #tpu.memory_space<semaphore_mem>>)
      %dma_wait3A_745 = arith.constant 0 : i32
      %dma_wait3A_746 = arith.constant 0 : i32
      %dma_wait3A_747 = tpu.memref_slice %arg5[%add3A_4, %dma_wait3A_745, %dma_wait3A_746] : memref<64x577x1536xf32, #tpu.memory_space<hbm>> -> memref<1x64x768xf32, #tpu.memory_space<hbm>>
      %dma_wait3A_748 = tpu.memref_squeeze %dma_wait3A_747 : memref<1x64x768xf32, #tpu.memory_space<hbm>> -> memref<64x768xf32, #tpu.memory_space<hbm>>
      %dma_wait3A_749 = arith.constant 0 : i32
      %dma_wait3A_750 = arith.constant 0 : i32
      %dma_wait3A_751 = tpu.memref_slice %arg5[%add3A_4, %dma_wait3A_749, %dma_wait3A_750] : memref<64x577x1536xf32, #tpu.memory_space<hbm>> -> memref<1x64x768xf32, #tpu.memory_space<hbm>>
      %dma_wait3A_752 = tpu.memref_squeeze %dma_wait3A_751 : memref<1x64x768xf32, #tpu.memory_space<hbm>> -> memref<64x768xf32, #tpu.memory_space<hbm>>
      tpu.wait_dma2 semaphore(%arg15 : memref<!tpu.dma_semaphore, #tpu.memory_space<semaphore_mem>>) src(%arg6 : memref<64x768xf32, #tpu.memory_space<vmem>>) dst(%dma_wait3A_752 : memref<64x768xf32, #tpu.memory_space<hbm>>)
      %iota3A_753 = tpu.iota {dimensions = array<i32: 0>} : vector<16xi32>
      %add3A_754 = arith.constant 127 : i32
      %add3A_755 = vector.broadcast %add3A_754 : i32 to vector<16xi32>
      %add3A_756 = arith.addi %iota3A_753, %add3A_755 : vector<16xi32>
      %jit3A_757 = arith.constant 0 : i32
      %jit3A_758 = arith.constant 575 : i32
      %max3A_759 = vector.broadcast %jit3A_757 : i32 to vector<16xi32>
      %max3A_760 = arith.maxsi %max3A_759, %add3A_756 : vector<16xi32>
      %min3A_761 = vector.broadcast %jit3A_758 : i32 to vector<16xi32>
      %min3A_762 = arith.minsi %min3A_761, %max3A_760 : vector<16xi32>
      %add3A_763 = vector.broadcast %mul3A_17 : i32 to vector<16xi32>
      %add3A_764 = arith.addi %min3A_762, %add3A_763 : vector<16xi32>
      %swap3A_765 = arith.constant 0 : index
      %swap3A_766 = tpu.vector_load %arg10[%swap3A_765] {strides = array<i32>} : memref<64xi32, #tpu.memory_space<vmem>>, vector<16xi32>,
      %swap3A_767 = vector.shape_cast %swap3A_766 : vector<16xi32> to vector<16xi32>
      %swap3A_768 = vector.shape_cast %add3A_764 : vector<16xi32> to vector<16xi32>
      tpu.vector_store %arg10[%swap3A_765], %swap3A_768 {strides = array<i32>} : memref<64xi32, #tpu.memory_space<vmem>>, vector<16xi32>,
      %iota3A_769 = tpu.iota {dimensions = array<i32: 0>} : vector<16xi32>
      %add3A_770 = arith.constant 143 : i32
      %add3A_771 = vector.broadcast %add3A_770 : i32 to vector<16xi32>
      %add3A_772 = arith.addi %iota3A_769, %add3A_771 : vector<16xi32>
      %jit3A_773 = arith.constant 0 : i32
      %jit3A_774 = arith.constant 575 : i32
      %max3A_775 = vector.broadcast %jit3A_773 : i32 to vector<16xi32>
      %max3A_776 = arith.maxsi %max3A_775, %add3A_772 : vector<16xi32>
      %min3A_777 = vector.broadcast %jit3A_774 : i32 to vector<16xi32>
      %min3A_778 = arith.minsi %min3A_777, %max3A_776 : vector<16xi32>
      %add3A_779 = vector.broadcast %mul3A_17 : i32 to vector<16xi32>
      %add3A_780 = arith.addi %min3A_778, %add3A_779 : vector<16xi32>
      %swap3A_781 = arith.constant 16 : index
      %swap3A_782 = tpu.vector_load %arg10[%swap3A_781] {strides = array<i32>} : memref<64xi32, #tpu.memory_space<vmem>>, vector<16xi32>,
      %swap3A_783 = vector.shape_cast %swap3A_782 : vector<16xi32> to vector<16xi32>
      %swap3A_784 = vector.shape_cast %add3A_780 : vector<16xi32> to vector<16xi32>
      tpu.vector_store %arg10[%swap3A_781], %swap3A_784 {strides = array<i32>} : memref<64xi32, #tpu.memory_space<vmem>>, vector<16xi32>,
      %iota3A_785 = tpu.iota {dimensions = array<i32: 0>} : vector<16xi32>
      %add3A_786 = arith.constant 159 : i32
      %add3A_787 = vector.broadcast %add3A_786 : i32 to vector<16xi32>
      %add3A_788 = arith.addi %iota3A_785, %add3A_787 : vector<16xi32>
      %jit3A_789 = arith.constant 0 : i32
      %jit3A_790 = arith.constant 575 : i32
      %max3A_791 = vector.broadcast %jit3A_789 : i32 to vector<16xi32>
      %max3A_792 = arith.maxsi %max3A_791, %add3A_788 : vector<16xi32>
      %min3A_793 = vector.broadcast %jit3A_790 : i32 to vector<16xi32>
      %min3A_794 = arith.minsi %min3A_793, %max3A_792 : vector<16xi32>
      %add3A_795 = vector.broadcast %mul3A_17 : i32 to vector<16xi32>
      %add3A_796 = arith.addi %min3A_794, %add3A_795 : vector<16xi32>
      %swap3A_797 = arith.constant 32 : index
      %swap3A_798 = tpu.vector_load %arg10[%swap3A_797] {strides = array<i32>} : memref<64xi32, #tpu.memory_space<vmem>>, vector<16xi32>,
      %swap3A_799 = vector.shape_cast %swap3A_798 : vector<16xi32> to vector<16xi32>
      %swap3A_800 = vector.shape_cast %add3A_796 : vector<16xi32> to vector<16xi32>
      tpu.vector_store %arg10[%swap3A_797], %swap3A_800 {strides = array<i32>} : memref<64xi32, #tpu.memory_space<vmem>>, vector<16xi32>,
      %iota3A_801 = tpu.iota {dimensions = array<i32: 0>} : vector<16xi32>
      %add3A_802 = arith.constant 175 : i32
      %add3A_803 = vector.broadcast %add3A_802 : i32 to vector<16xi32>
      %add3A_804 = arith.addi %iota3A_801, %add3A_803 : vector<16xi32>
      %jit3A_805 = arith.constant 0 : i32
      %jit3A_806 = arith.constant 575 : i32
      %max3A_807 = vector.broadcast %jit3A_805 : i32 to vector<16xi32>
      %max3A_808 = arith.maxsi %max3A_807, %add3A_804 : vector<16xi32>
      %min3A_809 = vector.broadcast %jit3A_806 : i32 to vector<16xi32>
      %min3A_810 = arith.minsi %min3A_809, %max3A_808 : vector<16xi32>
      %add3A_811 = vector.broadcast %mul3A_17 : i32 to vector<16xi32>
      %add3A_812 = arith.addi %min3A_810, %add3A_811 : vector<16xi32>
      %swap3A_813 = arith.constant 48 : index
      %swap3A_814 = tpu.vector_load %arg10[%swap3A_813] {strides = array<i32>} : memref<64xi32, #tpu.memory_space<vmem>>, vector<16xi32>,
      %swap3A_815 = vector.shape_cast %swap3A_814 : vector<16xi32> to vector<16xi32>
      %swap3A_816 = vector.shape_cast %add3A_812 : vector<16xi32> to vector<16xi32>
      tpu.vector_store %arg10[%swap3A_813], %swap3A_816 {strides = array<i32>} : memref<64xi32, #tpu.memory_space<vmem>>, vector<16xi32>,
      %dma_start3A_817 = arith.constant 0 : i32
      %dma_start3A_818 = tpu.memref_slice %arg2[%add3A_37, %dma_start3A_817] : memref<36864x768xf32, #tpu.memory_space<hbm>> -> memref<64x768xf32, #tpu.memory_space<hbm>>
      %dma_start3A_819 = arith.constant 0 : i32
      %dma_start3A_820 = tpu.memref_slice %arg2[%add3A_37, %dma_start3A_819] : memref<36864x768xf32, #tpu.memory_space<hbm>> -> memref<64x768xf32, #tpu.memory_space<hbm>>
      tpu.enqueue_dma source(%dma_start3A_820 : memref<64x768xf32, #tpu.memory_space<hbm>>) target(%arg6 : memref<64x768xf32, #tpu.memory_space<vmem>>) target_semaphore(%arg13 : memref<!tpu.dma_semaphore, #tpu.memory_space<semaphore_mem>>)
      %dma_wait3A_821 = arith.constant 0 : i32
      %dma_wait3A_822 = tpu.memref_slice %arg2[%add3A_37, %dma_wait3A_821] : memref<36864x768xf32, #tpu.memory_space<hbm>> -> memref<64x768xf32, #tpu.memory_space<hbm>>
      %dma_wait3A_823 = arith.constant 0 : i32
      %dma_wait3A_824 = tpu.memref_slice %arg2[%add3A_37, %dma_wait3A_823] : memref<36864x768xf32, #tpu.memory_space<hbm>> -> memref<64x768xf32, #tpu.memory_space<hbm>>
      tpu.wait_dma2 semaphore(%arg13 : memref<!tpu.dma_semaphore, #tpu.memory_space<semaphore_mem>>) src(%dma_wait3A_824 : memref<64x768xf32, #tpu.memory_space<hbm>>) dst(%arg6 : memref<64x768xf32, #tpu.memory_space<vmem>>)
      %dma_start3A_825 = arith.constant 128 : i32
      %dma_start3A_826 = arith.constant 0 : i32
      %dma_start3A_827 = tpu.memref_slice %arg5[%add3A_4, %dma_start3A_825, %dma_start3A_826] : memref<64x577x1536xf32, #tpu.memory_space<hbm>> -> memref<1x64x768xf32, #tpu.memory_space<hbm>>
      %dma_start3A_828 = tpu.memref_squeeze %dma_start3A_827 : memref<1x64x768xf32, #tpu.memory_space<hbm>> -> memref<64x768xf32, #tpu.memory_space<hbm>>
      %dma_start3A_829 = arith.constant 128 : i32
      %dma_start3A_830 = arith.constant 0 : i32
      %dma_start3A_831 = tpu.memref_slice %arg5[%add3A_4, %dma_start3A_829, %dma_start3A_830] : memref<64x577x1536xf32, #tpu.memory_space<hbm>> -> memref<1x64x768xf32, #tpu.memory_space<hbm>>
      %dma_start3A_832 = tpu.memref_squeeze %dma_start3A_831 : memref<1x64x768xf32, #tpu.memory_space<hbm>> -> memref<64x768xf32, #tpu.memory_space<hbm>>
      tpu.enqueue_dma source(%arg6 : memref<64x768xf32, #tpu.memory_space<vmem>>) target(%dma_start3A_832 : memref<64x768xf32, #tpu.memory_space<hbm>>) target_semaphore(%arg15 : memref<!tpu.dma_semaphore, #tpu.memory_space<semaphore_mem>>)
      %dma_wait3A_833 = arith.constant 64 : i32
      %dma_wait3A_834 = arith.constant 0 : i32
      %dma_wait3A_835 = tpu.memref_slice %arg5[%add3A_4, %dma_wait3A_833, %dma_wait3A_834] : memref<64x577x1536xf32, #tpu.memory_space<hbm>> -> memref<1x64x768xf32, #tpu.memory_space<hbm>>
      %dma_wait3A_836 = tpu.memref_squeeze %dma_wait3A_835 : memref<1x64x768xf32, #tpu.memory_space<hbm>> -> memref<64x768xf32, #tpu.memory_space<hbm>>
      %dma_wait3A_837 = arith.constant 64 : i32
      %dma_wait3A_838 = arith.constant 0 : i32
      %dma_wait3A_839 = tpu.memref_slice %arg5[%add3A_4, %dma_wait3A_837, %dma_wait3A_838] : memref<64x577x1536xf32, #tpu.memory_space<hbm>> -> memref<1x64x768xf32, #tpu.memory_space<hbm>>
      %dma_wait3A_840 = tpu.memref_squeeze %dma_wait3A_839 : memref<1x64x768xf32, #tpu.memory_space<hbm>> -> memref<64x768xf32, #tpu.memory_space<hbm>>
      tpu.wait_dma2 semaphore(%arg16 : memref<!tpu.dma_semaphore, #tpu.memory_space<semaphore_mem>>) src(%arg7 : memref<64x768xf32, #tpu.memory_space<vmem>>) dst(%dma_wait3A_840 : memref<64x768xf32, #tpu.memory_space<hbm>>)
      %iota3A_841 = tpu.iota {dimensions = array<i32: 0>} : vector<16xi32>
      %add3A_842 = arith.constant 191 : i32
      %add3A_843 = vector.broadcast %add3A_842 : i32 to vector<16xi32>
      %add3A_844 = arith.addi %iota3A_841, %add3A_843 : vector<16xi32>
      %jit3A_845 = arith.constant 0 : i32
      %jit3A_846 = arith.constant 575 : i32
      %max3A_847 = vector.broadcast %jit3A_845 : i32 to vector<16xi32>
      %max3A_848 = arith.maxsi %max3A_847, %add3A_844 : vector<16xi32>
      %min3A_849 = vector.broadcast %jit3A_846 : i32 to vector<16xi32>
      %min3A_850 = arith.minsi %min3A_849, %max3A_848 : vector<16xi32>
      %add3A_851 = vector.broadcast %mul3A_17 : i32 to vector<16xi32>
      %add3A_852 = arith.addi %min3A_850, %add3A_851 : vector<16xi32>
      %swap3A_853 = arith.constant 0 : index
      %swap3A_854 = tpu.vector_load %arg11[%swap3A_853] {strides = array<i32>} : memref<64xi32, #tpu.memory_space<vmem>>, vector<16xi32>,
      %swap3A_855 = vector.shape_cast %swap3A_854 : vector<16xi32> to vector<16xi32>
      %swap3A_856 = vector.shape_cast %add3A_852 : vector<16xi32> to vector<16xi32>
      tpu.vector_store %arg11[%swap3A_853], %swap3A_856 {strides = array<i32>} : memref<64xi32, #tpu.memory_space<vmem>>, vector<16xi32>,
      %iota3A_857 = tpu.iota {dimensions = array<i32: 0>} : vector<16xi32>
      %add3A_858 = arith.constant 207 : i32
      %add3A_859 = vector.broadcast %add3A_858 : i32 to vector<16xi32>
      %add3A_860 = arith.addi %iota3A_857, %add3A_859 : vector<16xi32>
      %jit3A_861 = arith.constant 0 : i32
      %jit3A_862 = arith.constant 575 : i32
      %max3A_863 = vector.broadcast %jit3A_861 : i32 to vector<16xi32>
      %max3A_864 = arith.maxsi %max3A_863, %add3A_860 : vector<16xi32>
      %min3A_865 = vector.broadcast %jit3A_862 : i32 to vector<16xi32>
      %min3A_866 = arith.minsi %min3A_865, %max3A_864 : vector<16xi32>
      %add3A_867 = vector.broadcast %mul3A_17 : i32 to vector<16xi32>
      %add3A_868 = arith.addi %min3A_866, %add3A_867 : vector<16xi32>
      %swap3A_869 = arith.constant 16 : index
      %swap3A_870 = tpu.vector_load %arg11[%swap3A_869] {strides = array<i32>} : memref<64xi32, #tpu.memory_space<vmem>>, vector<16xi32>,
      %swap3A_871 = vector.shape_cast %swap3A_870 : vector<16xi32> to vector<16xi32>
      %swap3A_872 = vector.shape_cast %add3A_868 : vector<16xi32> to vector<16xi32>
      tpu.vector_store %arg11[%swap3A_869], %swap3A_872 {strides = array<i32>} : memref<64xi32, #tpu.memory_space<vmem>>, vector<16xi32>,
      %iota3A_873 = tpu.iota {dimensions = array<i32: 0>} : vector<16xi32>
      %add3A_874 = arith.constant 223 : i32
      %add3A_875 = vector.broadcast %add3A_874 : i32 to vector<16xi32>
      %add3A_876 = arith.addi %iota3A_873, %add3A_875 : vector<16xi32>
      %jit3A_877 = arith.constant 0 : i32
      %jit3A_878 = arith.constant 575 : i32
      %max3A_879 = vector.broadcast %jit3A_877 : i32 to vector<16xi32>
      %max3A_880 = arith.maxsi %max3A_879, %add3A_876 : vector<16xi32>
      %min3A_881 = vector.broadcast %jit3A_878 : i32 to vector<16xi32>
      %min3A_882 = arith.minsi %min3A_881, %max3A_880 : vector<16xi32>
      %add3A_883 = vector.broadcast %mul3A_17 : i32 to vector<16xi32>
      %add3A_884 = arith.addi %min3A_882, %add3A_883 : vector<16xi32>
      %swap3A_885 = arith.constant 32 : index
      %swap3A_886 = tpu.vector_load %arg11[%swap3A_885] {strides = array<i32>} : memref<64xi32, #tpu.memory_space<vmem>>, vector<16xi32>,
      %swap3A_887 = vector.shape_cast %swap3A_886 : vector<16xi32> to vector<16xi32>
      %swap3A_888 = vector.shape_cast %add3A_884 : vector<16xi32> to vector<16xi32>
      tpu.vector_store %arg11[%swap3A_885], %swap3A_888 {strides = array<i32>} : memref<64xi32, #tpu.memory_space<vmem>>, vector<16xi32>,
      %iota3A_889 = tpu.iota {dimensions = array<i32: 0>} : vector<16xi32>
      %add3A_890 = arith.constant 239 : i32
      %add3A_891 = vector.broadcast %add3A_890 : i32 to vector<16xi32>
      %add3A_892 = arith.addi %iota3A_889, %add3A_891 : vector<16xi32>
      %jit3A_893 = arith.constant 0 : i32
      %jit3A_894 = arith.constant 575 : i32
      %max3A_895 = vector.broadcast %jit3A_893 : i32 to vector<16xi32>
      %max3A_896 = arith.maxsi %max3A_895, %add3A_892 : vector<16xi32>
      %min3A_897 = vector.broadcast %jit3A_894 : i32 to vector<16xi32>
      %min3A_898 = arith.minsi %min3A_897, %max3A_896 : vector<16xi32>
      %add3A_899 = vector.broadcast %mul3A_17 : i32 to vector<16xi32>
      %add3A_900 = arith.addi %min3A_898, %add3A_899 : vector<16xi32>
      %swap3A_901 = arith.constant 48 : index
      %swap3A_902 = tpu.vector_load %arg11[%swap3A_901] {strides = array<i32>} : memref<64xi32, #tpu.memory_space<vmem>>, vector<16xi32>,
      %swap3A_903 = vector.shape_cast %swap3A_902 : vector<16xi32> to vector<16xi32>
      %swap3A_904 = vector.shape_cast %add3A_900 : vector<16xi32> to vector<16xi32>
      tpu.vector_store %arg11[%swap3A_901], %swap3A_904 {strides = array<i32>} : memref<64xi32, #tpu.memory_space<vmem>>, vector<16xi32>,
      %dma_start3A_905 = arith.constant 0 : i32
      %dma_start3A_906 = tpu.memref_slice %arg2[%add3A_39, %dma_start3A_905] : memref<36864x768xf32, #tpu.memory_space<hbm>> -> memref<64x768xf32, #tpu.memory_space<hbm>>
      %dma_start3A_907 = arith.constant 0 : i32
      %dma_start3A_908 = tpu.memref_slice %arg2[%add3A_39, %dma_start3A_907] : memref<36864x768xf32, #tpu.memory_space<hbm>> -> memref<64x768xf32, #tpu.memory_space<hbm>>
      tpu.enqueue_dma source(%dma_start3A_908 : memref<64x768xf32, #tpu.memory_space<hbm>>) target(%arg7 : memref<64x768xf32, #tpu.memory_space<vmem>>) target_semaphore(%arg14 : memref<!tpu.dma_semaphore, #tpu.memory_space<semaphore_mem>>)
      %dma_wait3A_909 = arith.constant 0 : i32
      %dma_wait3A_910 = tpu.memref_slice %arg2[%add3A_39, %dma_wait3A_909] : memref<36864x768xf32, #tpu.memory_space<hbm>> -> memref<64x768xf32, #tpu.memory_space<hbm>>
      %dma_wait3A_911 = arith.constant 0 : i32
      %dma_wait3A_912 = tpu.memref_slice %arg2[%add3A_39, %dma_wait3A_911] : memref<36864x768xf32, #tpu.memory_space<hbm>> -> memref<64x768xf32, #tpu.memory_space<hbm>>
      tpu.wait_dma2 semaphore(%arg14 : memref<!tpu.dma_semaphore, #tpu.memory_space<semaphore_mem>>) src(%dma_wait3A_912 : memref<64x768xf32, #tpu.memory_space<hbm>>) dst(%arg7 : memref<64x768xf32, #tpu.memory_space<vmem>>)
      %dma_start3A_913 = arith.constant 192 : i32
      %dma_start3A_914 = arith.constant 0 : i32
      %dma_start3A_915 = tpu.memref_slice %arg5[%add3A_4, %dma_start3A_913, %dma_start3A_914] : memref<64x577x1536xf32, #tpu.memory_space<hbm>> -> memref<1x64x768xf32, #tpu.memory_space<hbm>>
      %dma_start3A_916 = tpu.memref_squeeze %dma_start3A_915 : memref<1x64x768xf32, #tpu.memory_space<hbm>> -> memref<64x768xf32, #tpu.memory_space<hbm>>
      %dma_start3A_917 = arith.constant 192 : i32
      %dma_start3A_918 = arith.constant 0 : i32
      %dma_start3A_919 = tpu.memref_slice %arg5[%add3A_4, %dma_start3A_917, %dma_start3A_918] : memref<64x577x1536xf32, #tpu.memory_space<hbm>> -> memref<1x64x768xf32, #tpu.memory_space<hbm>>
      %dma_start3A_920 = tpu.memref_squeeze %dma_start3A_919 : memref<1x64x768xf32, #tpu.memory_space<hbm>> -> memref<64x768xf32, #tpu.memory_space<hbm>>
      tpu.enqueue_dma source(%arg7 : memref<64x768xf32, #tpu.memory_space<vmem>>) target(%dma_start3A_920 : memref<64x768xf32, #tpu.memory_space<hbm>>) target_semaphore(%arg16 : memref<!tpu.dma_semaphore, #tpu.memory_space<semaphore_mem>>)
      %dma_wait3A_921 = arith.constant 128 : i32
      %dma_wait3A_922 = arith.constant 0 : i32
      %dma_wait3A_923 = tpu.memref_slice %arg5[%add3A_4, %dma_wait3A_921, %dma_wait3A_922] : memref<64x577x1536xf32, #tpu.memory_space<hbm>> -> memref<1x64x768xf32, #tpu.memory_space<hbm>>
      %dma_wait3A_924 = tpu.memref_squeeze %dma_wait3A_923 : memref<1x64x768xf32, #tpu.memory_space<hbm>> -> memref<64x768xf32, #tpu.memory_space<hbm>>
      %dma_wait3A_925 = arith.constant 128 : i32
      %dma_wait3A_926 = arith.constant 0 : i32
      %dma_wait3A_927 = tpu.memref_slice %arg5[%add3A_4, %dma_wait3A_925, %dma_wait3A_926] : memref<64x577x1536xf32, #tpu.memory_space<hbm>> -> memref<1x64x768xf32, #tpu.memory_space<hbm>>
      %dma_wait3A_928 = tpu.memref_squeeze %dma_wait3A_927 : memref<1x64x768xf32, #tpu.memory_space<hbm>> -> memref<64x768xf32, #tpu.memory_space<hbm>>
      tpu.wait_dma2 semaphore(%arg15 : memref<!tpu.dma_semaphore, #tpu.memory_space<semaphore_mem>>) src(%arg6 : memref<64x768xf32, #tpu.memory_space<vmem>>) dst(%dma_wait3A_928 : memref<64x768xf32, #tpu.memory_space<hbm>>)
      %iota3A_929 = tpu.iota {dimensions = array<i32: 0>} : vector<16xi32>
      %add3A_930 = arith.constant 255 : i32
      %add3A_931 = vector.broadcast %add3A_930 : i32 to vector<16xi32>
      %add3A_932 = arith.addi %iota3A_929, %add3A_931 : vector<16xi32>
      %jit3A_933 = arith.constant 0 : i32
      %jit3A_934 = arith.constant 575 : i32
      %max3A_935 = vector.broadcast %jit3A_933 : i32 to vector<16xi32>
      %max3A_936 = arith.maxsi %max3A_935, %add3A_932 : vector<16xi32>
      %min3A_937 = vector.broadcast %jit3A_934 : i32 to vector<16xi32>
      %min3A_938 = arith.minsi %min3A_937, %max3A_936 : vector<16xi32>
      %add3A_939 = vector.broadcast %mul3A_17 : i32 to vector<16xi32>
      %add3A_940 = arith.addi %min3A_938, %add3A_939 : vector<16xi32>
      %swap3A_941 = arith.constant 0 : index
      %swap3A_942 = tpu.vector_load %arg10[%swap3A_941] {strides = array<i32>} : memref<64xi32, #tpu.memory_space<vmem>>, vector<16xi32>,
      %swap3A_943 = vector.shape_cast %swap3A_942 : vector<16xi32> to vector<16xi32>
      %swap3A_944 = vector.shape_cast %add3A_940 : vector<16xi32> to vector<16xi32>
      tpu.vector_store %arg10[%swap3A_941], %swap3A_944 {strides = array<i32>} : memref<64xi32, #tpu.memory_space<vmem>>, vector<16xi32>,
      %iota3A_945 = tpu.iota {dimensions = array<i32: 0>} : vector<16xi32>
      %add3A_946 = arith.constant 271 : i32
      %add3A_947 = vector.broadcast %add3A_946 : i32 to vector<16xi32>
      %add3A_948 = arith.addi %iota3A_945, %add3A_947 : vector<16xi32>
      %jit3A_949 = arith.constant 0 : i32
      %jit3A_950 = arith.constant 575 : i32
      %max3A_951 = vector.broadcast %jit3A_949 : i32 to vector<16xi32>
      %max3A_952 = arith.maxsi %max3A_951, %add3A_948 : vector<16xi32>
      %min3A_953 = vector.broadcast %jit3A_950 : i32 to vector<16xi32>
      %min3A_954 = arith.minsi %min3A_953, %max3A_952 : vector<16xi32>
      %add3A_955 = vector.broadcast %mul3A_17 : i32 to vector<16xi32>
      %add3A_956 = arith.addi %min3A_954, %add3A_955 : vector<16xi32>
      %swap3A_957 = arith.constant 16 : index
      %swap3A_958 = tpu.vector_load %arg10[%swap3A_957] {strides = array<i32>} : memref<64xi32, #tpu.memory_space<vmem>>, vector<16xi32>,
      %swap3A_959 = vector.shape_cast %swap3A_958 : vector<16xi32> to vector<16xi32>
      %swap3A_960 = vector.shape_cast %add3A_956 : vector<16xi32> to vector<16xi32>
      tpu.vector_store %arg10[%swap3A_957], %swap3A_960 {strides = array<i32>} : memref<64xi32, #tpu.memory_space<vmem>>, vector<16xi32>,
      %iota3A_961 = tpu.iota {dimensions = array<i32: 0>} : vector<16xi32>
      %add3A_962 = arith.constant 287 : i32
      %add3A_963 = vector.broadcast %add3A_962 : i32 to vector<16xi32>
      %add3A_964 = arith.addi %iota3A_961, %add3A_963 : vector<16xi32>
      %jit3A_965 = arith.constant 0 : i32
      %jit3A_966 = arith.constant 575 : i32
      %max3A_967 = vector.broadcast %jit3A_965 : i32 to vector<16xi32>
      %max3A_968 = arith.maxsi %max3A_967, %add3A_964 : vector<16xi32>
      %min3A_969 = vector.broadcast %jit3A_966 : i32 to vector<16xi32>
      %min3A_970 = arith.minsi %min3A_969, %max3A_968 : vector<16xi32>
      %add3A_971 = vector.broadcast %mul3A_17 : i32 to vector<16xi32>
      %add3A_972 = arith.addi %min3A_970, %add3A_971 : vector<16xi32>
      %swap3A_973 = arith.constant 32 : index
      %swap3A_974 = tpu.vector_load %arg10[%swap3A_973] {strides = array<i32>} : memref<64xi32, #tpu.memory_space<vmem>>, vector<16xi32>,
      %swap3A_975 = vector.shape_cast %swap3A_974 : vector<16xi32> to vector<16xi32>
      %swap3A_976 = vector.shape_cast %add3A_972 : vector<16xi32> to vector<16xi32>
      tpu.vector_store %arg10[%swap3A_973], %swap3A_976 {strides = array<i32>} : memref<64xi32, #tpu.memory_space<vmem>>, vector<16xi32>,
      %iota3A_977 = tpu.iota {dimensions = array<i32: 0>} : vector<16xi32>
      %add3A_978 = arith.constant 303 : i32
      %add3A_979 = vector.broadcast %add3A_978 : i32 to vector<16xi32>
      %add3A_980 = arith.addi %iota3A_977, %add3A_979 : vector<16xi32>
      %jit3A_981 = arith.constant 0 : i32
      %jit3A_982 = arith.constant 575 : i32
      %max3A_983 = vector.broadcast %jit3A_981 : i32 to vector<16xi32>
      %max3A_984 = arith.maxsi %max3A_983, %add3A_980 : vector<16xi32>
      %min3A_985 = vector.broadcast %jit3A_982 : i32 to vector<16xi32>
      %min3A_986 = arith.minsi %min3A_985, %max3A_984 : vector<16xi32>
      %add3A_987 = vector.broadcast %mul3A_17 : i32 to vector<16xi32>
      %add3A_988 = arith.addi %min3A_986, %add3A_987 : vector<16xi32>
      %swap3A_989 = arith.constant 48 : index
      %swap3A_990 = tpu.vector_load %arg10[%swap3A_989] {strides = array<i32>} : memref<64xi32, #tpu.memory_space<vmem>>, vector<16xi32>,
      %swap3A_991 = vector.shape_cast %swap3A_990 : vector<16xi32> to vector<16xi32>
      %swap3A_992 = vector.shape_cast %add3A_988 : vector<16xi32> to vector<16xi32>
      tpu.vector_store %arg10[%swap3A_989], %swap3A_992 {strides = array<i32>} : memref<64xi32, #tpu.memory_space<vmem>>, vector<16xi32>,
      %dma_start3A_993 = arith.constant 0 : i32
      %dma_start3A_994 = tpu.memref_slice %arg2[%add3A_41, %dma_start3A_993] : memref<36864x768xf32, #tpu.memory_space<hbm>> -> memref<64x768xf32, #tpu.memory_space<hbm>>
      %dma_start3A_995 = arith.constant 0 : i32
      %dma_start3A_996 = tpu.memref_slice %arg2[%add3A_41, %dma_start3A_995] : memref<36864x768xf32, #tpu.memory_space<hbm>> -> memref<64x768xf32, #tpu.memory_space<hbm>>
      tpu.enqueue_dma source(%dma_start3A_996 : memref<64x768xf32, #tpu.memory_space<hbm>>) target(%arg6 : memref<64x768xf32, #tpu.memory_space<vmem>>) target_semaphore(%arg13 : memref<!tpu.dma_semaphore, #tpu.memory_space<semaphore_mem>>)
      %dma_wait3A_997 = arith.constant 0 : i32
      %dma_wait3A_998 = tpu.memref_slice %arg2[%add3A_41, %dma_wait3A_997] : memref<36864x768xf32, #tpu.memory_space<hbm>> -> memref<64x768xf32, #tpu.memory_space<hbm>>
      %dma_wait3A_999 = arith.constant 0 : i32
      %dma_wait3A_1000 = tpu.memref_slice %arg2[%add3A_41, %dma_wait3A_999] : memref<36864x768xf32, #tpu.memory_space<hbm>> -> memref<64x768xf32, #tpu.memory_space<hbm>>
      tpu.wait_dma2 semaphore(%arg13 : memref<!tpu.dma_semaphore, #tpu.memory_space<semaphore_mem>>) src(%dma_wait3A_1000 : memref<64x768xf32, #tpu.memory_space<hbm>>) dst(%arg6 : memref<64x768xf32, #tpu.memory_space<vmem>>)
      %dma_start3A_1001 = arith.constant 256 : i32
      %dma_start3A_1002 = arith.constant 0 : i32
      %dma_start3A_1003 = tpu.memref_slice %arg5[%add3A_4, %dma_start3A_1001, %dma_start3A_1002] : memref<64x577x1536xf32, #tpu.memory_space<hbm>> -> memref<1x64x768xf32, #tpu.memory_space<hbm>>
      %dma_start3A_1004 = tpu.memref_squeeze %dma_start3A_1003 : memref<1x64x768xf32, #tpu.memory_space<hbm>> -> memref<64x768xf32, #tpu.memory_space<hbm>>
      %dma_start3A_1005 = arith.constant 256 : i32
      %dma_start3A_1006 = arith.constant 0 : i32
      %dma_start3A_1007 = tpu.memref_slice %arg5[%add3A_4, %dma_start3A_1005, %dma_start3A_1006] : memref<64x577x1536xf32, #tpu.memory_space<hbm>> -> memref<1x64x768xf32, #tpu.memory_space<hbm>>
      %dma_start3A_1008 = tpu.memref_squeeze %dma_start3A_1007 : memref<1x64x768xf32, #tpu.memory_space<hbm>> -> memref<64x768xf32, #tpu.memory_space<hbm>>
      tpu.enqueue_dma source(%arg6 : memref<64x768xf32, #tpu.memory_space<vmem>>) target(%dma_start3A_1008 : memref<64x768xf32, #tpu.memory_space<hbm>>) target_semaphore(%arg15 : memref<!tpu.dma_semaphore, #tpu.memory_space<semaphore_mem>>)
      %dma_wait3A_1009 = arith.constant 192 : i32
      %dma_wait3A_1010 = arith.constant 0 : i32
      %dma_wait3A_1011 = tpu.memref_slice %arg5[%add3A_4, %dma_wait3A_1009, %dma_wait3A_1010] : memref<64x577x1536xf32, #tpu.memory_space<hbm>> -> memref<1x64x768xf32, #tpu.memory_space<hbm>>
      %dma_wait3A_1012 = tpu.memref_squeeze %dma_wait3A_1011 : memref<1x64x768xf32, #tpu.memory_space<hbm>> -> memref<64x768xf32, #tpu.memory_space<hbm>>
      %dma_wait3A_1013 = arith.constant 192 : i32
      %dma_wait3A_1014 = arith.constant 0 : i32
      %dma_wait3A_1015 = tpu.memref_slice %arg5[%add3A_4, %dma_wait3A_1013, %dma_wait3A_1014] : memref<64x577x1536xf32, #tpu.memory_space<hbm>> -> memref<1x64x768xf32, #tpu.memory_space<hbm>>
      %dma_wait3A_1016 = tpu.memref_squeeze %dma_wait3A_1015 : memref<1x64x768xf32, #tpu.memory_space<hbm>> -> memref<64x768xf32, #tpu.memory_space<hbm>>
      tpu.wait_dma2 semaphore(%arg16 : memref<!tpu.dma_semaphore, #tpu.memory_space<semaphore_mem>>) src(%arg7 : memref<64x768xf32, #tpu.memory_space<vmem>>) dst(%dma_wait3A_1016 : memref<64x768xf32, #tpu.memory_space<hbm>>)
      %iota3A_1017 = tpu.iota {dimensions = array<i32: 0>} : vector<16xi32>
      %add3A_1018 = arith.constant 319 : i32
      %add3A_1019 = vector.broadcast %add3A_1018 : i32 to vector<16xi32>
      %add3A_1020 = arith.addi %iota3A_1017, %add3A_1019 : vector<16xi32>
      %jit3A_1021 = arith.constant 0 : i32
      %jit3A_1022 = arith.constant 575 : i32
      %max3A_1023 = vector.broadcast %jit3A_1021 : i32 to vector<16xi32>
      %max3A_1024 = arith.maxsi %max3A_1023, %add3A_1020 : vector<16xi32>
      %min3A_1025 = vector.broadcast %jit3A_1022 : i32 to vector<16xi32>
      %min3A_1026 = arith.minsi %min3A_1025, %max3A_1024 : vector<16xi32>
      %add3A_1027 = vector.broadcast %mul3A_17 : i32 to vector<16xi32>
      %add3A_1028 = arith.addi %min3A_1026, %add3A_1027 : vector<16xi32>
      %swap3A_1029 = arith.constant 0 : index
      %swap3A_1030 = tpu.vector_load %arg11[%swap3A_1029] {strides = array<i32>} : memref<64xi32, #tpu.memory_space<vmem>>, vector<16xi32>,
      %swap3A_1031 = vector.shape_cast %swap3A_1030 : vector<16xi32> to vector<16xi32>
      %swap3A_1032 = vector.shape_cast %add3A_1028 : vector<16xi32> to vector<16xi32>
      tpu.vector_store %arg11[%swap3A_1029], %swap3A_1032 {strides = array<i32>} : memref<64xi32, #tpu.memory_space<vmem>>, vector<16xi32>,
      %iota3A_1033 = tpu.iota {dimensions = array<i32: 0>} : vector<16xi32>
      %add3A_1034 = arith.constant 335 : i32
      %add3A_1035 = vector.broadcast %add3A_1034 : i32 to vector<16xi32>
      %add3A_1036 = arith.addi %iota3A_1033, %add3A_1035 : vector<16xi32>
      %jit3A_1037 = arith.constant 0 : i32
      %jit3A_1038 = arith.constant 575 : i32
      %max3A_1039 = vector.broadcast %jit3A_1037 : i32 to vector<16xi32>
      %max3A_1040 = arith.maxsi %max3A_1039, %add3A_1036 : vector<16xi32>
      %min3A_1041 = vector.broadcast %jit3A_1038 : i32 to vector<16xi32>
      %min3A_1042 = arith.minsi %min3A_1041, %max3A_1040 : vector<16xi32>
      %add3A_1043 = vector.broadcast %mul3A_17 : i32 to vector<16xi32>
      %add3A_1044 = arith.addi %min3A_1042, %add3A_1043 : vector<16xi32>
      %swap3A_1045 = arith.constant 16 : index
      %swap3A_1046 = tpu.vector_load %arg11[%swap3A_1045] {strides = array<i32>} : memref<64xi32, #tpu.memory_space<vmem>>, vector<16xi32>,
      %swap3A_1047 = vector.shape_cast %swap3A_1046 : vector<16xi32> to vector<16xi32>
      %swap3A_1048 = vector.shape_cast %add3A_1044 : vector<16xi32> to vector<16xi32>
      tpu.vector_store %arg11[%swap3A_1045], %swap3A_1048 {strides = array<i32>} : memref<64xi32, #tpu.memory_space<vmem>>, vector<16xi32>,
      %iota3A_1049 = tpu.iota {dimensions = array<i32: 0>} : vector<16xi32>
      %add3A_1050 = arith.constant 351 : i32
      %add3A_1051 = vector.broadcast %add3A_1050 : i32 to vector<16xi32>
      %add3A_1052 = arith.addi %iota3A_1049, %add3A_1051 : vector<16xi32>
      %jit3A_1053 = arith.constant 0 : i32
      %jit3A_1054 = arith.constant 575 : i32
      %max3A_1055 = vector.broadcast %jit3A_1053 : i32 to vector<16xi32>
      %max3A_1056 = arith.maxsi %max3A_1055, %add3A_1052 : vector<16xi32>
      %min3A_1057 = vector.broadcast %jit3A_1054 : i32 to vector<16xi32>
      %min3A_1058 = arith.minsi %min3A_1057, %max3A_1056 : vector<16xi32>
      %add3A_1059 = vector.broadcast %mul3A_17 : i32 to vector<16xi32>
      %add3A_1060 = arith.addi %min3A_1058, %add3A_1059 : vector<16xi32>
      %swap3A_1061 = arith.constant 32 : index
      %swap3A_1062 = tpu.vector_load %arg11[%swap3A_1061] {strides = array<i32>} : memref<64xi32, #tpu.memory_space<vmem>>, vector<16xi32>,
      %swap3A_1063 = vector.shape_cast %swap3A_1062 : vector<16xi32> to vector<16xi32>
      %swap3A_1064 = vector.shape_cast %add3A_1060 : vector<16xi32> to vector<16xi32>
      tpu.vector_store %arg11[%swap3A_1061], %swap3A_1064 {strides = array<i32>} : memref<64xi32, #tpu.memory_space<vmem>>, vector<16xi32>,
      %iota3A_1065 = tpu.iota {dimensions = array<i32: 0>} : vector<16xi32>
      %add3A_1066 = arith.constant 367 : i32
      %add3A_1067 = vector.broadcast %add3A_1066 : i32 to vector<16xi32>
      %add3A_1068 = arith.addi %iota3A_1065, %add3A_1067 : vector<16xi32>
      %jit3A_1069 = arith.constant 0 : i32
      %jit3A_1070 = arith.constant 575 : i32
      %max3A_1071 = vector.broadcast %jit3A_1069 : i32 to vector<16xi32>
      %max3A_1072 = arith.maxsi %max3A_1071, %add3A_1068 : vector<16xi32>
      %min3A_1073 = vector.broadcast %jit3A_1070 : i32 to vector<16xi32>
      %min3A_1074 = arith.minsi %min3A_1073, %max3A_1072 : vector<16xi32>
      %add3A_1075 = vector.broadcast %mul3A_17 : i32 to vector<16xi32>
      %add3A_1076 = arith.addi %min3A_1074, %add3A_1075 : vector<16xi32>
      %swap3A_1077 = arith.constant 48 : index
      %swap3A_1078 = tpu.vector_load %arg11[%swap3A_1077] {strides = array<i32>} : memref<64xi32, #tpu.memory_space<vmem>>, vector<16xi32>,
      %swap3A_1079 = vector.shape_cast %swap3A_1078 : vector<16xi32> to vector<16xi32>
      %swap3A_1080 = vector.shape_cast %add3A_1076 : vector<16xi32> to vector<16xi32>
      tpu.vector_store %arg11[%swap3A_1077], %swap3A_1080 {strides = array<i32>} : memref<64xi32, #tpu.memory_space<vmem>>, vector<16xi32>,
      %dma_start3A_1081 = arith.constant 0 : i32
      %dma_start3A_1082 = tpu.memref_slice %arg2[%add3A_43, %dma_start3A_1081] : memref<36864x768xf32, #tpu.memory_space<hbm>> -> memref<64x768xf32, #tpu.memory_space<hbm>>
      %dma_start3A_1083 = arith.constant 0 : i32
      %dma_start3A_1084 = tpu.memref_slice %arg2[%add3A_43, %dma_start3A_1083] : memref<36864x768xf32, #tpu.memory_space<hbm>> -> memref<64x768xf32, #tpu.memory_space<hbm>>
      tpu.enqueue_dma source(%dma_start3A_1084 : memref<64x768xf32, #tpu.memory_space<hbm>>) target(%arg7 : memref<64x768xf32, #tpu.memory_space<vmem>>) target_semaphore(%arg14 : memref<!tpu.dma_semaphore, #tpu.memory_space<semaphore_mem>>)
      %dma_wait3A_1085 = arith.constant 0 : i32
      %dma_wait3A_1086 = tpu.memref_slice %arg2[%add3A_43, %dma_wait3A_1085] : memref<36864x768xf32, #tpu.memory_space<hbm>> -> memref<64x768xf32, #tpu.memory_space<hbm>>
      %dma_wait3A_1087 = arith.constant 0 : i32
      %dma_wait3A_1088 = tpu.memref_slice %arg2[%add3A_43, %dma_wait3A_1087] : memref<36864x768xf32, #tpu.memory_space<hbm>> -> memref<64x768xf32, #tpu.memory_space<hbm>>
      tpu.wait_dma2 semaphore(%arg14 : memref<!tpu.dma_semaphore, #tpu.memory_space<semaphore_mem>>) src(%dma_wait3A_1088 : memref<64x768xf32, #tpu.memory_space<hbm>>) dst(%arg7 : memref<64x768xf32, #tpu.memory_space<vmem>>)
      %dma_start3A_1089 = arith.constant 320 : i32
      %dma_start3A_1090 = arith.constant 0 : i32
      %dma_start3A_1091 = tpu.memref_slice %arg5[%add3A_4, %dma_start3A_1089, %dma_start3A_1090] : memref<64x577x1536xf32, #tpu.memory_space<hbm>> -> memref<1x64x768xf32, #tpu.memory_space<hbm>>
      %dma_start3A_1092 = tpu.memref_squeeze %dma_start3A_1091 : memref<1x64x768xf32, #tpu.memory_space<hbm>> -> memref<64x768xf32, #tpu.memory_space<hbm>>
      %dma_start3A_1093 = arith.constant 320 : i32
      %dma_start3A_1094 = arith.constant 0 : i32
      %dma_start3A_1095 = tpu.memref_slice %arg5[%add3A_4, %dma_start3A_1093, %dma_start3A_1094] : memref<64x577x1536xf32, #tpu.memory_space<hbm>> -> memref<1x64x768xf32, #tpu.memory_space<hbm>>
      %dma_start3A_1096 = tpu.memref_squeeze %dma_start3A_1095 : memref<1x64x768xf32, #tpu.memory_space<hbm>> -> memref<64x768xf32, #tpu.memory_space<hbm>>
      tpu.enqueue_dma source(%arg7 : memref<64x768xf32, #tpu.memory_space<vmem>>) target(%dma_start3A_1096 : memref<64x768xf32, #tpu.memory_space<hbm>>) target_semaphore(%arg16 : memref<!tpu.dma_semaphore, #tpu.memory_space<semaphore_mem>>)
      %dma_wait3A_1097 = arith.constant 256 : i32
      %dma_wait3A_1098 = arith.constant 0 : i32
      %dma_wait3A_1099 = tpu.memref_slice %arg5[%add3A_4, %dma_wait3A_1097, %dma_wait3A_1098] : memref<64x577x1536xf32, #tpu.memory_space<hbm>> -> memref<1x64x768xf32, #tpu.memory_space<hbm>>
      %dma_wait3A_1100 = tpu.memref_squeeze %dma_wait3A_1099 : memref<1x64x768xf32, #tpu.memory_space<hbm>> -> memref<64x768xf32, #tpu.memory_space<hbm>>
      %dma_wait3A_1101 = arith.constant 256 : i32
      %dma_wait3A_1102 = arith.constant 0 : i32
      %dma_wait3A_1103 = tpu.memref_slice %arg5[%add3A_4, %dma_wait3A_1101, %dma_wait3A_1102] : memref<64x577x1536xf32, #tpu.memory_space<hbm>> -> memref<1x64x768xf32, #tpu.memory_space<hbm>>
      %dma_wait3A_1104 = tpu.memref_squeeze %dma_wait3A_1103 : memref<1x64x768xf32, #tpu.memory_space<hbm>> -> memref<64x768xf32, #tpu.memory_space<hbm>>
      tpu.wait_dma2 semaphore(%arg15 : memref<!tpu.dma_semaphore, #tpu.memory_space<semaphore_mem>>) src(%arg6 : memref<64x768xf32, #tpu.memory_space<vmem>>) dst(%dma_wait3A_1104 : memref<64x768xf32, #tpu.memory_space<hbm>>)
      %iota3A_1105 = tpu.iota {dimensions = array<i32: 0>} : vector<16xi32>
      %add3A_1106 = arith.constant 383 : i32
      %add3A_1107 = vector.broadcast %add3A_1106 : i32 to vector<16xi32>
      %add3A_1108 = arith.addi %iota3A_1105, %add3A_1107 : vector<16xi32>
      %jit3A_1109 = arith.constant 0 : i32
      %jit3A_1110 = arith.constant 575 : i32
      %max3A_1111 = vector.broadcast %jit3A_1109 : i32 to vector<16xi32>
      %max3A_1112 = arith.maxsi %max3A_1111, %add3A_1108 : vector<16xi32>
      %min3A_1113 = vector.broadcast %jit3A_1110 : i32 to vector<16xi32>
      %min3A_1114 = arith.minsi %min3A_1113, %max3A_1112 : vector<16xi32>
      %add3A_1115 = vector.broadcast %mul3A_17 : i32 to vector<16xi32>
      %add3A_1116 = arith.addi %min3A_1114, %add3A_1115 : vector<16xi32>
      %swap3A_1117 = arith.constant 0 : index
      %swap3A_1118 = tpu.vector_load %arg10[%swap3A_1117] {strides = array<i32>} : memref<64xi32, #tpu.memory_space<vmem>>, vector<16xi32>,
      %swap3A_1119 = vector.shape_cast %swap3A_1118 : vector<16xi32> to vector<16xi32>
      %swap3A_1120 = vector.shape_cast %add3A_1116 : vector<16xi32> to vector<16xi32>
      tpu.vector_store %arg10[%swap3A_1117], %swap3A_1120 {strides = array<i32>} : memref<64xi32, #tpu.memory_space<vmem>>, vector<16xi32>,
      %iota3A_1121 = tpu.iota {dimensions = array<i32: 0>} : vector<16xi32>
      %add3A_1122 = arith.constant 399 : i32
      %add3A_1123 = vector.broadcast %add3A_1122 : i32 to vector<16xi32>
      %add3A_1124 = arith.addi %iota3A_1121, %add3A_1123 : vector<16xi32>
      %jit3A_1125 = arith.constant 0 : i32
      %jit3A_1126 = arith.constant 575 : i32
      %max3A_1127 = vector.broadcast %jit3A_1125 : i32 to vector<16xi32>
      %max3A_1128 = arith.maxsi %max3A_1127, %add3A_1124 : vector<16xi32>
      %min3A_1129 = vector.broadcast %jit3A_1126 : i32 to vector<16xi32>
      %min3A_1130 = arith.minsi %min3A_1129, %max3A_1128 : vector<16xi32>
      %add3A_1131 = vector.broadcast %mul3A_17 : i32 to vector<16xi32>
      %add3A_1132 = arith.addi %min3A_1130, %add3A_1131 : vector<16xi32>
      %swap3A_1133 = arith.constant 16 : index
      %swap3A_1134 = tpu.vector_load %arg10[%swap3A_1133] {strides = array<i32>} : memref<64xi32, #tpu.memory_space<vmem>>, vector<16xi32>,
      %swap3A_1135 = vector.shape_cast %swap3A_1134 : vector<16xi32> to vector<16xi32>
      %swap3A_1136 = vector.shape_cast %add3A_1132 : vector<16xi32> to vector<16xi32>
      tpu.vector_store %arg10[%swap3A_1133], %swap3A_1136 {strides = array<i32>} : memref<64xi32, #tpu.memory_space<vmem>>, vector<16xi32>,
      %iota3A_1137 = tpu.iota {dimensions = array<i32: 0>} : vector<16xi32>
      %add3A_1138 = arith.constant 415 : i32
      %add3A_1139 = vector.broadcast %add3A_1138 : i32 to vector<16xi32>
      %add3A_1140 = arith.addi %iota3A_1137, %add3A_1139 : vector<16xi32>
      %jit3A_1141 = arith.constant 0 : i32
      %jit3A_1142 = arith.constant 575 : i32
      %max3A_1143 = vector.broadcast %jit3A_1141 : i32 to vector<16xi32>
      %max3A_1144 = arith.maxsi %max3A_1143, %add3A_1140 : vector<16xi32>
      %min3A_1145 = vector.broadcast %jit3A_1142 : i32 to vector<16xi32>
      %min3A_1146 = arith.minsi %min3A_1145, %max3A_1144 : vector<16xi32>
      %add3A_1147 = vector.broadcast %mul3A_17 : i32 to vector<16xi32>
      %add3A_1148 = arith.addi %min3A_1146, %add3A_1147 : vector<16xi32>
      %swap3A_1149 = arith.constant 32 : index
      %swap3A_1150 = tpu.vector_load %arg10[%swap3A_1149] {strides = array<i32>} : memref<64xi32, #tpu.memory_space<vmem>>, vector<16xi32>,
      %swap3A_1151 = vector.shape_cast %swap3A_1150 : vector<16xi32> to vector<16xi32>
      %swap3A_1152 = vector.shape_cast %add3A_1148 : vector<16xi32> to vector<16xi32>
      tpu.vector_store %arg10[%swap3A_1149], %swap3A_1152 {strides = array<i32>} : memref<64xi32, #tpu.memory_space<vmem>>, vector<16xi32>,
      %iota3A_1153 = tpu.iota {dimensions = array<i32: 0>} : vector<16xi32>
      %add3A_1154 = arith.constant 431 : i32
      %add3A_1155 = vector.broadcast %add3A_1154 : i32 to vector<16xi32>
      %add3A_1156 = arith.addi %iota3A_1153, %add3A_1155 : vector<16xi32>
      %jit3A_1157 = arith.constant 0 : i32
      %jit3A_1158 = arith.constant 575 : i32
      %max3A_1159 = vector.broadcast %jit3A_1157 : i32 to vector<16xi32>
      %max3A_1160 = arith.maxsi %max3A_1159, %add3A_1156 : vector<16xi32>
      %min3A_1161 = vector.broadcast %jit3A_1158 : i32 to vector<16xi32>
      %min3A_1162 = arith.minsi %min3A_1161, %max3A_1160 : vector<16xi32>
      %add3A_1163 = vector.broadcast %mul3A_17 : i32 to vector<16xi32>
      %add3A_1164 = arith.addi %min3A_1162, %add3A_1163 : vector<16xi32>
      %swap3A_1165 = arith.constant 48 : index
      %swap3A_1166 = tpu.vector_load %arg10[%swap3A_1165] {strides = array<i32>} : memref<64xi32, #tpu.memory_space<vmem>>, vector<16xi32>,
      %swap3A_1167 = vector.shape_cast %swap3A_1166 : vector<16xi32> to vector<16xi32>
      %swap3A_1168 = vector.shape_cast %add3A_1164 : vector<16xi32> to vector<16xi32>
      tpu.vector_store %arg10[%swap3A_1165], %swap3A_1168 {strides = array<i32>} : memref<64xi32, #tpu.memory_space<vmem>>, vector<16xi32>,
      %dma_start3A_1169 = arith.constant 0 : i32
      %dma_start3A_1170 = tpu.memref_slice %arg2[%add3A_45, %dma_start3A_1169] : memref<36864x768xf32, #tpu.memory_space<hbm>> -> memref<64x768xf32, #tpu.memory_space<hbm>>
      %dma_start3A_1171 = arith.constant 0 : i32
      %dma_start3A_1172 = tpu.memref_slice %arg2[%add3A_45, %dma_start3A_1171] : memref<36864x768xf32, #tpu.memory_space<hbm>> -> memref<64x768xf32, #tpu.memory_space<hbm>>
      tpu.enqueue_dma source(%dma_start3A_1172 : memref<64x768xf32, #tpu.memory_space<hbm>>) target(%arg6 : memref<64x768xf32, #tpu.memory_space<vmem>>) target_semaphore(%arg13 : memref<!tpu.dma_semaphore, #tpu.memory_space<semaphore_mem>>)
      %dma_wait3A_1173 = arith.constant 0 : i32
      %dma_wait3A_1174 = tpu.memref_slice %arg2[%add3A_45, %dma_wait3A_1173] : memref<36864x768xf32, #tpu.memory_space<hbm>> -> memref<64x768xf32, #tpu.memory_space<hbm>>
      %dma_wait3A_1175 = arith.constant 0 : i32
      %dma_wait3A_1176 = tpu.memref_slice %arg2[%add3A_45, %dma_wait3A_1175] : memref<36864x768xf32, #tpu.memory_space<hbm>> -> memref<64x768xf32, #tpu.memory_space<hbm>>
      tpu.wait_dma2 semaphore(%arg13 : memref<!tpu.dma_semaphore, #tpu.memory_space<semaphore_mem>>) src(%dma_wait3A_1176 : memref<64x768xf32, #tpu.memory_space<hbm>>) dst(%arg6 : memref<64x768xf32, #tpu.memory_space<vmem>>)
      %dma_start3A_1177 = arith.constant 384 : i32
      %dma_start3A_1178 = arith.constant 0 : i32
      %dma_start3A_1179 = tpu.memref_slice %arg5[%add3A_4, %dma_start3A_1177, %dma_start3A_1178] : memref<64x577x1536xf32, #tpu.memory_space<hbm>> -> memref<1x64x768xf32, #tpu.memory_space<hbm>>
      %dma_start3A_1180 = tpu.memref_squeeze %dma_start3A_1179 : memref<1x64x768xf32, #tpu.memory_space<hbm>> -> memref<64x768xf32, #tpu.memory_space<hbm>>
      %dma_start3A_1181 = arith.constant 384 : i32
      %dma_start3A_1182 = arith.constant 0 : i32
      %dma_start3A_1183 = tpu.memref_slice %arg5[%add3A_4, %dma_start3A_1181, %dma_start3A_1182] : memref<64x577x1536xf32, #tpu.memory_space<hbm>> -> memref<1x64x768xf32, #tpu.memory_space<hbm>>
      %dma_start3A_1184 = tpu.memref_squeeze %dma_start3A_1183 : memref<1x64x768xf32, #tpu.memory_space<hbm>> -> memref<64x768xf32, #tpu.memory_space<hbm>>
      tpu.enqueue_dma source(%arg6 : memref<64x768xf32, #tpu.memory_space<vmem>>) target(%dma_start3A_1184 : memref<64x768xf32, #tpu.memory_space<hbm>>) target_semaphore(%arg15 : memref<!tpu.dma_semaphore, #tpu.memory_space<semaphore_mem>>)
      %dma_wait3A_1185 = arith.constant 320 : i32
      %dma_wait3A_1186 = arith.constant 0 : i32
      %dma_wait3A_1187 = tpu.memref_slice %arg5[%add3A_4, %dma_wait3A_1185, %dma_wait3A_1186] : memref<64x577x1536xf32, #tpu.memory_space<hbm>> -> memref<1x64x768xf32, #tpu.memory_space<hbm>>
      %dma_wait3A_1188 = tpu.memref_squeeze %dma_wait3A_1187 : memref<1x64x768xf32, #tpu.memory_space<hbm>> -> memref<64x768xf32, #tpu.memory_space<hbm>>
      %dma_wait3A_1189 = arith.constant 320 : i32
      %dma_wait3A_1190 = arith.constant 0 : i32
      %dma_wait3A_1191 = tpu.memref_slice %arg5[%add3A_4, %dma_wait3A_1189, %dma_wait3A_1190] : memref<64x577x1536xf32, #tpu.memory_space<hbm>> -> memref<1x64x768xf32, #tpu.memory_space<hbm>>
      %dma_wait3A_1192 = tpu.memref_squeeze %dma_wait3A_1191 : memref<1x64x768xf32, #tpu.memory_space<hbm>> -> memref<64x768xf32, #tpu.memory_space<hbm>>
      tpu.wait_dma2 semaphore(%arg16 : memref<!tpu.dma_semaphore, #tpu.memory_space<semaphore_mem>>) src(%arg7 : memref<64x768xf32, #tpu.memory_space<vmem>>) dst(%dma_wait3A_1192 : memref<64x768xf32, #tpu.memory_space<hbm>>)
      %iota3A_1193 = tpu.iota {dimensions = array<i32: 0>} : vector<16xi32>
      %add3A_1194 = arith.constant 447 : i32
      %add3A_1195 = vector.broadcast %add3A_1194 : i32 to vector<16xi32>
      %add3A_1196 = arith.addi %iota3A_1193, %add3A_1195 : vector<16xi32>
      %jit3A_1197 = arith.constant 0 : i32
      %jit3A_1198 = arith.constant 575 : i32
      %max3A_1199 = vector.broadcast %jit3A_1197 : i32 to vector<16xi32>
      %max3A_1200 = arith.maxsi %max3A_1199, %add3A_1196 : vector<16xi32>
      %min3A_1201 = vector.broadcast %jit3A_1198 : i32 to vector<16xi32>
      %min3A_1202 = arith.minsi %min3A_1201, %max3A_1200 : vector<16xi32>
      %add3A_1203 = vector.broadcast %mul3A_17 : i32 to vector<16xi32>
      %add3A_1204 = arith.addi %min3A_1202, %add3A_1203 : vector<16xi32>
      %swap3A_1205 = arith.constant 0 : index
      %swap3A_1206 = tpu.vector_load %arg11[%swap3A_1205] {strides = array<i32>} : memref<64xi32, #tpu.memory_space<vmem>>, vector<16xi32>,
      %swap3A_1207 = vector.shape_cast %swap3A_1206 : vector<16xi32> to vector<16xi32>
      %swap3A_1208 = vector.shape_cast %add3A_1204 : vector<16xi32> to vector<16xi32>
      tpu.vector_store %arg11[%swap3A_1205], %swap3A_1208 {strides = array<i32>} : memref<64xi32, #tpu.memory_space<vmem>>, vector<16xi32>,
      %iota3A_1209 = tpu.iota {dimensions = array<i32: 0>} : vector<16xi32>
      %add3A_1210 = arith.constant 463 : i32
      %add3A_1211 = vector.broadcast %add3A_1210 : i32 to vector<16xi32>
      %add3A_1212 = arith.addi %iota3A_1209, %add3A_1211 : vector<16xi32>
      %jit3A_1213 = arith.constant 0 : i32
      %jit3A_1214 = arith.constant 575 : i32
      %max3A_1215 = vector.broadcast %jit3A_1213 : i32 to vector<16xi32>
      %max3A_1216 = arith.maxsi %max3A_1215, %add3A_1212 : vector<16xi32>
      %min3A_1217 = vector.broadcast %jit3A_1214 : i32 to vector<16xi32>
      %min3A_1218 = arith.minsi %min3A_1217, %max3A_1216 : vector<16xi32>
      %add3A_1219 = vector.broadcast %mul3A_17 : i32 to vector<16xi32>
      %add3A_1220 = arith.addi %min3A_1218, %add3A_1219 : vector<16xi32>
      %swap3A_1221 = arith.constant 16 : index
      %swap3A_1222 = tpu.vector_load %arg11[%swap3A_1221] {strides = array<i32>} : memref<64xi32, #tpu.memory_space<vmem>>, vector<16xi32>,
      %swap3A_1223 = vector.shape_cast %swap3A_1222 : vector<16xi32> to vector<16xi32>
      %swap3A_1224 = vector.shape_cast %add3A_1220 : vector<16xi32> to vector<16xi32>
      tpu.vector_store %arg11[%swap3A_1221], %swap3A_1224 {strides = array<i32>} : memref<64xi32, #tpu.memory_space<vmem>>, vector<16xi32>,
      %iota3A_1225 = tpu.iota {dimensions = array<i32: 0>} : vector<16xi32>
      %add3A_1226 = arith.constant 479 : i32
      %add3A_1227 = vector.broadcast %add3A_1226 : i32 to vector<16xi32>
      %add3A_1228 = arith.addi %iota3A_1225, %add3A_1227 : vector<16xi32>
      %jit3A_1229 = arith.constant 0 : i32
      %jit3A_1230 = arith.constant 575 : i32
      %max3A_1231 = vector.broadcast %jit3A_1229 : i32 to vector<16xi32>
      %max3A_1232 = arith.maxsi %max3A_1231, %add3A_1228 : vector<16xi32>
      %min3A_1233 = vector.broadcast %jit3A_1230 : i32 to vector<16xi32>
      %min3A_1234 = arith.minsi %min3A_1233, %max3A_1232 : vector<16xi32>
      %add3A_1235 = vector.broadcast %mul3A_17 : i32 to vector<16xi32>
      %add3A_1236 = arith.addi %min3A_1234, %add3A_1235 : vector<16xi32>
      %swap3A_1237 = arith.constant 32 : index
      %swap3A_1238 = tpu.vector_load %arg11[%swap3A_1237] {strides = array<i32>} : memref<64xi32, #tpu.memory_space<vmem>>, vector<16xi32>,
      %swap3A_1239 = vector.shape_cast %swap3A_1238 : vector<16xi32> to vector<16xi32>
      %swap3A_1240 = vector.shape_cast %add3A_1236 : vector<16xi32> to vector<16xi32>
      tpu.vector_store %arg11[%swap3A_1237], %swap3A_1240 {strides = array<i32>} : memref<64xi32, #tpu.memory_space<vmem>>, vector<16xi32>,
      %iota3A_1241 = tpu.iota {dimensions = array<i32: 0>} : vector<16xi32>
      %add3A_1242 = arith.constant 495 : i32
      %add3A_1243 = vector.broadcast %add3A_1242 : i32 to vector<16xi32>
      %add3A_1244 = arith.addi %iota3A_1241, %add3A_1243 : vector<16xi32>
      %jit3A_1245 = arith.constant 0 : i32
      %jit3A_1246 = arith.constant 575 : i32
      %max3A_1247 = vector.broadcast %jit3A_1245 : i32 to vector<16xi32>
      %max3A_1248 = arith.maxsi %max3A_1247, %add3A_1244 : vector<16xi32>
      %min3A_1249 = vector.broadcast %jit3A_1246 : i32 to vector<16xi32>
      %min3A_1250 = arith.minsi %min3A_1249, %max3A_1248 : vector<16xi32>
      %add3A_1251 = vector.broadcast %mul3A_17 : i32 to vector<16xi32>
      %add3A_1252 = arith.addi %min3A_1250, %add3A_1251 : vector<16xi32>
      %swap3A_1253 = arith.constant 48 : index
      %swap3A_1254 = tpu.vector_load %arg11[%swap3A_1253] {strides = array<i32>} : memref<64xi32, #tpu.memory_space<vmem>>, vector<16xi32>,
      %swap3A_1255 = vector.shape_cast %swap3A_1254 : vector<16xi32> to vector<16xi32>
      %swap3A_1256 = vector.shape_cast %add3A_1252 : vector<16xi32> to vector<16xi32>
      tpu.vector_store %arg11[%swap3A_1253], %swap3A_1256 {strides = array<i32>} : memref<64xi32, #tpu.memory_space<vmem>>, vector<16xi32>,
      %dma_start3A_1257 = arith.constant 0 : i32
      %dma_start3A_1258 = tpu.memref_slice %arg2[%add3A_47, %dma_start3A_1257] : memref<36864x768xf32, #tpu.memory_space<hbm>> -> memref<64x768xf32, #tpu.memory_space<hbm>>
      %dma_start3A_1259 = arith.constant 0 : i32
      %dma_start3A_1260 = tpu.memref_slice %arg2[%add3A_47, %dma_start3A_1259] : memref<36864x768xf32, #tpu.memory_space<hbm>> -> memref<64x768xf32, #tpu.memory_space<hbm>>
      tpu.enqueue_dma source(%dma_start3A_1260 : memref<64x768xf32, #tpu.memory_space<hbm>>) target(%arg7 : memref<64x768xf32, #tpu.memory_space<vmem>>) target_semaphore(%arg14 : memref<!tpu.dma_semaphore, #tpu.memory_space<semaphore_mem>>)
      %dma_wait3A_1261 = arith.constant 0 : i32
      %dma_wait3A_1262 = tpu.memref_slice %arg2[%add3A_47, %dma_wait3A_1261] : memref<36864x768xf32, #tpu.memory_space<hbm>> -> memref<64x768xf32, #tpu.memory_space<hbm>>
      %dma_wait3A_1263 = arith.constant 0 : i32
      %dma_wait3A_1264 = tpu.memref_slice %arg2[%add3A_47, %dma_wait3A_1263] : memref<36864x768xf32, #tpu.memory_space<hbm>> -> memref<64x768xf32, #tpu.memory_space<hbm>>
      tpu.wait_dma2 semaphore(%arg14 : memref<!tpu.dma_semaphore, #tpu.memory_space<semaphore_mem>>) src(%dma_wait3A_1264 : memref<64x768xf32, #tpu.memory_space<hbm>>) dst(%arg7 : memref<64x768xf32, #tpu.memory_space<vmem>>)
      %dma_start3A_1265 = arith.constant 448 : i32
      %dma_start3A_1266 = arith.constant 0 : i32
      %dma_start3A_1267 = tpu.memref_slice %arg5[%add3A_4, %dma_start3A_1265, %dma_start3A_1266] : memref<64x577x1536xf32, #tpu.memory_space<hbm>> -> memref<1x64x768xf32, #tpu.memory_space<hbm>>
      %dma_start3A_1268 = tpu.memref_squeeze %dma_start3A_1267 : memref<1x64x768xf32, #tpu.memory_space<hbm>> -> memref<64x768xf32, #tpu.memory_space<hbm>>
      %dma_start3A_1269 = arith.constant 448 : i32
      %dma_start3A_1270 = arith.constant 0 : i32
      %dma_start3A_1271 = tpu.memref_slice %arg5[%add3A_4, %dma_start3A_1269, %dma_start3A_1270] : memref<64x577x1536xf32, #tpu.memory_space<hbm>> -> memref<1x64x768xf32, #tpu.memory_space<hbm>>
      %dma_start3A_1272 = tpu.memref_squeeze %dma_start3A_1271 : memref<1x64x768xf32, #tpu.memory_space<hbm>> -> memref<64x768xf32, #tpu.memory_space<hbm>>
      tpu.enqueue_dma source(%arg7 : memref<64x768xf32, #tpu.memory_space<vmem>>) target(%dma_start3A_1272 : memref<64x768xf32, #tpu.memory_space<hbm>>) target_semaphore(%arg16 : memref<!tpu.dma_semaphore, #tpu.memory_space<semaphore_mem>>)
      %dma_wait3A_1273 = arith.constant 384 : i32
      %dma_wait3A_1274 = arith.constant 0 : i32
      %dma_wait3A_1275 = tpu.memref_slice %arg5[%add3A_4, %dma_wait3A_1273, %dma_wait3A_1274] : memref<64x577x1536xf32, #tpu.memory_space<hbm>> -> memref<1x64x768xf32, #tpu.memory_space<hbm>>
      %dma_wait3A_1276 = tpu.memref_squeeze %dma_wait3A_1275 : memref<1x64x768xf32, #tpu.memory_space<hbm>> -> memref<64x768xf32, #tpu.memory_space<hbm>>
      %dma_wait3A_1277 = arith.constant 384 : i32
      %dma_wait3A_1278 = arith.constant 0 : i32
      %dma_wait3A_1279 = tpu.memref_slice %arg5[%add3A_4, %dma_wait3A_1277, %dma_wait3A_1278] : memref<64x577x1536xf32, #tpu.memory_space<hbm>> -> memref<1x64x768xf32, #tpu.memory_space<hbm>>
      %dma_wait3A_1280 = tpu.memref_squeeze %dma_wait3A_1279 : memref<1x64x768xf32, #tpu.memory_space<hbm>> -> memref<64x768xf32, #tpu.memory_space<hbm>>
      tpu.wait_dma2 semaphore(%arg15 : memref<!tpu.dma_semaphore, #tpu.memory_space<semaphore_mem>>) src(%arg6 : memref<64x768xf32, #tpu.memory_space<vmem>>) dst(%dma_wait3A_1280 : memref<64x768xf32, #tpu.memory_space<hbm>>)
      %iota3A_1281 = tpu.iota {dimensions = array<i32: 0>} : vector<16xi32>
      %add3A_1282 = arith.constant 511 : i32
      %add3A_1283 = vector.broadcast %add3A_1282 : i32 to vector<16xi32>
      %add3A_1284 = arith.addi %iota3A_1281, %add3A_1283 : vector<16xi32>
      %jit3A_1285 = arith.constant 0 : i32
      %jit3A_1286 = arith.constant 575 : i32
      %max3A_1287 = vector.broadcast %jit3A_1285 : i32 to vector<16xi32>
      %max3A_1288 = arith.maxsi %max3A_1287, %add3A_1284 : vector<16xi32>
      %min3A_1289 = vector.broadcast %jit3A_1286 : i32 to vector<16xi32>
      %min3A_1290 = arith.minsi %min3A_1289, %max3A_1288 : vector<16xi32>
      %add3A_1291 = vector.broadcast %mul3A_17 : i32 to vector<16xi32>
      %add3A_1292 = arith.addi %min3A_1290, %add3A_1291 : vector<16xi32>
      %swap3A_1293 = arith.constant 0 : index
      %swap3A_1294 = tpu.vector_load %arg10[%swap3A_1293] {strides = array<i32>} : memref<64xi32, #tpu.memory_space<vmem>>, vector<16xi32>,
      %swap3A_1295 = vector.shape_cast %swap3A_1294 : vector<16xi32> to vector<16xi32>
      %swap3A_1296 = vector.shape_cast %add3A_1292 : vector<16xi32> to vector<16xi32>
      tpu.vector_store %arg10[%swap3A_1293], %swap3A_1296 {strides = array<i32>} : memref<64xi32, #tpu.memory_space<vmem>>, vector<16xi32>,
      %iota3A_1297 = tpu.iota {dimensions = array<i32: 0>} : vector<16xi32>
      %add3A_1298 = arith.constant 527 : i32
      %add3A_1299 = vector.broadcast %add3A_1298 : i32 to vector<16xi32>
      %add3A_1300 = arith.addi %iota3A_1297, %add3A_1299 : vector<16xi32>
      %jit3A_1301 = arith.constant 0 : i32
      %jit3A_1302 = arith.constant 575 : i32
      %max3A_1303 = vector.broadcast %jit3A_1301 : i32 to vector<16xi32>
      %max3A_1304 = arith.maxsi %max3A_1303, %add3A_1300 : vector<16xi32>
      %min3A_1305 = vector.broadcast %jit3A_1302 : i32 to vector<16xi32>
      %min3A_1306 = arith.minsi %min3A_1305, %max3A_1304 : vector<16xi32>
      %add3A_1307 = vector.broadcast %mul3A_17 : i32 to vector<16xi32>
      %add3A_1308 = arith.addi %min3A_1306, %add3A_1307 : vector<16xi32>
      %swap3A_1309 = arith.constant 16 : index
      %swap3A_1310 = tpu.vector_load %arg10[%swap3A_1309] {strides = array<i32>} : memref<64xi32, #tpu.memory_space<vmem>>, vector<16xi32>,
      %swap3A_1311 = vector.shape_cast %swap3A_1310 : vector<16xi32> to vector<16xi32>
      %swap3A_1312 = vector.shape_cast %add3A_1308 : vector<16xi32> to vector<16xi32>
      tpu.vector_store %arg10[%swap3A_1309], %swap3A_1312 {strides = array<i32>} : memref<64xi32, #tpu.memory_space<vmem>>, vector<16xi32>,
      %iota3A_1313 = tpu.iota {dimensions = array<i32: 0>} : vector<16xi32>
      %add3A_1314 = arith.constant 543 : i32
      %add3A_1315 = vector.broadcast %add3A_1314 : i32 to vector<16xi32>
      %add3A_1316 = arith.addi %iota3A_1313, %add3A_1315 : vector<16xi32>
      %jit3A_1317 = arith.constant 0 : i32
      %jit3A_1318 = arith.constant 575 : i32
      %max3A_1319 = vector.broadcast %jit3A_1317 : i32 to vector<16xi32>
      %max3A_1320 = arith.maxsi %max3A_1319, %add3A_1316 : vector<16xi32>
      %min3A_1321 = vector.broadcast %jit3A_1318 : i32 to vector<16xi32>
      %min3A_1322 = arith.minsi %min3A_1321, %max3A_1320 : vector<16xi32>
      %add3A_1323 = vector.broadcast %mul3A_17 : i32 to vector<16xi32>
      %add3A_1324 = arith.addi %min3A_1322, %add3A_1323 : vector<16xi32>
      %swap3A_1325 = arith.constant 32 : index
      %swap3A_1326 = tpu.vector_load %arg10[%swap3A_1325] {strides = array<i32>} : memref<64xi32, #tpu.memory_space<vmem>>, vector<16xi32>,
      %swap3A_1327 = vector.shape_cast %swap3A_1326 : vector<16xi32> to vector<16xi32>
      %swap3A_1328 = vector.shape_cast %add3A_1324 : vector<16xi32> to vector<16xi32>
      tpu.vector_store %arg10[%swap3A_1325], %swap3A_1328 {strides = array<i32>} : memref<64xi32, #tpu.memory_space<vmem>>, vector<16xi32>,
      %iota3A_1329 = tpu.iota {dimensions = array<i32: 0>} : vector<16xi32>
      %add3A_1330 = arith.constant 559 : i32
      %add3A_1331 = vector.broadcast %add3A_1330 : i32 to vector<16xi32>
      %add3A_1332 = arith.addi %iota3A_1329, %add3A_1331 : vector<16xi32>
      %jit3A_1333 = arith.constant 0 : i32
      %jit3A_1334 = arith.constant 575 : i32
      %max3A_1335 = vector.broadcast %jit3A_1333 : i32 to vector<16xi32>
      %max3A_1336 = arith.maxsi %max3A_1335, %add3A_1332 : vector<16xi32>
      %min3A_1337 = vector.broadcast %jit3A_1334 : i32 to vector<16xi32>
      %min3A_1338 = arith.minsi %min3A_1337, %max3A_1336 : vector<16xi32>
      %add3A_1339 = vector.broadcast %mul3A_17 : i32 to vector<16xi32>
      %add3A_1340 = arith.addi %min3A_1338, %add3A_1339 : vector<16xi32>
      %swap3A_1341 = arith.constant 48 : index
      %swap3A_1342 = tpu.vector_load %arg10[%swap3A_1341] {strides = array<i32>} : memref<64xi32, #tpu.memory_space<vmem>>, vector<16xi32>,
      %swap3A_1343 = vector.shape_cast %swap3A_1342 : vector<16xi32> to vector<16xi32>
      %swap3A_1344 = vector.shape_cast %add3A_1340 : vector<16xi32> to vector<16xi32>
      tpu.vector_store %arg10[%swap3A_1341], %swap3A_1344 {strides = array<i32>} : memref<64xi32, #tpu.memory_space<vmem>>, vector<16xi32>,
      %dma_start3A_1345 = arith.constant 0 : i32
      %dma_start3A_1346 = tpu.memref_slice %arg2[%add3A_49, %dma_start3A_1345] : memref<36864x768xf32, #tpu.memory_space<hbm>> -> memref<64x768xf32, #tpu.memory_space<hbm>>
      %dma_start3A_1347 = arith.constant 0 : i32
      %dma_start3A_1348 = tpu.memref_slice %arg2[%add3A_49, %dma_start3A_1347] : memref<36864x768xf32, #tpu.memory_space<hbm>> -> memref<64x768xf32, #tpu.memory_space<hbm>>
      tpu.enqueue_dma source(%dma_start3A_1348 : memref<64x768xf32, #tpu.memory_space<hbm>>) target(%arg6 : memref<64x768xf32, #tpu.memory_space<vmem>>) target_semaphore(%arg13 : memref<!tpu.dma_semaphore, #tpu.memory_space<semaphore_mem>>)
      %dma_wait3A_1349 = arith.constant 0 : i32
      %dma_wait3A_1350 = tpu.memref_slice %arg2[%add3A_49, %dma_wait3A_1349] : memref<36864x768xf32, #tpu.memory_space<hbm>> -> memref<64x768xf32, #tpu.memory_space<hbm>>
      %dma_wait3A_1351 = arith.constant 0 : i32
      %dma_wait3A_1352 = tpu.memref_slice %arg2[%add3A_49, %dma_wait3A_1351] : memref<36864x768xf32, #tpu.memory_space<hbm>> -> memref<64x768xf32, #tpu.memory_space<hbm>>
      tpu.wait_dma2 semaphore(%arg13 : memref<!tpu.dma_semaphore, #tpu.memory_space<semaphore_mem>>) src(%dma_wait3A_1352 : memref<64x768xf32, #tpu.memory_space<hbm>>) dst(%arg6 : memref<64x768xf32, #tpu.memory_space<vmem>>)
      %dma_start3A_1353 = arith.constant 512 : i32
      %dma_start3A_1354 = arith.constant 0 : i32
      %dma_start3A_1355 = tpu.memref_slice %arg5[%add3A_4, %dma_start3A_1353, %dma_start3A_1354] : memref<64x577x1536xf32, #tpu.memory_space<hbm>> -> memref<1x64x768xf32, #tpu.memory_space<hbm>>
      %dma_start3A_1356 = tpu.memref_squeeze %dma_start3A_1355 : memref<1x64x768xf32, #tpu.memory_space<hbm>> -> memref<64x768xf32, #tpu.memory_space<hbm>>
      %dma_start3A_1357 = arith.constant 512 : i32
      %dma_start3A_1358 = arith.constant 0 : i32
      %dma_start3A_1359 = tpu.memref_slice %arg5[%add3A_4, %dma_start3A_1357, %dma_start3A_1358] : memref<64x577x1536xf32, #tpu.memory_space<hbm>> -> memref<1x64x768xf32, #tpu.memory_space<hbm>>
      %dma_start3A_1360 = tpu.memref_squeeze %dma_start3A_1359 : memref<1x64x768xf32, #tpu.memory_space<hbm>> -> memref<64x768xf32, #tpu.memory_space<hbm>>
      tpu.enqueue_dma source(%arg6 : memref<64x768xf32, #tpu.memory_space<vmem>>) target(%dma_start3A_1360 : memref<64x768xf32, #tpu.memory_space<hbm>>) target_semaphore(%arg15 : memref<!tpu.dma_semaphore, #tpu.memory_space<semaphore_mem>>)
      %dma_wait3A_1361 = arith.constant 448 : i32
      %dma_wait3A_1362 = arith.constant 0 : i32
      %dma_wait3A_1363 = tpu.memref_slice %arg5[%add3A_4, %dma_wait3A_1361, %dma_wait3A_1362] : memref<64x577x1536xf32, #tpu.memory_space<hbm>> -> memref<1x64x768xf32, #tpu.memory_space<hbm>>
      %dma_wait3A_1364 = tpu.memref_squeeze %dma_wait3A_1363 : memref<1x64x768xf32, #tpu.memory_space<hbm>> -> memref<64x768xf32, #tpu.memory_space<hbm>>
      %dma_wait3A_1365 = arith.constant 448 : i32
      %dma_wait3A_1366 = arith.constant 0 : i32
      %dma_wait3A_1367 = tpu.memref_slice %arg5[%add3A_4, %dma_wait3A_1365, %dma_wait3A_1366] : memref<64x577x1536xf32, #tpu.memory_space<hbm>> -> memref<1x64x768xf32, #tpu.memory_space<hbm>>
      %dma_wait3A_1368 = tpu.memref_squeeze %dma_wait3A_1367 : memref<1x64x768xf32, #tpu.memory_space<hbm>> -> memref<64x768xf32, #tpu.memory_space<hbm>>
      tpu.wait_dma2 semaphore(%arg16 : memref<!tpu.dma_semaphore, #tpu.memory_space<semaphore_mem>>) src(%arg7 : memref<64x768xf32, #tpu.memory_space<vmem>>) dst(%dma_wait3A_1368 : memref<64x768xf32, #tpu.memory_space<hbm>>)
      %dma_wait3A_1369 = arith.constant 512 : i32
      %dma_wait3A_1370 = arith.constant 0 : i32
      %dma_wait3A_1371 = tpu.memref_slice %arg5[%add3A_4, %dma_wait3A_1369, %dma_wait3A_1370] : memref<64x577x1536xf32, #tpu.memory_space<hbm>> -> memref<1x64x768xf32, #tpu.memory_space<hbm>>
      %dma_wait3A_1372 = tpu.memref_squeeze %dma_wait3A_1371 : memref<1x64x768xf32, #tpu.memory_space<hbm>> -> memref<64x768xf32, #tpu.memory_space<hbm>>
      %dma_wait3A_1373 = arith.constant 512 : i32
      %dma_wait3A_1374 = arith.constant 0 : i32
      %dma_wait3A_1375 = tpu.memref_slice %arg5[%add3A_4, %dma_wait3A_1373, %dma_wait3A_1374] : memref<64x577x1536xf32, #tpu.memory_space<hbm>> -> memref<1x64x768xf32, #tpu.memory_space<hbm>>
      %dma_wait3A_1376 = tpu.memref_squeeze %dma_wait3A_1375 : memref<1x64x768xf32, #tpu.memory_space<hbm>> -> memref<64x768xf32, #tpu.memory_space<hbm>>
      tpu.wait_dma2 semaphore(%arg15 : memref<!tpu.dma_semaphore, #tpu.memory_space<semaphore_mem>>) src(%arg6 : memref<64x768xf32, #tpu.memory_space<vmem>>) dst(%dma_wait3A_1376 : memref<64x768xf32, #tpu.memory_space<hbm>>)
      %dma_wait3A_1377 = arith.constant 576 : i32
      %dma_wait3A_1378 = arith.constant 0 : i32
      %dma_wait3A_1379 = tpu.memref_slice %arg5[%add3A_4, %dma_wait3A_1377, %dma_wait3A_1378] : memref<64x577x1536xf32, #tpu.memory_space<hbm>> -> memref<1x1x768xf32, #tpu.memory_space<hbm>>
      %dma_wait3A_1380 = tpu.memref_squeeze %dma_wait3A_1379 : memref<1x1x768xf32, #tpu.memory_space<hbm>> -> memref<1x768xf32, #tpu.memory_space<hbm>>
      %dma_wait3A_1381 = arith.constant 576 : i32
      %dma_wait3A_1382 = arith.constant 0 : i32
      %dma_wait3A_1383 = tpu.memref_slice %arg5[%add3A_4, %dma_wait3A_1381, %dma_wait3A_1382] : memref<64x577x1536xf32, #tpu.memory_space<hbm>> -> memref<1x1x768xf32, #tpu.memory_space<hbm>>
      %dma_wait3A_1384 = tpu.memref_squeeze %dma_wait3A_1383 : memref<1x1x768xf32, #tpu.memory_space<hbm>> -> memref<1x768xf32, #tpu.memory_space<hbm>>
      tpu.wait_dma2 semaphore(%arg18 : memref<!tpu.dma_semaphore, #tpu.memory_space<semaphore_mem>>) src(%arg9 : memref<1x768xf32, #tpu.memory_space<vmem>>) dst(%dma_wait3A_1384 : memref<1x768xf32, #tpu.memory_space<hbm>>)
      %dma_wait3A_1385 = arith.constant 0 : i32
      %dma_wait3A_1386 = arith.constant 768 : i32
      %dma_wait3A_1387 = tpu.memref_slice %arg5[%add3A_4, %dma_wait3A_1385, %dma_wait3A_1386] : memref<64x577x1536xf32, #tpu.memory_space<hbm>> -> memref<1x577x768xf32, #tpu.memory_space<hbm>>
      %dma_wait3A_1388 = tpu.memref_squeeze %dma_wait3A_1387 : memref<1x577x768xf32, #tpu.memory_space<hbm>> -> memref<577x768xf32, #tpu.memory_space<hbm>>
      tpu.wait_dma2 semaphore(%arg17 : memref<!tpu.dma_semaphore, #tpu.memory_space<semaphore_mem>>) src(%arg4 : memref<577x768xf32, #tpu.memory_space<hbm>>) dst(%dma_wait3A_1388 : memref<577x768xf32, #tpu.memory_space<hbm>>)
    } else {
    }
    %mul3A_7 = arith.constant 2 : i32
    %mul3A_8 = arith.muli %add3A, %mul3A_7 : i32
    %add3A_9 = arith.constant 1 : i32
    %add3A_10 = arith.addi %mul3A_8, %add3A_9 : i32
    %lt3A_11 = arith.constant 64 : i32
    %lt3A_12 = arith.cmpi slt, %add3A_10, %lt3A_11 : i32
    %convert_element_type3A_13 = arith.extui %lt3A_12 : i1 to i32
    %cond3A_14 = arith.constant 0 : i32
    %cond3A_15 = arith.cmpi ne, %convert_element_type3A_13, %cond3A_14 : i32
    scf.if %cond3A_15 {
      %mul3A_16 = arith.constant 576 : i32
      %mul3A_17 = arith.muli %add3A_10, %mul3A_16 : i32
      %dma_start3A = arith.constant 0 : i32
      %dma_start3A_18 = arith.constant 768 : i32
      %dma_start3A_19 = tpu.memref_slice %arg5[%add3A_10, %dma_start3A, %dma_start3A_18] : memref<64x577x1536xf32, #tpu.memory_space<hbm>> -> memref<1x577x768xf32, #tpu.memory_space<hbm>>
      %dma_start3A_20 = tpu.memref_squeeze %dma_start3A_19 : memref<1x577x768xf32, #tpu.memory_space<hbm>> -> memref<577x768xf32, #tpu.memory_space<hbm>>
      tpu.enqueue_dma source(%arg4 : memref<577x768xf32, #tpu.memory_space<hbm>>) target(%dma_start3A_20 : memref<577x768xf32, #tpu.memory_space<hbm>>) target_semaphore(%arg17 : memref<!tpu.dma_semaphore, #tpu.memory_space<semaphore_mem>>)
      %add3A_21 = arith.constant 576 : i32
      %add3A_22 = arith.addi %mul3A_17, %add3A_21 : i32
      %sub3A = arith.constant 1 : i32
      %sub3A_23 = arith.subi %add3A_22, %sub3A : i32
      %broadcast_in_dim3A = vector.broadcast %sub3A_23 : i32 to vector<16xi32>
      %swap3A = arith.constant 0 : index
      %swap3A_24 = tpu.vector_load %arg12[%swap3A] {strides = array<i32>} : memref<16xi32, #tpu.memory_space<vmem>>, vector<16xi32>,
      %swap3A_25 = vector.shape_cast %swap3A_24 : vector<16xi32> to vector<16xi32>
      %swap3A_26 = vector.shape_cast %broadcast_in_dim3A : vector<16xi32> to vector<16xi32>
      tpu.vector_store %arg12[%swap3A], %swap3A_26 {strides = array<i32>} : memref<16xi32, #tpu.memory_space<vmem>>, vector<16xi32>,
      %dma_start3A_27 = arith.constant 0 : i32
      %dma_start3A_28 = tpu.memref_slice %arg12[%dma_start3A_27] : memref<16xi32, #tpu.memory_space<vmem>> -> memref<1xi32, #tpu.memory_space<vmem>>
      %dma_start3A_29 = arith.constant 0 : i32
      %dma_start3A_30 = arith.constant 0 : i32
      %dma_start3A_31 = tpu.memref_slice %arg2[%dma_start3A_29, %dma_start3A_30] : memref<36864x768xf32, #tpu.memory_space<hbm>> -> memref<36864x768xf32, #tpu.memory_space<hbm>>
      tpu.enqueue_indirect_dma source(%dma_start3A_31 : memref<36864x768xf32, #tpu.memory_space<hbm>>) target(%arg9 : memref<1x768xf32, #tpu.memory_space<vmem>>) offsets(%dma_start3A_28 : memref<1xi32, #tpu.memory_space<vmem>>) semaphore(%arg18 : memref<!tpu.dma_semaphore, #tpu.memory_space<semaphore_mem>>)
      %add3A_32 = arith.constant 0 : i32
      %add3A_33 = arith.addi %mul3A_17, %add3A_32 : i32
      %add3A_34 = arith.constant 64 : i32
      %add3A_35 = arith.addi %mul3A_17, %add3A_34 : i32
      %add3A_36 = arith.constant 128 : i32
      %add3A_37 = arith.addi %mul3A_17, %add3A_36 : i32
      %add3A_38 = arith.constant 192 : i32
      %add3A_39 = arith.addi %mul3A_17, %add3A_38 : i32
      %add3A_40 = arith.constant 256 : i32
      %add3A_41 = arith.addi %mul3A_17, %add3A_40 : i32
      %add3A_42 = arith.constant 320 : i32
      %add3A_43 = arith.addi %mul3A_17, %add3A_42 : i32
      %add3A_44 = arith.constant 384 : i32
      %add3A_45 = arith.addi %mul3A_17, %add3A_44 : i32
      %add3A_46 = arith.constant 448 : i32
      %add3A_47 = arith.addi %mul3A_17, %add3A_46 : i32
      %add3A_48 = arith.constant 512 : i32
      %add3A_49 = arith.addi %mul3A_17, %add3A_48 : i32
      %iota3A = tpu.iota {dimensions = array<i32: 0>} : vector<16xi32>
      %add3A_50 = arith.constant -1 : i32
      %add3A_51 = vector.broadcast %add3A_50 : i32 to vector<16xi32>
      %add3A_52 = arith.addi %iota3A, %add3A_51 : vector<16xi32>
      %jit3A = arith.constant 0 : i32
      %jit3A_53 = arith.constant 575 : i32
      %max3A = vector.broadcast %jit3A : i32 to vector<16xi32>
      %max3A_54 = arith.maxsi %max3A, %add3A_52 : vector<16xi32>
      %min3A = vector.broadcast %jit3A_53 : i32 to vector<16xi32>
      %min3A_55 = arith.minsi %min3A, %max3A_54 : vector<16xi32>
      %add3A_56 = vector.broadcast %mul3A_17 : i32 to vector<16xi32>
      %add3A_57 = arith.addi %min3A_55, %add3A_56 : vector<16xi32>
      %swap3A_58 = arith.constant 0 : index
      %swap3A_59 = tpu.vector_load %arg10[%swap3A_58] {strides = array<i32>} : memref<64xi32, #tpu.memory_space<vmem>>, vector<16xi32>,
      %swap3A_60 = vector.shape_cast %swap3A_59 : vector<16xi32> to vector<16xi32>
      %swap3A_61 = vector.shape_cast %add3A_57 : vector<16xi32> to vector<16xi32>
      tpu.vector_store %arg10[%swap3A_58], %swap3A_61 {strides = array<i32>} : memref<64xi32, #tpu.memory_space<vmem>>, vector<16xi32>,
      %iota3A_62 = tpu.iota {dimensions = array<i32: 0>} : vector<16xi32>
      %add3A_63 = arith.constant 15 : i32
      %add3A_64 = vector.broadcast %add3A_63 : i32 to vector<16xi32>
      %add3A_65 = arith.addi %iota3A_62, %add3A_64 : vector<16xi32>
      %jit3A_66 = arith.constant 0 : i32
      %jit3A_67 = arith.constant 575 : i32
      %max3A_68 = vector.broadcast %jit3A_66 : i32 to vector<16xi32>
      %max3A_69 = arith.maxsi %max3A_68, %add3A_65 : vector<16xi32>
      %min3A_70 = vector.broadcast %jit3A_67 : i32 to vector<16xi32>
      %min3A_71 = arith.minsi %min3A_70, %max3A_69 : vector<16xi32>
      %add3A_72 = vector.broadcast %mul3A_17 : i32 to vector<16xi32>
      %add3A_73 = arith.addi %min3A_71, %add3A_72 : vector<16xi32>
      %swap3A_74 = arith.constant 16 : index
      %swap3A_75 = tpu.vector_load %arg10[%swap3A_74] {strides = array<i32>} : memref<64xi32, #tpu.memory_space<vmem>>, vector<16xi32>,
      %swap3A_76 = vector.shape_cast %swap3A_75 : vector<16xi32> to vector<16xi32>
      %swap3A_77 = vector.shape_cast %add3A_73 : vector<16xi32> to vector<16xi32>
      tpu.vector_store %arg10[%swap3A_74], %swap3A_77 {strides = array<i32>} : memref<64xi32, #tpu.memory_space<vmem>>, vector<16xi32>,
      %iota3A_78 = tpu.iota {dimensions = array<i32: 0>} : vector<16xi32>
      %add3A_79 = arith.constant 31 : i32
      %add3A_80 = vector.broadcast %add3A_79 : i32 to vector<16xi32>
      %add3A_81 = arith.addi %iota3A_78, %add3A_80 : vector<16xi32>
      %jit3A_82 = arith.constant 0 : i32
      %jit3A_83 = arith.constant 575 : i32
      %max3A_84 = vector.broadcast %jit3A_82 : i32 to vector<16xi32>
      %max3A_85 = arith.maxsi %max3A_84, %add3A_81 : vector<16xi32>
      %min3A_86 = vector.broadcast %jit3A_83 : i32 to vector<16xi32>
      %min3A_87 = arith.minsi %min3A_86, %max3A_85 : vector<16xi32>
      %add3A_88 = vector.broadcast %mul3A_17 : i32 to vector<16xi32>
      %add3A_89 = arith.addi %min3A_87, %add3A_88 : vector<16xi32>
      %swap3A_90 = arith.constant 32 : index
      %swap3A_91 = tpu.vector_load %arg10[%swap3A_90] {strides = array<i32>} : memref<64xi32, #tpu.memory_space<vmem>>, vector<16xi32>,
      %swap3A_92 = vector.shape_cast %swap3A_91 : vector<16xi32> to vector<16xi32>
      %swap3A_93 = vector.shape_cast %add3A_89 : vector<16xi32> to vector<16xi32>
      tpu.vector_store %arg10[%swap3A_90], %swap3A_93 {strides = array<i32>} : memref<64xi32, #tpu.memory_space<vmem>>, vector<16xi32>,
      %iota3A_94 = tpu.iota {dimensions = array<i32: 0>} : vector<16xi32>
      %add3A_95 = arith.constant 47 : i32
      %add3A_96 = vector.broadcast %add3A_95 : i32 to vector<16xi32>
      %add3A_97 = arith.addi %iota3A_94, %add3A_96 : vector<16xi32>
      %jit3A_98 = arith.constant 0 : i32
      %jit3A_99 = arith.constant 575 : i32
      %max3A_100 = vector.broadcast %jit3A_98 : i32 to vector<16xi32>
      %max3A_101 = arith.maxsi %max3A_100, %add3A_97 : vector<16xi32>
      %min3A_102 = vector.broadcast %jit3A_99 : i32 to vector<16xi32>
      %min3A_103 = arith.minsi %min3A_102, %max3A_101 : vector<16xi32>
      %add3A_104 = vector.broadcast %mul3A_17 : i32 to vector<16xi32>
      %add3A_105 = arith.addi %min3A_103, %add3A_104 : vector<16xi32>
      %swap3A_106 = arith.constant 48 : index
      %swap3A_107 = tpu.vector_load %arg10[%swap3A_106] {strides = array<i32>} : memref<64xi32, #tpu.memory_space<vmem>>, vector<16xi32>,
      %swap3A_108 = vector.shape_cast %swap3A_107 : vector<16xi32> to vector<16xi32>
      %swap3A_109 = vector.shape_cast %add3A_105 : vector<16xi32> to vector<16xi32>
      tpu.vector_store %arg10[%swap3A_106], %swap3A_109 {strides = array<i32>} : memref<64xi32, #tpu.memory_space<vmem>>, vector<16xi32>,
      %dma_start3A_110 = arith.constant 0 : i32
      %dma_start3A_111 = tpu.memref_slice %arg2[%add3A_33, %dma_start3A_110] : memref<36864x768xf32, #tpu.memory_space<hbm>> -> memref<64x768xf32, #tpu.memory_space<hbm>>
      %dma_start3A_112 = arith.constant 0 : i32
      %dma_start3A_113 = tpu.memref_slice %arg2[%add3A_33, %dma_start3A_112] : memref<36864x768xf32, #tpu.memory_space<hbm>> -> memref<64x768xf32, #tpu.memory_space<hbm>>
      tpu.enqueue_dma source(%dma_start3A_113 : memref<64x768xf32, #tpu.memory_space<hbm>>) target(%arg6 : memref<64x768xf32, #tpu.memory_space<vmem>>) target_semaphore(%arg13 : memref<!tpu.dma_semaphore, #tpu.memory_space<semaphore_mem>>)
      %dma_wait3A = arith.constant 0 : i32
      %dma_wait3A_114 = tpu.memref_slice %arg12[%dma_wait3A] : memref<16xi32, #tpu.memory_space<vmem>> -> memref<1xi32, #tpu.memory_space<vmem>>
      %dma_wait3A_115 = arith.constant 0 : i32
      %dma_wait3A_116 = arith.constant 0 : i32
      %dma_wait3A_117 = tpu.memref_slice %arg2[%dma_wait3A_115, %dma_wait3A_116] : memref<36864x768xf32, #tpu.memory_space<hbm>> -> memref<36864x768xf32, #tpu.memory_space<hbm>>
      tpu.wait_indirect_dma semaphore(%arg18 : memref<!tpu.dma_semaphore, #tpu.memory_space<semaphore_mem>>) src(%dma_wait3A_117 : memref<36864x768xf32, #tpu.memory_space<hbm>>) dst(%arg9 : memref<1x768xf32, #tpu.memory_space<vmem>>)
      %dma_start3A_118 = arith.constant 576 : i32
      %dma_start3A_119 = arith.constant 0 : i32
      %dma_start3A_120 = tpu.memref_slice %arg5[%add3A_10, %dma_start3A_118, %dma_start3A_119] : memref<64x577x1536xf32, #tpu.memory_space<hbm>> -> memref<1x1x768xf32, #tpu.memory_space<hbm>>
      %dma_start3A_121 = tpu.memref_squeeze %dma_start3A_120 : memref<1x1x768xf32, #tpu.memory_space<hbm>> -> memref<1x768xf32, #tpu.memory_space<hbm>>
      %dma_start3A_122 = arith.constant 576 : i32
      %dma_start3A_123 = arith.constant 0 : i32
      %dma_start3A_124 = tpu.memref_slice %arg5[%add3A_10, %dma_start3A_122, %dma_start3A_123] : memref<64x577x1536xf32, #tpu.memory_space<hbm>> -> memref<1x1x768xf32, #tpu.memory_space<hbm>>
      %dma_start3A_125 = tpu.memref_squeeze %dma_start3A_124 : memref<1x1x768xf32, #tpu.memory_space<hbm>> -> memref<1x768xf32, #tpu.memory_space<hbm>>
      tpu.enqueue_dma source(%arg9 : memref<1x768xf32, #tpu.memory_space<vmem>>) target(%dma_start3A_125 : memref<1x768xf32, #tpu.memory_space<hbm>>) target_semaphore(%arg18 : memref<!tpu.dma_semaphore, #tpu.memory_space<semaphore_mem>>)
      %dma_wait3A_126 = arith.constant 0 : i32
      %dma_wait3A_127 = tpu.memref_slice %arg2[%add3A_33, %dma_wait3A_126] : memref<36864x768xf32, #tpu.memory_space<hbm>> -> memref<64x768xf32, #tpu.memory_space<hbm>>
      %dma_wait3A_128 = arith.constant 0 : i32
      %dma_wait3A_129 = tpu.memref_slice %arg2[%add3A_33, %dma_wait3A_128] : memref<36864x768xf32, #tpu.memory_space<hbm>> -> memref<64x768xf32, #tpu.memory_space<hbm>>
      tpu.wait_dma2 semaphore(%arg13 : memref<!tpu.dma_semaphore, #tpu.memory_space<semaphore_mem>>) src(%dma_wait3A_129 : memref<64x768xf32, #tpu.memory_space<hbm>>) dst(%arg6 : memref<64x768xf32, #tpu.memory_space<vmem>>)
      %get3A = arith.constant 0 : i32
      %get3A_130 = arith.index_cast %get3A : i32 to index
      %get3A_131 = arith.constant 0 : index
      %get3A_132 = tpu.vector_load %arg8[%get3A_130, %get3A_131] {strides = array<i32>} : memref<1x768xf32, #tpu.memory_space<vmem>>, vector<1x16xf32>,
      %get3A_133 = vector.shape_cast %get3A_132 : vector<1x16xf32> to vector<16xf32>
      %swap3A_134 = arith.constant 0 : i32
      %swap3A_135 = arith.index_cast %swap3A_134 : i32 to index
      %swap3A_136 = arith.constant 0 : index
      %swap3A_137 = tpu.vector_load %arg6[%swap3A_135, %swap3A_136] {strides = array<i32>} : memref<64x768xf32, #tpu.memory_space<vmem>>, vector<1x16xf32>,
      %swap3A_138 = vector.shape_cast %swap3A_137 : vector<1x16xf32> to vector<16xf32>
      %swap3A_139 = vector.shape_cast %get3A_133 : vector<16xf32> to vector<1x16xf32>
      tpu.vector_store %arg6[%swap3A_135, %swap3A_136], %swap3A_139 {strides = array<i32>} : memref<64x768xf32, #tpu.memory_space<vmem>>, vector<1x16xf32>,
      %get3A_140 = arith.constant 0 : i32
      %get3A_141 = arith.index_cast %get3A_140 : i32 to index
      %get3A_142 = arith.constant 16 : index
      %get3A_143 = tpu.vector_load %arg8[%get3A_141, %get3A_142] {strides = array<i32>} : memref<1x768xf32, #tpu.memory_space<vmem>>, vector<1x16xf32>,
      %get3A_144 = vector.shape_cast %get3A_143 : vector<1x16xf32> to vector<16xf32>
      %swap3A_145 = arith.constant 0 : i32
      %swap3A_146 = arith.index_cast %swap3A_145 : i32 to index
      %swap3A_147 = arith.constant 16 : index
      %swap3A_148 = tpu.vector_load %arg6[%swap3A_146, %swap3A_147] {strides = array<i32>} : memref<64x768xf32, #tpu.memory_space<vmem>>, vector<1x16xf32>,
      %swap3A_149 = vector.shape_cast %swap3A_148 : vector<1x16xf32> to vector<16xf32>
      %swap3A_150 = vector.shape_cast %get3A_144 : vector<16xf32> to vector<1x16xf32>
      tpu.vector_store %arg6[%swap3A_146, %swap3A_147], %swap3A_150 {strides = array<i32>} : memref<64x768xf32, #tpu.memory_space<vmem>>, vector<1x16xf32>,
      %get3A_151 = arith.constant 0 : i32
      %get3A_152 = arith.index_cast %get3A_151 : i32 to index
      %get3A_153 = arith.constant 32 : index
      %get3A_154 = tpu.vector_load %arg8[%get3A_152, %get3A_153] {strides = array<i32>} : memref<1x768xf32, #tpu.memory_space<vmem>>, vector<1x16xf32>,
      %get3A_155 = vector.shape_cast %get3A_154 : vector<1x16xf32> to vector<16xf32>
      %swap3A_156 = arith.constant 0 : i32
      %swap3A_157 = arith.index_cast %swap3A_156 : i32 to index
      %swap3A_158 = arith.constant 32 : index
      %swap3A_159 = tpu.vector_load %arg6[%swap3A_157, %swap3A_158] {strides = array<i32>} : memref<64x768xf32, #tpu.memory_space<vmem>>, vector<1x16xf32>,
      %swap3A_160 = vector.shape_cast %swap3A_159 : vector<1x16xf32> to vector<16xf32>
      %swap3A_161 = vector.shape_cast %get3A_155 : vector<16xf32> to vector<1x16xf32>
      tpu.vector_store %arg6[%swap3A_157, %swap3A_158], %swap3A_161 {strides = array<i32>} : memref<64x768xf32, #tpu.memory_space<vmem>>, vector<1x16xf32>,
      %get3A_162 = arith.constant 0 : i32
      %get3A_163 = arith.index_cast %get3A_162 : i32 to index
      %get3A_164 = arith.constant 48 : index
      %get3A_165 = tpu.vector_load %arg8[%get3A_163, %get3A_164] {strides = array<i32>} : memref<1x768xf32, #tpu.memory_space<vmem>>, vector<1x16xf32>,
      %get3A_166 = vector.shape_cast %get3A_165 : vector<1x16xf32> to vector<16xf32>
      %swap3A_167 = arith.constant 0 : i32
      %swap3A_168 = arith.index_cast %swap3A_167 : i32 to index
      %swap3A_169 = arith.constant 48 : index
      %swap3A_170 = tpu.vector_load %arg6[%swap3A_168, %swap3A_169] {strides = array<i32>} : memref<64x768xf32, #tpu.memory_space<vmem>>, vector<1x16xf32>,
      %swap3A_171 = vector.shape_cast %swap3A_170 : vector<1x16xf32> to vector<16xf32>
      %swap3A_172 = vector.shape_cast %get3A_166 : vector<16xf32> to vector<1x16xf32>
      tpu.vector_store %arg6[%swap3A_168, %swap3A_169], %swap3A_172 {strides = array<i32>} : memref<64x768xf32, #tpu.memory_space<vmem>>, vector<1x16xf32>,
      %get3A_173 = arith.constant 0 : i32
      %get3A_174 = arith.index_cast %get3A_173 : i32 to index
      %get3A_175 = arith.constant 64 : index
      %get3A_176 = tpu.vector_load %arg8[%get3A_174, %get3A_175] {strides = array<i32>} : memref<1x768xf32, #tpu.memory_space<vmem>>, vector<1x16xf32>,
      %get3A_177 = vector.shape_cast %get3A_176 : vector<1x16xf32> to vector<16xf32>
      %swap3A_178 = arith.constant 0 : i32
      %swap3A_179 = arith.index_cast %swap3A_178 : i32 to index
      %swap3A_180 = arith.constant 64 : index
      %swap3A_181 = tpu.vector_load %arg6[%swap3A_179, %swap3A_180] {strides = array<i32>} : memref<64x768xf32, #tpu.memory_space<vmem>>, vector<1x16xf32>,
      %swap3A_182 = vector.shape_cast %swap3A_181 : vector<1x16xf32> to vector<16xf32>
      %swap3A_183 = vector.shape_cast %get3A_177 : vector<16xf32> to vector<1x16xf32>
      tpu.vector_store %arg6[%swap3A_179, %swap3A_180], %swap3A_183 {strides = array<i32>} : memref<64x768xf32, #tpu.memory_space<vmem>>, vector<1x16xf32>,
      %get3A_184 = arith.constant 0 : i32
      %get3A_185 = arith.index_cast %get3A_184 : i32 to index
      %get3A_186 = arith.constant 80 : index
      %get3A_187 = tpu.vector_load %arg8[%get3A_185, %get3A_186] {strides = array<i32>} : memref<1x768xf32, #tpu.memory_space<vmem>>, vector<1x16xf32>,
      %get3A_188 = vector.shape_cast %get3A_187 : vector<1x16xf32> to vector<16xf32>
      %swap3A_189 = arith.constant 0 : i32
      %swap3A_190 = arith.index_cast %swap3A_189 : i32 to index
      %swap3A_191 = arith.constant 80 : index
      %swap3A_192 = tpu.vector_load %arg6[%swap3A_190, %swap3A_191] {strides = array<i32>} : memref<64x768xf32, #tpu.memory_space<vmem>>, vector<1x16xf32>,
      %swap3A_193 = vector.shape_cast %swap3A_192 : vector<1x16xf32> to vector<16xf32>
      %swap3A_194 = vector.shape_cast %get3A_188 : vector<16xf32> to vector<1x16xf32>
      tpu.vector_store %arg6[%swap3A_190, %swap3A_191], %swap3A_194 {strides = array<i32>} : memref<64x768xf32, #tpu.memory_space<vmem>>, vector<1x16xf32>,
      %get3A_195 = arith.constant 0 : i32
      %get3A_196 = arith.index_cast %get3A_195 : i32 to index
      %get3A_197 = arith.constant 96 : index
      %get3A_198 = tpu.vector_load %arg8[%get3A_196, %get3A_197] {strides = array<i32>} : memref<1x768xf32, #tpu.memory_space<vmem>>, vector<1x16xf32>,
      %get3A_199 = vector.shape_cast %get3A_198 : vector<1x16xf32> to vector<16xf32>
      %swap3A_200 = arith.constant 0 : i32
      %swap3A_201 = arith.index_cast %swap3A_200 : i32 to index
      %swap3A_202 = arith.constant 96 : index
      %swap3A_203 = tpu.vector_load %arg6[%swap3A_201, %swap3A_202] {strides = array<i32>} : memref<64x768xf32, #tpu.memory_space<vmem>>, vector<1x16xf32>,
      %swap3A_204 = vector.shape_cast %swap3A_203 : vector<1x16xf32> to vector<16xf32>
      %swap3A_205 = vector.shape_cast %get3A_199 : vector<16xf32> to vector<1x16xf32>
      tpu.vector_store %arg6[%swap3A_201, %swap3A_202], %swap3A_205 {strides = array<i32>} : memref<64x768xf32, #tpu.memory_space<vmem>>, vector<1x16xf32>,
      %get3A_206 = arith.constant 0 : i32
      %get3A_207 = arith.index_cast %get3A_206 : i32 to index
      %get3A_208 = arith.constant 112 : index
      %get3A_209 = tpu.vector_load %arg8[%get3A_207, %get3A_208] {strides = array<i32>} : memref<1x768xf32, #tpu.memory_space<vmem>>, vector<1x16xf32>,
      %get3A_210 = vector.shape_cast %get3A_209 : vector<1x16xf32> to vector<16xf32>
      %swap3A_211 = arith.constant 0 : i32
      %swap3A_212 = arith.index_cast %swap3A_211 : i32 to index
      %swap3A_213 = arith.constant 112 : index
      %swap3A_214 = tpu.vector_load %arg6[%swap3A_212, %swap3A_213] {strides = array<i32>} : memref<64x768xf32, #tpu.memory_space<vmem>>, vector<1x16xf32>,
      %swap3A_215 = vector.shape_cast %swap3A_214 : vector<1x16xf32> to vector<16xf32>
      %swap3A_216 = vector.shape_cast %get3A_210 : vector<16xf32> to vector<1x16xf32>
      tpu.vector_store %arg6[%swap3A_212, %swap3A_213], %swap3A_216 {strides = array<i32>} : memref<64x768xf32, #tpu.memory_space<vmem>>, vector<1x16xf32>,
      %get3A_217 = arith.constant 0 : i32
      %get3A_218 = arith.index_cast %get3A_217 : i32 to index
      %get3A_219 = arith.constant 128 : index
      %get3A_220 = tpu.vector_load %arg8[%get3A_218, %get3A_219] {strides = array<i32>} : memref<1x768xf32, #tpu.memory_space<vmem>>, vector<1x16xf32>,
      %get3A_221 = vector.shape_cast %get3A_220 : vector<1x16xf32> to vector<16xf32>
      %swap3A_222 = arith.constant 0 : i32
      %swap3A_223 = arith.index_cast %swap3A_222 : i32 to index
      %swap3A_224 = arith.constant 128 : index
      %swap3A_225 = tpu.vector_load %arg6[%swap3A_223, %swap3A_224] {strides = array<i32>} : memref<64x768xf32, #tpu.memory_space<vmem>>, vector<1x16xf32>,
      %swap3A_226 = vector.shape_cast %swap3A_225 : vector<1x16xf32> to vector<16xf32>
      %swap3A_227 = vector.shape_cast %get3A_221 : vector<16xf32> to vector<1x16xf32>
      tpu.vector_store %arg6[%swap3A_223, %swap3A_224], %swap3A_227 {strides = array<i32>} : memref<64x768xf32, #tpu.memory_space<vmem>>, vector<1x16xf32>,
      %get3A_228 = arith.constant 0 : i32
      %get3A_229 = arith.index_cast %get3A_228 : i32 to index
      %get3A_230 = arith.constant 144 : index
      %get3A_231 = tpu.vector_load %arg8[%get3A_229, %get3A_230] {strides = array<i32>} : memref<1x768xf32, #tpu.memory_space<vmem>>, vector<1x16xf32>,
      %get3A_232 = vector.shape_cast %get3A_231 : vector<1x16xf32> to vector<16xf32>
      %swap3A_233 = arith.constant 0 : i32
      %swap3A_234 = arith.index_cast %swap3A_233 : i32 to index
      %swap3A_235 = arith.constant 144 : index
      %swap3A_236 = tpu.vector_load %arg6[%swap3A_234, %swap3A_235] {strides = array<i32>} : memref<64x768xf32, #tpu.memory_space<vmem>>, vector<1x16xf32>,
      %swap3A_237 = vector.shape_cast %swap3A_236 : vector<1x16xf32> to vector<16xf32>
      %swap3A_238 = vector.shape_cast %get3A_232 : vector<16xf32> to vector<1x16xf32>
      tpu.vector_store %arg6[%swap3A_234, %swap3A_235], %swap3A_238 {strides = array<i32>} : memref<64x768xf32, #tpu.memory_space<vmem>>, vector<1x16xf32>,
      %get3A_239 = arith.constant 0 : i32
      %get3A_240 = arith.index_cast %get3A_239 : i32 to index
      %get3A_241 = arith.constant 160 : index
      %get3A_242 = tpu.vector_load %arg8[%get3A_240, %get3A_241] {strides = array<i32>} : memref<1x768xf32, #tpu.memory_space<vmem>>, vector<1x16xf32>,
      %get3A_243 = vector.shape_cast %get3A_242 : vector<1x16xf32> to vector<16xf32>
      %swap3A_244 = arith.constant 0 : i32
      %swap3A_245 = arith.index_cast %swap3A_244 : i32 to index
      %swap3A_246 = arith.constant 160 : index
      %swap3A_247 = tpu.vector_load %arg6[%swap3A_245, %swap3A_246] {strides = array<i32>} : memref<64x768xf32, #tpu.memory_space<vmem>>, vector<1x16xf32>,
      %swap3A_248 = vector.shape_cast %swap3A_247 : vector<1x16xf32> to vector<16xf32>
      %swap3A_249 = vector.shape_cast %get3A_243 : vector<16xf32> to vector<1x16xf32>
      tpu.vector_store %arg6[%swap3A_245, %swap3A_246], %swap3A_249 {strides = array<i32>} : memref<64x768xf32, #tpu.memory_space<vmem>>, vector<1x16xf32>,
      %get3A_250 = arith.constant 0 : i32
      %get3A_251 = arith.index_cast %get3A_250 : i32 to index
      %get3A_252 = arith.constant 176 : index
      %get3A_253 = tpu.vector_load %arg8[%get3A_251, %get3A_252] {strides = array<i32>} : memref<1x768xf32, #tpu.memory_space<vmem>>, vector<1x16xf32>,
      %get3A_254 = vector.shape_cast %get3A_253 : vector<1x16xf32> to vector<16xf32>
      %swap3A_255 = arith.constant 0 : i32
      %swap3A_256 = arith.index_cast %swap3A_255 : i32 to index
      %swap3A_257 = arith.constant 176 : index
      %swap3A_258 = tpu.vector_load %arg6[%swap3A_256, %swap3A_257] {strides = array<i32>} : memref<64x768xf32, #tpu.memory_space<vmem>>, vector<1x16xf32>,
      %swap3A_259 = vector.shape_cast %swap3A_258 : vector<1x16xf32> to vector<16xf32>
      %swap3A_260 = vector.shape_cast %get3A_254 : vector<16xf32> to vector<1x16xf32>
      tpu.vector_store %arg6[%swap3A_256, %swap3A_257], %swap3A_260 {strides = array<i32>} : memref<64x768xf32, #tpu.memory_space<vmem>>, vector<1x16xf32>,
      %get3A_261 = arith.constant 0 : i32
      %get3A_262 = arith.index_cast %get3A_261 : i32 to index
      %get3A_263 = arith.constant 192 : index
      %get3A_264 = tpu.vector_load %arg8[%get3A_262, %get3A_263] {strides = array<i32>} : memref<1x768xf32, #tpu.memory_space<vmem>>, vector<1x16xf32>,
      %get3A_265 = vector.shape_cast %get3A_264 : vector<1x16xf32> to vector<16xf32>
      %swap3A_266 = arith.constant 0 : i32
      %swap3A_267 = arith.index_cast %swap3A_266 : i32 to index
      %swap3A_268 = arith.constant 192 : index
      %swap3A_269 = tpu.vector_load %arg6[%swap3A_267, %swap3A_268] {strides = array<i32>} : memref<64x768xf32, #tpu.memory_space<vmem>>, vector<1x16xf32>,
      %swap3A_270 = vector.shape_cast %swap3A_269 : vector<1x16xf32> to vector<16xf32>
      %swap3A_271 = vector.shape_cast %get3A_265 : vector<16xf32> to vector<1x16xf32>
      tpu.vector_store %arg6[%swap3A_267, %swap3A_268], %swap3A_271 {strides = array<i32>} : memref<64x768xf32, #tpu.memory_space<vmem>>, vector<1x16xf32>,
      %get3A_272 = arith.constant 0 : i32
      %get3A_273 = arith.index_cast %get3A_272 : i32 to index
      %get3A_274 = arith.constant 208 : index
      %get3A_275 = tpu.vector_load %arg8[%get3A_273, %get3A_274] {strides = array<i32>} : memref<1x768xf32, #tpu.memory_space<vmem>>, vector<1x16xf32>,
      %get3A_276 = vector.shape_cast %get3A_275 : vector<1x16xf32> to vector<16xf32>
      %swap3A_277 = arith.constant 0 : i32
      %swap3A_278 = arith.index_cast %swap3A_277 : i32 to index
      %swap3A_279 = arith.constant 208 : index
      %swap3A_280 = tpu.vector_load %arg6[%swap3A_278, %swap3A_279] {strides = array<i32>} : memref<64x768xf32, #tpu.memory_space<vmem>>, vector<1x16xf32>,
      %swap3A_281 = vector.shape_cast %swap3A_280 : vector<1x16xf32> to vector<16xf32>
      %swap3A_282 = vector.shape_cast %get3A_276 : vector<16xf32> to vector<1x16xf32>
      tpu.vector_store %arg6[%swap3A_278, %swap3A_279], %swap3A_282 {strides = array<i32>} : memref<64x768xf32, #tpu.memory_space<vmem>>, vector<1x16xf32>,
      %get3A_283 = arith.constant 0 : i32
      %get3A_284 = arith.index_cast %get3A_283 : i32 to index
      %get3A_285 = arith.constant 224 : index
      %get3A_286 = tpu.vector_load %arg8[%get3A_284, %get3A_285] {strides = array<i32>} : memref<1x768xf32, #tpu.memory_space<vmem>>, vector<1x16xf32>,
      %get3A_287 = vector.shape_cast %get3A_286 : vector<1x16xf32> to vector<16xf32>
      %swap3A_288 = arith.constant 0 : i32
      %swap3A_289 = arith.index_cast %swap3A_288 : i32 to index
      %swap3A_290 = arith.constant 224 : index
      %swap3A_291 = tpu.vector_load %arg6[%swap3A_289, %swap3A_290] {strides = array<i32>} : memref<64x768xf32, #tpu.memory_space<vmem>>, vector<1x16xf32>,
      %swap3A_292 = vector.shape_cast %swap3A_291 : vector<1x16xf32> to vector<16xf32>
      %swap3A_293 = vector.shape_cast %get3A_287 : vector<16xf32> to vector<1x16xf32>
      tpu.vector_store %arg6[%swap3A_289, %swap3A_290], %swap3A_293 {strides = array<i32>} : memref<64x768xf32, #tpu.memory_space<vmem>>, vector<1x16xf32>,
      %get3A_294 = arith.constant 0 : i32
      %get3A_295 = arith.index_cast %get3A_294 : i32 to index
      %get3A_296 = arith.constant 240 : index
      %get3A_297 = tpu.vector_load %arg8[%get3A_295, %get3A_296] {strides = array<i32>} : memref<1x768xf32, #tpu.memory_space<vmem>>, vector<1x16xf32>,
      %get3A_298 = vector.shape_cast %get3A_297 : vector<1x16xf32> to vector<16xf32>
      %swap3A_299 = arith.constant 0 : i32
      %swap3A_300 = arith.index_cast %swap3A_299 : i32 to index
      %swap3A_301 = arith.constant 240 : index
      %swap3A_302 = tpu.vector_load %arg6[%swap3A_300, %swap3A_301] {strides = array<i32>} : memref<64x768xf32, #tpu.memory_space<vmem>>, vector<1x16xf32>,
      %swap3A_303 = vector.shape_cast %swap3A_302 : vector<1x16xf32> to vector<16xf32>
      %swap3A_304 = vector.shape_cast %get3A_298 : vector<16xf32> to vector<1x16xf32>
      tpu.vector_store %arg6[%swap3A_300, %swap3A_301], %swap3A_304 {strides = array<i32>} : memref<64x768xf32, #tpu.memory_space<vmem>>, vector<1x16xf32>,
      %get3A_305 = arith.constant 0 : i32
      %get3A_306 = arith.index_cast %get3A_305 : i32 to index
      %get3A_307 = arith.constant 256 : index
      %get3A_308 = tpu.vector_load %arg8[%get3A_306, %get3A_307] {strides = array<i32>} : memref<1x768xf32, #tpu.memory_space<vmem>>, vector<1x16xf32>,
      %get3A_309 = vector.shape_cast %get3A_308 : vector<1x16xf32> to vector<16xf32>
      %swap3A_310 = arith.constant 0 : i32
      %swap3A_311 = arith.index_cast %swap3A_310 : i32 to index
      %swap3A_312 = arith.constant 256 : index
      %swap3A_313 = tpu.vector_load %arg6[%swap3A_311, %swap3A_312] {strides = array<i32>} : memref<64x768xf32, #tpu.memory_space<vmem>>, vector<1x16xf32>,
      %swap3A_314 = vector.shape_cast %swap3A_313 : vector<1x16xf32> to vector<16xf32>
      %swap3A_315 = vector.shape_cast %get3A_309 : vector<16xf32> to vector<1x16xf32>
      tpu.vector_store %arg6[%swap3A_311, %swap3A_312], %swap3A_315 {strides = array<i32>} : memref<64x768xf32, #tpu.memory_space<vmem>>, vector<1x16xf32>,
      %get3A_316 = arith.constant 0 : i32
      %get3A_317 = arith.index_cast %get3A_316 : i32 to index
      %get3A_318 = arith.constant 272 : index
      %get3A_319 = tpu.vector_load %arg8[%get3A_317, %get3A_318] {strides = array<i32>} : memref<1x768xf32, #tpu.memory_space<vmem>>, vector<1x16xf32>,
      %get3A_320 = vector.shape_cast %get3A_319 : vector<1x16xf32> to vector<16xf32>
      %swap3A_321 = arith.constant 0 : i32
      %swap3A_322 = arith.index_cast %swap3A_321 : i32 to index
      %swap3A_323 = arith.constant 272 : index
      %swap3A_324 = tpu.vector_load %arg6[%swap3A_322, %swap3A_323] {strides = array<i32>} : memref<64x768xf32, #tpu.memory_space<vmem>>, vector<1x16xf32>,
      %swap3A_325 = vector.shape_cast %swap3A_324 : vector<1x16xf32> to vector<16xf32>
      %swap3A_326 = vector.shape_cast %get3A_320 : vector<16xf32> to vector<1x16xf32>
      tpu.vector_store %arg6[%swap3A_322, %swap3A_323], %swap3A_326 {strides = array<i32>} : memref<64x768xf32, #tpu.memory_space<vmem>>, vector<1x16xf32>,
      %get3A_327 = arith.constant 0 : i32
      %get3A_328 = arith.index_cast %get3A_327 : i32 to index
      %get3A_329 = arith.constant 288 : index
      %get3A_330 = tpu.vector_load %arg8[%get3A_328, %get3A_329] {strides = array<i32>} : memref<1x768xf32, #tpu.memory_space<vmem>>, vector<1x16xf32>,
      %get3A_331 = vector.shape_cast %get3A_330 : vector<1x16xf32> to vector<16xf32>
      %swap3A_332 = arith.constant 0 : i32
      %swap3A_333 = arith.index_cast %swap3A_332 : i32 to index
      %swap3A_334 = arith.constant 288 : index
      %swap3A_335 = tpu.vector_load %arg6[%swap3A_333, %swap3A_334] {strides = array<i32>} : memref<64x768xf32, #tpu.memory_space<vmem>>, vector<1x16xf32>,
      %swap3A_336 = vector.shape_cast %swap3A_335 : vector<1x16xf32> to vector<16xf32>
      %swap3A_337 = vector.shape_cast %get3A_331 : vector<16xf32> to vector<1x16xf32>
      tpu.vector_store %arg6[%swap3A_333, %swap3A_334], %swap3A_337 {strides = array<i32>} : memref<64x768xf32, #tpu.memory_space<vmem>>, vector<1x16xf32>,
      %get3A_338 = arith.constant 0 : i32
      %get3A_339 = arith.index_cast %get3A_338 : i32 to index
      %get3A_340 = arith.constant 304 : index
      %get3A_341 = tpu.vector_load %arg8[%get3A_339, %get3A_340] {strides = array<i32>} : memref<1x768xf32, #tpu.memory_space<vmem>>, vector<1x16xf32>,
      %get3A_342 = vector.shape_cast %get3A_341 : vector<1x16xf32> to vector<16xf32>
      %swap3A_343 = arith.constant 0 : i32
      %swap3A_344 = arith.index_cast %swap3A_343 : i32 to index
      %swap3A_345 = arith.constant 304 : index
      %swap3A_346 = tpu.vector_load %arg6[%swap3A_344, %swap3A_345] {strides = array<i32>} : memref<64x768xf32, #tpu.memory_space<vmem>>, vector<1x16xf32>,
      %swap3A_347 = vector.shape_cast %swap3A_346 : vector<1x16xf32> to vector<16xf32>
      %swap3A_348 = vector.shape_cast %get3A_342 : vector<16xf32> to vector<1x16xf32>
      tpu.vector_store %arg6[%swap3A_344, %swap3A_345], %swap3A_348 {strides = array<i32>} : memref<64x768xf32, #tpu.memory_space<vmem>>, vector<1x16xf32>,
      %get3A_349 = arith.constant 0 : i32
      %get3A_350 = arith.index_cast %get3A_349 : i32 to index
      %get3A_351 = arith.constant 320 : index
      %get3A_352 = tpu.vector_load %arg8[%get3A_350, %get3A_351] {strides = array<i32>} : memref<1x768xf32, #tpu.memory_space<vmem>>, vector<1x16xf32>,
      %get3A_353 = vector.shape_cast %get3A_352 : vector<1x16xf32> to vector<16xf32>
      %swap3A_354 = arith.constant 0 : i32
      %swap3A_355 = arith.index_cast %swap3A_354 : i32 to index
      %swap3A_356 = arith.constant 320 : index
      %swap3A_357 = tpu.vector_load %arg6[%swap3A_355, %swap3A_356] {strides = array<i32>} : memref<64x768xf32, #tpu.memory_space<vmem>>, vector<1x16xf32>,
      %swap3A_358 = vector.shape_cast %swap3A_357 : vector<1x16xf32> to vector<16xf32>
      %swap3A_359 = vector.shape_cast %get3A_353 : vector<16xf32> to vector<1x16xf32>
      tpu.vector_store %arg6[%swap3A_355, %swap3A_356], %swap3A_359 {strides = array<i32>} : memref<64x768xf32, #tpu.memory_space<vmem>>, vector<1x16xf32>,
      %get3A_360 = arith.constant 0 : i32
      %get3A_361 = arith.index_cast %get3A_360 : i32 to index
      %get3A_362 = arith.constant 336 : index
      %get3A_363 = tpu.vector_load %arg8[%get3A_361, %get3A_362] {strides = array<i32>} : memref<1x768xf32, #tpu.memory_space<vmem>>, vector<1x16xf32>,
      %get3A_364 = vector.shape_cast %get3A_363 : vector<1x16xf32> to vector<16xf32>
      %swap3A_365 = arith.constant 0 : i32
      %swap3A_366 = arith.index_cast %swap3A_365 : i32 to index
      %swap3A_367 = arith.constant 336 : index
      %swap3A_368 = tpu.vector_load %arg6[%swap3A_366, %swap3A_367] {strides = array<i32>} : memref<64x768xf32, #tpu.memory_space<vmem>>, vector<1x16xf32>,
      %swap3A_369 = vector.shape_cast %swap3A_368 : vector<1x16xf32> to vector<16xf32>
      %swap3A_370 = vector.shape_cast %get3A_364 : vector<16xf32> to vector<1x16xf32>
      tpu.vector_store %arg6[%swap3A_366, %swap3A_367], %swap3A_370 {strides = array<i32>} : memref<64x768xf32, #tpu.memory_space<vmem>>, vector<1x16xf32>,
      %get3A_371 = arith.constant 0 : i32
      %get3A_372 = arith.index_cast %get3A_371 : i32 to index
      %get3A_373 = arith.constant 352 : index
      %get3A_374 = tpu.vector_load %arg8[%get3A_372, %get3A_373] {strides = array<i32>} : memref<1x768xf32, #tpu.memory_space<vmem>>, vector<1x16xf32>,
      %get3A_375 = vector.shape_cast %get3A_374 : vector<1x16xf32> to vector<16xf32>
      %swap3A_376 = arith.constant 0 : i32
      %swap3A_377 = arith.index_cast %swap3A_376 : i32 to index
      %swap3A_378 = arith.constant 352 : index
      %swap3A_379 = tpu.vector_load %arg6[%swap3A_377, %swap3A_378] {strides = array<i32>} : memref<64x768xf32, #tpu.memory_space<vmem>>, vector<1x16xf32>,
      %swap3A_380 = vector.shape_cast %swap3A_379 : vector<1x16xf32> to vector<16xf32>
      %swap3A_381 = vector.shape_cast %get3A_375 : vector<16xf32> to vector<1x16xf32>
      tpu.vector_store %arg6[%swap3A_377, %swap3A_378], %swap3A_381 {strides = array<i32>} : memref<64x768xf32, #tpu.memory_space<vmem>>, vector<1x16xf32>,
      %get3A_382 = arith.constant 0 : i32
      %get3A_383 = arith.index_cast %get3A_382 : i32 to index
      %get3A_384 = arith.constant 368 : index
      %get3A_385 = tpu.vector_load %arg8[%get3A_383, %get3A_384] {strides = array<i32>} : memref<1x768xf32, #tpu.memory_space<vmem>>, vector<1x16xf32>,
      %get3A_386 = vector.shape_cast %get3A_385 : vector<1x16xf32> to vector<16xf32>
      %swap3A_387 = arith.constant 0 : i32
      %swap3A_388 = arith.index_cast %swap3A_387 : i32 to index
      %swap3A_389 = arith.constant 368 : index
      %swap3A_390 = tpu.vector_load %arg6[%swap3A_388, %swap3A_389] {strides = array<i32>} : memref<64x768xf32, #tpu.memory_space<vmem>>, vector<1x16xf32>,
      %swap3A_391 = vector.shape_cast %swap3A_390 : vector<1x16xf32> to vector<16xf32>
      %swap3A_392 = vector.shape_cast %get3A_386 : vector<16xf32> to vector<1x16xf32>
      tpu.vector_store %arg6[%swap3A_388, %swap3A_389], %swap3A_392 {strides = array<i32>} : memref<64x768xf32, #tpu.memory_space<vmem>>, vector<1x16xf32>,
      %get3A_393 = arith.constant 0 : i32
      %get3A_394 = arith.index_cast %get3A_393 : i32 to index
      %get3A_395 = arith.constant 384 : index
      %get3A_396 = tpu.vector_load %arg8[%get3A_394, %get3A_395] {strides = array<i32>} : memref<1x768xf32, #tpu.memory_space<vmem>>, vector<1x16xf32>,
      %get3A_397 = vector.shape_cast %get3A_396 : vector<1x16xf32> to vector<16xf32>
      %swap3A_398 = arith.constant 0 : i32
      %swap3A_399 = arith.index_cast %swap3A_398 : i32 to index
      %swap3A_400 = arith.constant 384 : index
      %swap3A_401 = tpu.vector_load %arg6[%swap3A_399, %swap3A_400] {strides = array<i32>} : memref<64x768xf32, #tpu.memory_space<vmem>>, vector<1x16xf32>,
      %swap3A_402 = vector.shape_cast %swap3A_401 : vector<1x16xf32> to vector<16xf32>
      %swap3A_403 = vector.shape_cast %get3A_397 : vector<16xf32> to vector<1x16xf32>
      tpu.vector_store %arg6[%swap3A_399, %swap3A_400], %swap3A_403 {strides = array<i32>} : memref<64x768xf32, #tpu.memory_space<vmem>>, vector<1x16xf32>,
      %get3A_404 = arith.constant 0 : i32
      %get3A_405 = arith.index_cast %get3A_404 : i32 to index
      %get3A_406 = arith.constant 400 : index
      %get3A_407 = tpu.vector_load %arg8[%get3A_405, %get3A_406] {strides = array<i32>} : memref<1x768xf32, #tpu.memory_space<vmem>>, vector<1x16xf32>,
      %get3A_408 = vector.shape_cast %get3A_407 : vector<1x16xf32> to vector<16xf32>
      %swap3A_409 = arith.constant 0 : i32
      %swap3A_410 = arith.index_cast %swap3A_409 : i32 to index
      %swap3A_411 = arith.constant 400 : index
      %swap3A_412 = tpu.vector_load %arg6[%swap3A_410, %swap3A_411] {strides = array<i32>} : memref<64x768xf32, #tpu.memory_space<vmem>>, vector<1x16xf32>,
      %swap3A_413 = vector.shape_cast %swap3A_412 : vector<1x16xf32> to vector<16xf32>
      %swap3A_414 = vector.shape_cast %get3A_408 : vector<16xf32> to vector<1x16xf32>
      tpu.vector_store %arg6[%swap3A_410, %swap3A_411], %swap3A_414 {strides = array<i32>} : memref<64x768xf32, #tpu.memory_space<vmem>>, vector<1x16xf32>,
      %get3A_415 = arith.constant 0 : i32
      %get3A_416 = arith.index_cast %get3A_415 : i32 to index
      %get3A_417 = arith.constant 416 : index
      %get3A_418 = tpu.vector_load %arg8[%get3A_416, %get3A_417] {strides = array<i32>} : memref<1x768xf32, #tpu.memory_space<vmem>>, vector<1x16xf32>,
      %get3A_419 = vector.shape_cast %get3A_418 : vector<1x16xf32> to vector<16xf32>
      %swap3A_420 = arith.constant 0 : i32
      %swap3A_421 = arith.index_cast %swap3A_420 : i32 to index
      %swap3A_422 = arith.constant 416 : index
      %swap3A_423 = tpu.vector_load %arg6[%swap3A_421, %swap3A_422] {strides = array<i32>} : memref<64x768xf32, #tpu.memory_space<vmem>>, vector<1x16xf32>,
      %swap3A_424 = vector.shape_cast %swap3A_423 : vector<1x16xf32> to vector<16xf32>
      %swap3A_425 = vector.shape_cast %get3A_419 : vector<16xf32> to vector<1x16xf32>
      tpu.vector_store %arg6[%swap3A_421, %swap3A_422], %swap3A_425 {strides = array<i32>} : memref<64x768xf32, #tpu.memory_space<vmem>>, vector<1x16xf32>,
      %get3A_426 = arith.constant 0 : i32
      %get3A_427 = arith.index_cast %get3A_426 : i32 to index
      %get3A_428 = arith.constant 432 : index
      %get3A_429 = tpu.vector_load %arg8[%get3A_427, %get3A_428] {strides = array<i32>} : memref<1x768xf32, #tpu.memory_space<vmem>>, vector<1x16xf32>,
      %get3A_430 = vector.shape_cast %get3A_429 : vector<1x16xf32> to vector<16xf32>
      %swap3A_431 = arith.constant 0 : i32
      %swap3A_432 = arith.index_cast %swap3A_431 : i32 to index
      %swap3A_433 = arith.constant 432 : index
      %swap3A_434 = tpu.vector_load %arg6[%swap3A_432, %swap3A_433] {strides = array<i32>} : memref<64x768xf32, #tpu.memory_space<vmem>>, vector<1x16xf32>,
      %swap3A_435 = vector.shape_cast %swap3A_434 : vector<1x16xf32> to vector<16xf32>
      %swap3A_436 = vector.shape_cast %get3A_430 : vector<16xf32> to vector<1x16xf32>
      tpu.vector_store %arg6[%swap3A_432, %swap3A_433], %swap3A_436 {strides = array<i32>} : memref<64x768xf32, #tpu.memory_space<vmem>>, vector<1x16xf32>,
      %get3A_437 = arith.constant 0 : i32
      %get3A_438 = arith.index_cast %get3A_437 : i32 to index
      %get3A_439 = arith.constant 448 : index
      %get3A_440 = tpu.vector_load %arg8[%get3A_438, %get3A_439] {strides = array<i32>} : memref<1x768xf32, #tpu.memory_space<vmem>>, vector<1x16xf32>,
      %get3A_441 = vector.shape_cast %get3A_440 : vector<1x16xf32> to vector<16xf32>
      %swap3A_442 = arith.constant 0 : i32
      %swap3A_443 = arith.index_cast %swap3A_442 : i32 to index
      %swap3A_444 = arith.constant 448 : index
      %swap3A_445 = tpu.vector_load %arg6[%swap3A_443, %swap3A_444] {strides = array<i32>} : memref<64x768xf32, #tpu.memory_space<vmem>>, vector<1x16xf32>,
      %swap3A_446 = vector.shape_cast %swap3A_445 : vector<1x16xf32> to vector<16xf32>
      %swap3A_447 = vector.shape_cast %get3A_441 : vector<16xf32> to vector<1x16xf32>
      tpu.vector_store %arg6[%swap3A_443, %swap3A_444], %swap3A_447 {strides = array<i32>} : memref<64x768xf32, #tpu.memory_space<vmem>>, vector<1x16xf32>,
      %get3A_448 = arith.constant 0 : i32
      %get3A_449 = arith.index_cast %get3A_448 : i32 to index
      %get3A_450 = arith.constant 464 : index
      %get3A_451 = tpu.vector_load %arg8[%get3A_449, %get3A_450] {strides = array<i32>} : memref<1x768xf32, #tpu.memory_space<vmem>>, vector<1x16xf32>,
      %get3A_452 = vector.shape_cast %get3A_451 : vector<1x16xf32> to vector<16xf32>
      %swap3A_453 = arith.constant 0 : i32
      %swap3A_454 = arith.index_cast %swap3A_453 : i32 to index
      %swap3A_455 = arith.constant 464 : index
      %swap3A_456 = tpu.vector_load %arg6[%swap3A_454, %swap3A_455] {strides = array<i32>} : memref<64x768xf32, #tpu.memory_space<vmem>>, vector<1x16xf32>,
      %swap3A_457 = vector.shape_cast %swap3A_456 : vector<1x16xf32> to vector<16xf32>
      %swap3A_458 = vector.shape_cast %get3A_452 : vector<16xf32> to vector<1x16xf32>
      tpu.vector_store %arg6[%swap3A_454, %swap3A_455], %swap3A_458 {strides = array<i32>} : memref<64x768xf32, #tpu.memory_space<vmem>>, vector<1x16xf32>,
      %get3A_459 = arith.constant 0 : i32
      %get3A_460 = arith.index_cast %get3A_459 : i32 to index
      %get3A_461 = arith.constant 480 : index
      %get3A_462 = tpu.vector_load %arg8[%get3A_460, %get3A_461] {strides = array<i32>} : memref<1x768xf32, #tpu.memory_space<vmem>>, vector<1x16xf32>,
      %get3A_463 = vector.shape_cast %get3A_462 : vector<1x16xf32> to vector<16xf32>
      %swap3A_464 = arith.constant 0 : i32
      %swap3A_465 = arith.index_cast %swap3A_464 : i32 to index
      %swap3A_466 = arith.constant 480 : index
      %swap3A_467 = tpu.vector_load %arg6[%swap3A_465, %swap3A_466] {strides = array<i32>} : memref<64x768xf32, #tpu.memory_space<vmem>>, vector<1x16xf32>,
      %swap3A_468 = vector.shape_cast %swap3A_467 : vector<1x16xf32> to vector<16xf32>
      %swap3A_469 = vector.shape_cast %get3A_463 : vector<16xf32> to vector<1x16xf32>
      tpu.vector_store %arg6[%swap3A_465, %swap3A_466], %swap3A_469 {strides = array<i32>} : memref<64x768xf32, #tpu.memory_space<vmem>>, vector<1x16xf32>,
      %get3A_470 = arith.constant 0 : i32
      %get3A_471 = arith.index_cast %get3A_470 : i32 to index
      %get3A_472 = arith.constant 496 : index
      %get3A_473 = tpu.vector_load %arg8[%get3A_471, %get3A_472] {strides = array<i32>} : memref<1x768xf32, #tpu.memory_space<vmem>>, vector<1x16xf32>,
      %get3A_474 = vector.shape_cast %get3A_473 : vector<1x16xf32> to vector<16xf32>
      %swap3A_475 = arith.constant 0 : i32
      %swap3A_476 = arith.index_cast %swap3A_475 : i32 to index
      %swap3A_477 = arith.constant 496 : index
      %swap3A_478 = tpu.vector_load %arg6[%swap3A_476, %swap3A_477] {strides = array<i32>} : memref<64x768xf32, #tpu.memory_space<vmem>>, vector<1x16xf32>,
      %swap3A_479 = vector.shape_cast %swap3A_478 : vector<1x16xf32> to vector<16xf32>
      %swap3A_480 = vector.shape_cast %get3A_474 : vector<16xf32> to vector<1x16xf32>
      tpu.vector_store %arg6[%swap3A_476, %swap3A_477], %swap3A_480 {strides = array<i32>} : memref<64x768xf32, #tpu.memory_space<vmem>>, vector<1x16xf32>,
      %get3A_481 = arith.constant 0 : i32
      %get3A_482 = arith.index_cast %get3A_481 : i32 to index
      %get3A_483 = arith.constant 512 : index
      %get3A_484 = tpu.vector_load %arg8[%get3A_482, %get3A_483] {strides = array<i32>} : memref<1x768xf32, #tpu.memory_space<vmem>>, vector<1x16xf32>,
      %get3A_485 = vector.shape_cast %get3A_484 : vector<1x16xf32> to vector<16xf32>
      %swap3A_486 = arith.constant 0 : i32
      %swap3A_487 = arith.index_cast %swap3A_486 : i32 to index
      %swap3A_488 = arith.constant 512 : index
      %swap3A_489 = tpu.vector_load %arg6[%swap3A_487, %swap3A_488] {strides = array<i32>} : memref<64x768xf32, #tpu.memory_space<vmem>>, vector<1x16xf32>,
      %swap3A_490 = vector.shape_cast %swap3A_489 : vector<1x16xf32> to vector<16xf32>
      %swap3A_491 = vector.shape_cast %get3A_485 : vector<16xf32> to vector<1x16xf32>
      tpu.vector_store %arg6[%swap3A_487, %swap3A_488], %swap3A_491 {strides = array<i32>} : memref<64x768xf32, #tpu.memory_space<vmem>>, vector<1x16xf32>,
      %get3A_492 = arith.constant 0 : i32
      %get3A_493 = arith.index_cast %get3A_492 : i32 to index
      %get3A_494 = arith.constant 528 : index
      %get3A_495 = tpu.vector_load %arg8[%get3A_493, %get3A_494] {strides = array<i32>} : memref<1x768xf32, #tpu.memory_space<vmem>>, vector<1x16xf32>,
      %get3A_496 = vector.shape_cast %get3A_495 : vector<1x16xf32> to vector<16xf32>
      %swap3A_497 = arith.constant 0 : i32
      %swap3A_498 = arith.index_cast %swap3A_497 : i32 to index
      %swap3A_499 = arith.constant 528 : index
      %swap3A_500 = tpu.vector_load %arg6[%swap3A_498, %swap3A_499] {strides = array<i32>} : memref<64x768xf32, #tpu.memory_space<vmem>>, vector<1x16xf32>,
      %swap3A_501 = vector.shape_cast %swap3A_500 : vector<1x16xf32> to vector<16xf32>
      %swap3A_502 = vector.shape_cast %get3A_496 : vector<16xf32> to vector<1x16xf32>
      tpu.vector_store %arg6[%swap3A_498, %swap3A_499], %swap3A_502 {strides = array<i32>} : memref<64x768xf32, #tpu.memory_space<vmem>>, vector<1x16xf32>,
      %get3A_503 = arith.constant 0 : i32
      %get3A_504 = arith.index_cast %get3A_503 : i32 to index
      %get3A_505 = arith.constant 544 : index
      %get3A_506 = tpu.vector_load %arg8[%get3A_504, %get3A_505] {strides = array<i32>} : memref<1x768xf32, #tpu.memory_space<vmem>>, vector<1x16xf32>,
      %get3A_507 = vector.shape_cast %get3A_506 : vector<1x16xf32> to vector<16xf32>
      %swap3A_508 = arith.constant 0 : i32
      %swap3A_509 = arith.index_cast %swap3A_508 : i32 to index
      %swap3A_510 = arith.constant 544 : index
      %swap3A_511 = tpu.vector_load %arg6[%swap3A_509, %swap3A_510] {strides = array<i32>} : memref<64x768xf32, #tpu.memory_space<vmem>>, vector<1x16xf32>,
      %swap3A_512 = vector.shape_cast %swap3A_511 : vector<1x16xf32> to vector<16xf32>
      %swap3A_513 = vector.shape_cast %get3A_507 : vector<16xf32> to vector<1x16xf32>
      tpu.vector_store %arg6[%swap3A_509, %swap3A_510], %swap3A_513 {strides = array<i32>} : memref<64x768xf32, #tpu.memory_space<vmem>>, vector<1x16xf32>,
      %get3A_514 = arith.constant 0 : i32
      %get3A_515 = arith.index_cast %get3A_514 : i32 to index
      %get3A_516 = arith.constant 560 : index
      %get3A_517 = tpu.vector_load %arg8[%get3A_515, %get3A_516] {strides = array<i32>} : memref<1x768xf32, #tpu.memory_space<vmem>>, vector<1x16xf32>,
      %get3A_518 = vector.shape_cast %get3A_517 : vector<1x16xf32> to vector<16xf32>
      %swap3A_519 = arith.constant 0 : i32
      %swap3A_520 = arith.index_cast %swap3A_519 : i32 to index
      %swap3A_521 = arith.constant 560 : index
      %swap3A_522 = tpu.vector_load %arg6[%swap3A_520, %swap3A_521] {strides = array<i32>} : memref<64x768xf32, #tpu.memory_space<vmem>>, vector<1x16xf32>,
      %swap3A_523 = vector.shape_cast %swap3A_522 : vector<1x16xf32> to vector<16xf32>
      %swap3A_524 = vector.shape_cast %get3A_518 : vector<16xf32> to vector<1x16xf32>
      tpu.vector_store %arg6[%swap3A_520, %swap3A_521], %swap3A_524 {strides = array<i32>} : memref<64x768xf32, #tpu.memory_space<vmem>>, vector<1x16xf32>,
      %get3A_525 = arith.constant 0 : i32
      %get3A_526 = arith.index_cast %get3A_525 : i32 to index
      %get3A_527 = arith.constant 576 : index
      %get3A_528 = tpu.vector_load %arg8[%get3A_526, %get3A_527] {strides = array<i32>} : memref<1x768xf32, #tpu.memory_space<vmem>>, vector<1x16xf32>,
      %get3A_529 = vector.shape_cast %get3A_528 : vector<1x16xf32> to vector<16xf32>
      %swap3A_530 = arith.constant 0 : i32
      %swap3A_531 = arith.index_cast %swap3A_530 : i32 to index
      %swap3A_532 = arith.constant 576 : index
      %swap3A_533 = tpu.vector_load %arg6[%swap3A_531, %swap3A_532] {strides = array<i32>} : memref<64x768xf32, #tpu.memory_space<vmem>>, vector<1x16xf32>,
      %swap3A_534 = vector.shape_cast %swap3A_533 : vector<1x16xf32> to vector<16xf32>
      %swap3A_535 = vector.shape_cast %get3A_529 : vector<16xf32> to vector<1x16xf32>
      tpu.vector_store %arg6[%swap3A_531, %swap3A_532], %swap3A_535 {strides = array<i32>} : memref<64x768xf32, #tpu.memory_space<vmem>>, vector<1x16xf32>,
      %get3A_536 = arith.constant 0 : i32
      %get3A_537 = arith.index_cast %get3A_536 : i32 to index
      %get3A_538 = arith.constant 592 : index
      %get3A_539 = tpu.vector_load %arg8[%get3A_537, %get3A_538] {strides = array<i32>} : memref<1x768xf32, #tpu.memory_space<vmem>>, vector<1x16xf32>,
      %get3A_540 = vector.shape_cast %get3A_539 : vector<1x16xf32> to vector<16xf32>
      %swap3A_541 = arith.constant 0 : i32
      %swap3A_542 = arith.index_cast %swap3A_541 : i32 to index
      %swap3A_543 = arith.constant 592 : index
      %swap3A_544 = tpu.vector_load %arg6[%swap3A_542, %swap3A_543] {strides = array<i32>} : memref<64x768xf32, #tpu.memory_space<vmem>>, vector<1x16xf32>,
      %swap3A_545 = vector.shape_cast %swap3A_544 : vector<1x16xf32> to vector<16xf32>
      %swap3A_546 = vector.shape_cast %get3A_540 : vector<16xf32> to vector<1x16xf32>
      tpu.vector_store %arg6[%swap3A_542, %swap3A_543], %swap3A_546 {strides = array<i32>} : memref<64x768xf32, #tpu.memory_space<vmem>>, vector<1x16xf32>,
      %get3A_547 = arith.constant 0 : i32
      %get3A_548 = arith.index_cast %get3A_547 : i32 to index
      %get3A_549 = arith.constant 608 : index
      %get3A_550 = tpu.vector_load %arg8[%get3A_548, %get3A_549] {strides = array<i32>} : memref<1x768xf32, #tpu.memory_space<vmem>>, vector<1x16xf32>,
      %get3A_551 = vector.shape_cast %get3A_550 : vector<1x16xf32> to vector<16xf32>
      %swap3A_552 = arith.constant 0 : i32
      %swap3A_553 = arith.index_cast %swap3A_552 : i32 to index
      %swap3A_554 = arith.constant 608 : index
      %swap3A_555 = tpu.vector_load %arg6[%swap3A_553, %swap3A_554] {strides = array<i32>} : memref<64x768xf32, #tpu.memory_space<vmem>>, vector<1x16xf32>,
      %swap3A_556 = vector.shape_cast %swap3A_555 : vector<1x16xf32> to vector<16xf32>
      %swap3A_557 = vector.shape_cast %get3A_551 : vector<16xf32> to vector<1x16xf32>
      tpu.vector_store %arg6[%swap3A_553, %swap3A_554], %swap3A_557 {strides = array<i32>} : memref<64x768xf32, #tpu.memory_space<vmem>>, vector<1x16xf32>,
      %get3A_558 = arith.constant 0 : i32
      %get3A_559 = arith.index_cast %get3A_558 : i32 to index
      %get3A_560 = arith.constant 624 : index
      %get3A_561 = tpu.vector_load %arg8[%get3A_559, %get3A_560] {strides = array<i32>} : memref<1x768xf32, #tpu.memory_space<vmem>>, vector<1x16xf32>,
      %get3A_562 = vector.shape_cast %get3A_561 : vector<1x16xf32> to vector<16xf32>
      %swap3A_563 = arith.constant 0 : i32
      %swap3A_564 = arith.index_cast %swap3A_563 : i32 to index
      %swap3A_565 = arith.constant 624 : index
      %swap3A_566 = tpu.vector_load %arg6[%swap3A_564, %swap3A_565] {strides = array<i32>} : memref<64x768xf32, #tpu.memory_space<vmem>>, vector<1x16xf32>,
      %swap3A_567 = vector.shape_cast %swap3A_566 : vector<1x16xf32> to vector<16xf32>
      %swap3A_568 = vector.shape_cast %get3A_562 : vector<16xf32> to vector<1x16xf32>
      tpu.vector_store %arg6[%swap3A_564, %swap3A_565], %swap3A_568 {strides = array<i32>} : memref<64x768xf32, #tpu.memory_space<vmem>>, vector<1x16xf32>,
      %get3A_569 = arith.constant 0 : i32
      %get3A_570 = arith.index_cast %get3A_569 : i32 to index
      %get3A_571 = arith.constant 640 : index
      %get3A_572 = tpu.vector_load %arg8[%get3A_570, %get3A_571] {strides = array<i32>} : memref<1x768xf32, #tpu.memory_space<vmem>>, vector<1x16xf32>,
      %get3A_573 = vector.shape_cast %get3A_572 : vector<1x16xf32> to vector<16xf32>
      %swap3A_574 = arith.constant 0 : i32
      %swap3A_575 = arith.index_cast %swap3A_574 : i32 to index
      %swap3A_576 = arith.constant 640 : index
      %swap3A_577 = tpu.vector_load %arg6[%swap3A_575, %swap3A_576] {strides = array<i32>} : memref<64x768xf32, #tpu.memory_space<vmem>>, vector<1x16xf32>,
      %swap3A_578 = vector.shape_cast %swap3A_577 : vector<1x16xf32> to vector<16xf32>
      %swap3A_579 = vector.shape_cast %get3A_573 : vector<16xf32> to vector<1x16xf32>
      tpu.vector_store %arg6[%swap3A_575, %swap3A_576], %swap3A_579 {strides = array<i32>} : memref<64x768xf32, #tpu.memory_space<vmem>>, vector<1x16xf32>,
      %get3A_580 = arith.constant 0 : i32
      %get3A_581 = arith.index_cast %get3A_580 : i32 to index
      %get3A_582 = arith.constant 656 : index
      %get3A_583 = tpu.vector_load %arg8[%get3A_581, %get3A_582] {strides = array<i32>} : memref<1x768xf32, #tpu.memory_space<vmem>>, vector<1x16xf32>,
      %get3A_584 = vector.shape_cast %get3A_583 : vector<1x16xf32> to vector<16xf32>
      %swap3A_585 = arith.constant 0 : i32
      %swap3A_586 = arith.index_cast %swap3A_585 : i32 to index
      %swap3A_587 = arith.constant 656 : index
      %swap3A_588 = tpu.vector_load %arg6[%swap3A_586, %swap3A_587] {strides = array<i32>} : memref<64x768xf32, #tpu.memory_space<vmem>>, vector<1x16xf32>,
      %swap3A_589 = vector.shape_cast %swap3A_588 : vector<1x16xf32> to vector<16xf32>
      %swap3A_590 = vector.shape_cast %get3A_584 : vector<16xf32> to vector<1x16xf32>
      tpu.vector_store %arg6[%swap3A_586, %swap3A_587], %swap3A_590 {strides = array<i32>} : memref<64x768xf32, #tpu.memory_space<vmem>>, vector<1x16xf32>,
      %get3A_591 = arith.constant 0 : i32
      %get3A_592 = arith.index_cast %get3A_591 : i32 to index
      %get3A_593 = arith.constant 672 : index
      %get3A_594 = tpu.vector_load %arg8[%get3A_592, %get3A_593] {strides = array<i32>} : memref<1x768xf32, #tpu.memory_space<vmem>>, vector<1x16xf32>,
      %get3A_595 = vector.shape_cast %get3A_594 : vector<1x16xf32> to vector<16xf32>
      %swap3A_596 = arith.constant 0 : i32
      %swap3A_597 = arith.index_cast %swap3A_596 : i32 to index
      %swap3A_598 = arith.constant 672 : index
      %swap3A_599 = tpu.vector_load %arg6[%swap3A_597, %swap3A_598] {strides = array<i32>} : memref<64x768xf32, #tpu.memory_space<vmem>>, vector<1x16xf32>,
      %swap3A_600 = vector.shape_cast %swap3A_599 : vector<1x16xf32> to vector<16xf32>
      %swap3A_601 = vector.shape_cast %get3A_595 : vector<16xf32> to vector<1x16xf32>
      tpu.vector_store %arg6[%swap3A_597, %swap3A_598], %swap3A_601 {strides = array<i32>} : memref<64x768xf32, #tpu.memory_space<vmem>>, vector<1x16xf32>,
      %get3A_602 = arith.constant 0 : i32
      %get3A_603 = arith.index_cast %get3A_602 : i32 to index
      %get3A_604 = arith.constant 688 : index
      %get3A_605 = tpu.vector_load %arg8[%get3A_603, %get3A_604] {strides = array<i32>} : memref<1x768xf32, #tpu.memory_space<vmem>>, vector<1x16xf32>,
      %get3A_606 = vector.shape_cast %get3A_605 : vector<1x16xf32> to vector<16xf32>
      %swap3A_607 = arith.constant 0 : i32
      %swap3A_608 = arith.index_cast %swap3A_607 : i32 to index
      %swap3A_609 = arith.constant 688 : index
      %swap3A_610 = tpu.vector_load %arg6[%swap3A_608, %swap3A_609] {strides = array<i32>} : memref<64x768xf32, #tpu.memory_space<vmem>>, vector<1x16xf32>,
      %swap3A_611 = vector.shape_cast %swap3A_610 : vector<1x16xf32> to vector<16xf32>
      %swap3A_612 = vector.shape_cast %get3A_606 : vector<16xf32> to vector<1x16xf32>
      tpu.vector_store %arg6[%swap3A_608, %swap3A_609], %swap3A_612 {strides = array<i32>} : memref<64x768xf32, #tpu.memory_space<vmem>>, vector<1x16xf32>,
      %get3A_613 = arith.constant 0 : i32
      %get3A_614 = arith.index_cast %get3A_613 : i32 to index
      %get3A_615 = arith.constant 704 : index
      %get3A_616 = tpu.vector_load %arg8[%get3A_614, %get3A_615] {strides = array<i32>} : memref<1x768xf32, #tpu.memory_space<vmem>>, vector<1x16xf32>,
      %get3A_617 = vector.shape_cast %get3A_616 : vector<1x16xf32> to vector<16xf32>
      %swap3A_618 = arith.constant 0 : i32
      %swap3A_619 = arith.index_cast %swap3A_618 : i32 to index
      %swap3A_620 = arith.constant 704 : index
      %swap3A_621 = tpu.vector_load %arg6[%swap3A_619, %swap3A_620] {strides = array<i32>} : memref<64x768xf32, #tpu.memory_space<vmem>>, vector<1x16xf32>,
      %swap3A_622 = vector.shape_cast %swap3A_621 : vector<1x16xf32> to vector<16xf32>
      %swap3A_623 = vector.shape_cast %get3A_617 : vector<16xf32> to vector<1x16xf32>
      tpu.vector_store %arg6[%swap3A_619, %swap3A_620], %swap3A_623 {strides = array<i32>} : memref<64x768xf32, #tpu.memory_space<vmem>>, vector<1x16xf32>,
      %get3A_624 = arith.constant 0 : i32
      %get3A_625 = arith.index_cast %get3A_624 : i32 to index
      %get3A_626 = arith.constant 720 : index
      %get3A_627 = tpu.vector_load %arg8[%get3A_625, %get3A_626] {strides = array<i32>} : memref<1x768xf32, #tpu.memory_space<vmem>>, vector<1x16xf32>,
      %get3A_628 = vector.shape_cast %get3A_627 : vector<1x16xf32> to vector<16xf32>
      %swap3A_629 = arith.constant 0 : i32
      %swap3A_630 = arith.index_cast %swap3A_629 : i32 to index
      %swap3A_631 = arith.constant 720 : index
      %swap3A_632 = tpu.vector_load %arg6[%swap3A_630, %swap3A_631] {strides = array<i32>} : memref<64x768xf32, #tpu.memory_space<vmem>>, vector<1x16xf32>,
      %swap3A_633 = vector.shape_cast %swap3A_632 : vector<1x16xf32> to vector<16xf32>
      %swap3A_634 = vector.shape_cast %get3A_628 : vector<16xf32> to vector<1x16xf32>
      tpu.vector_store %arg6[%swap3A_630, %swap3A_631], %swap3A_634 {strides = array<i32>} : memref<64x768xf32, #tpu.memory_space<vmem>>, vector<1x16xf32>,
      %get3A_635 = arith.constant 0 : i32
      %get3A_636 = arith.index_cast %get3A_635 : i32 to index
      %get3A_637 = arith.constant 736 : index
      %get3A_638 = tpu.vector_load %arg8[%get3A_636, %get3A_637] {strides = array<i32>} : memref<1x768xf32, #tpu.memory_space<vmem>>, vector<1x16xf32>,
      %get3A_639 = vector.shape_cast %get3A_638 : vector<1x16xf32> to vector<16xf32>
      %swap3A_640 = arith.constant 0 : i32
      %swap3A_641 = arith.index_cast %swap3A_640 : i32 to index
      %swap3A_642 = arith.constant 736 : index
      %swap3A_643 = tpu.vector_load %arg6[%swap3A_641, %swap3A_642] {strides = array<i32>} : memref<64x768xf32, #tpu.memory_space<vmem>>, vector<1x16xf32>,
      %swap3A_644 = vector.shape_cast %swap3A_643 : vector<1x16xf32> to vector<16xf32>
      %swap3A_645 = vector.shape_cast %get3A_639 : vector<16xf32> to vector<1x16xf32>
      tpu.vector_store %arg6[%swap3A_641, %swap3A_642], %swap3A_645 {strides = array<i32>} : memref<64x768xf32, #tpu.memory_space<vmem>>, vector<1x16xf32>,
      %get3A_646 = arith.constant 0 : i32
      %get3A_647 = arith.index_cast %get3A_646 : i32 to index
      %get3A_648 = arith.constant 752 : index
      %get3A_649 = tpu.vector_load %arg8[%get3A_647, %get3A_648] {strides = array<i32>} : memref<1x768xf32, #tpu.memory_space<vmem>>, vector<1x16xf32>,
      %get3A_650 = vector.shape_cast %get3A_649 : vector<1x16xf32> to vector<16xf32>
      %swap3A_651 = arith.constant 0 : i32
      %swap3A_652 = arith.index_cast %swap3A_651 : i32 to index
      %swap3A_653 = arith.constant 752 : index
      %swap3A_654 = tpu.vector_load %arg6[%swap3A_652, %swap3A_653] {strides = array<i32>} : memref<64x768xf32, #tpu.memory_space<vmem>>, vector<1x16xf32>,
      %swap3A_655 = vector.shape_cast %swap3A_654 : vector<1x16xf32> to vector<16xf32>
      %swap3A_656 = vector.shape_cast %get3A_650 : vector<16xf32> to vector<1x16xf32>
      tpu.vector_store %arg6[%swap3A_652, %swap3A_653], %swap3A_656 {strides = array<i32>} : memref<64x768xf32, #tpu.memory_space<vmem>>, vector<1x16xf32>,
      %dma_start3A_657 = arith.constant 0 : i32
      %dma_start3A_658 = arith.constant 0 : i32
      %dma_start3A_659 = tpu.memref_slice %arg5[%add3A_10, %dma_start3A_657, %dma_start3A_658] : memref<64x577x1536xf32, #tpu.memory_space<hbm>> -> memref<1x64x768xf32, #tpu.memory_space<hbm>>
      %dma_start3A_660 = tpu.memref_squeeze %dma_start3A_659 : memref<1x64x768xf32, #tpu.memory_space<hbm>> -> memref<64x768xf32, #tpu.memory_space<hbm>>
      %dma_start3A_661 = arith.constant 0 : i32
      %dma_start3A_662 = arith.constant 0 : i32
      %dma_start3A_663 = tpu.memref_slice %arg5[%add3A_10, %dma_start3A_661, %dma_start3A_662] : memref<64x577x1536xf32, #tpu.memory_space<hbm>> -> memref<1x64x768xf32, #tpu.memory_space<hbm>>
      %dma_start3A_664 = tpu.memref_squeeze %dma_start3A_663 : memref<1x64x768xf32, #tpu.memory_space<hbm>> -> memref<64x768xf32, #tpu.memory_space<hbm>>
      tpu.enqueue_dma source(%arg6 : memref<64x768xf32, #tpu.memory_space<vmem>>) target(%dma_start3A_664 : memref<64x768xf32, #tpu.memory_space<hbm>>) target_semaphore(%arg15 : memref<!tpu.dma_semaphore, #tpu.memory_space<semaphore_mem>>)
      %iota3A_665 = tpu.iota {dimensions = array<i32: 0>} : vector<16xi32>
      %add3A_666 = arith.constant 63 : i32
      %add3A_667 = vector.broadcast %add3A_666 : i32 to vector<16xi32>
      %add3A_668 = arith.addi %iota3A_665, %add3A_667 : vector<16xi32>
      %jit3A_669 = arith.constant 0 : i32
      %jit3A_670 = arith.constant 575 : i32
      %max3A_671 = vector.broadcast %jit3A_669 : i32 to vector<16xi32>
      %max3A_672 = arith.maxsi %max3A_671, %add3A_668 : vector<16xi32>
      %min3A_673 = vector.broadcast %jit3A_670 : i32 to vector<16xi32>
      %min3A_674 = arith.minsi %min3A_673, %max3A_672 : vector<16xi32>
      %add3A_675 = vector.broadcast %mul3A_17 : i32 to vector<16xi32>
      %add3A_676 = arith.addi %min3A_674, %add3A_675 : vector<16xi32>
      %swap3A_677 = arith.constant 0 : index
      %swap3A_678 = tpu.vector_load %arg11[%swap3A_677] {strides = array<i32>} : memref<64xi32, #tpu.memory_space<vmem>>, vector<16xi32>,
      %swap3A_679 = vector.shape_cast %swap3A_678 : vector<16xi32> to vector<16xi32>
      %swap3A_680 = vector.shape_cast %add3A_676 : vector<16xi32> to vector<16xi32>
      tpu.vector_store %arg11[%swap3A_677], %swap3A_680 {strides = array<i32>} : memref<64xi32, #tpu.memory_space<vmem>>, vector<16xi32>,
      %iota3A_681 = tpu.iota {dimensions = array<i32: 0>} : vector<16xi32>
      %add3A_682 = arith.constant 79 : i32
      %add3A_683 = vector.broadcast %add3A_682 : i32 to vector<16xi32>
      %add3A_684 = arith.addi %iota3A_681, %add3A_683 : vector<16xi32>
      %jit3A_685 = arith.constant 0 : i32
      %jit3A_686 = arith.constant 575 : i32
      %max3A_687 = vector.broadcast %jit3A_685 : i32 to vector<16xi32>
      %max3A_688 = arith.maxsi %max3A_687, %add3A_684 : vector<16xi32>
      %min3A_689 = vector.broadcast %jit3A_686 : i32 to vector<16xi32>
      %min3A_690 = arith.minsi %min3A_689, %max3A_688 : vector<16xi32>
      %add3A_691 = vector.broadcast %mul3A_17 : i32 to vector<16xi32>
      %add3A_692 = arith.addi %min3A_690, %add3A_691 : vector<16xi32>
      %swap3A_693 = arith.constant 16 : index
      %swap3A_694 = tpu.vector_load %arg11[%swap3A_693] {strides = array<i32>} : memref<64xi32, #tpu.memory_space<vmem>>, vector<16xi32>,
      %swap3A_695 = vector.shape_cast %swap3A_694 : vector<16xi32> to vector<16xi32>
      %swap3A_696 = vector.shape_cast %add3A_692 : vector<16xi32> to vector<16xi32>
      tpu.vector_store %arg11[%swap3A_693], %swap3A_696 {strides = array<i32>} : memref<64xi32, #tpu.memory_space<vmem>>, vector<16xi32>,
      %iota3A_697 = tpu.iota {dimensions = array<i32: 0>} : vector<16xi32>
      %add3A_698 = arith.constant 95 : i32
      %add3A_699 = vector.broadcast %add3A_698 : i32 to vector<16xi32>
      %add3A_700 = arith.addi %iota3A_697, %add3A_699 : vector<16xi32>
      %jit3A_701 = arith.constant 0 : i32
      %jit3A_702 = arith.constant 575 : i32
      %max3A_703 = vector.broadcast %jit3A_701 : i32 to vector<16xi32>
      %max3A_704 = arith.maxsi %max3A_703, %add3A_700 : vector<16xi32>
      %min3A_705 = vector.broadcast %jit3A_702 : i32 to vector<16xi32>
      %min3A_706 = arith.minsi %min3A_705, %max3A_704 : vector<16xi32>
      %add3A_707 = vector.broadcast %mul3A_17 : i32 to vector<16xi32>
      %add3A_708 = arith.addi %min3A_706, %add3A_707 : vector<16xi32>
      %swap3A_709 = arith.constant 32 : index
      %swap3A_710 = tpu.vector_load %arg11[%swap3A_709] {strides = array<i32>} : memref<64xi32, #tpu.memory_space<vmem>>, vector<16xi32>,
      %swap3A_711 = vector.shape_cast %swap3A_710 : vector<16xi32> to vector<16xi32>
      %swap3A_712 = vector.shape_cast %add3A_708 : vector<16xi32> to vector<16xi32>
      tpu.vector_store %arg11[%swap3A_709], %swap3A_712 {strides = array<i32>} : memref<64xi32, #tpu.memory_space<vmem>>, vector<16xi32>,
      %iota3A_713 = tpu.iota {dimensions = array<i32: 0>} : vector<16xi32>
      %add3A_714 = arith.constant 111 : i32
      %add3A_715 = vector.broadcast %add3A_714 : i32 to vector<16xi32>
      %add3A_716 = arith.addi %iota3A_713, %add3A_715 : vector<16xi32>
      %jit3A_717 = arith.constant 0 : i32
      %jit3A_718 = arith.constant 575 : i32
      %max3A_719 = vector.broadcast %jit3A_717 : i32 to vector<16xi32>
      %max3A_720 = arith.maxsi %max3A_719, %add3A_716 : vector<16xi32>
      %min3A_721 = vector.broadcast %jit3A_718 : i32 to vector<16xi32>
      %min3A_722 = arith.minsi %min3A_721, %max3A_720 : vector<16xi32>
      %add3A_723 = vector.broadcast %mul3A_17 : i32 to vector<16xi32>
      %add3A_724 = arith.addi %min3A_722, %add3A_723 : vector<16xi32>
      %swap3A_725 = arith.constant 48 : index
      %swap3A_726 = tpu.vector_load %arg11[%swap3A_725] {strides = array<i32>} : memref<64xi32, #tpu.memory_space<vmem>>, vector<16xi32>,
      %swap3A_727 = vector.shape_cast %swap3A_726 : vector<16xi32> to vector<16xi32>
      %swap3A_728 = vector.shape_cast %add3A_724 : vector<16xi32> to vector<16xi32>
      tpu.vector_store %arg11[%swap3A_725], %swap3A_728 {strides = array<i32>} : memref<64xi32, #tpu.memory_space<vmem>>, vector<16xi32>,
      %dma_start3A_729 = arith.constant 0 : i32
      %dma_start3A_730 = tpu.memref_slice %arg2[%add3A_35, %dma_start3A_729] : memref<36864x768xf32, #tpu.memory_space<hbm>> -> memref<64x768xf32, #tpu.memory_space<hbm>>
      %dma_start3A_731 = arith.constant 0 : i32
      %dma_start3A_732 = tpu.memref_slice %arg2[%add3A_35, %dma_start3A_731] : memref<36864x768xf32, #tpu.memory_space<hbm>> -> memref<64x768xf32, #tpu.memory_space<hbm>>
      tpu.enqueue_dma source(%dma_start3A_732 : memref<64x768xf32, #tpu.memory_space<hbm>>) target(%arg7 : memref<64x768xf32, #tpu.memory_space<vmem>>) target_semaphore(%arg14 : memref<!tpu.dma_semaphore, #tpu.memory_space<semaphore_mem>>)
      %dma_wait3A_733 = arith.constant 0 : i32
      %dma_wait3A_734 = tpu.memref_slice %arg2[%add3A_35, %dma_wait3A_733] : memref<36864x768xf32, #tpu.memory_space<hbm>> -> memref<64x768xf32, #tpu.memory_space<hbm>>
      %dma_wait3A_735 = arith.constant 0 : i32
      %dma_wait3A_736 = tpu.memref_slice %arg2[%add3A_35, %dma_wait3A_735] : memref<36864x768xf32, #tpu.memory_space<hbm>> -> memref<64x768xf32, #tpu.memory_space<hbm>>
      tpu.wait_dma2 semaphore(%arg14 : memref<!tpu.dma_semaphore, #tpu.memory_space<semaphore_mem>>) src(%dma_wait3A_736 : memref<64x768xf32, #tpu.memory_space<hbm>>) dst(%arg7 : memref<64x768xf32, #tpu.memory_space<vmem>>)
      %dma_start3A_737 = arith.constant 64 : i32
      %dma_start3A_738 = arith.constant 0 : i32
      %dma_start3A_739 = tpu.memref_slice %arg5[%add3A_10, %dma_start3A_737, %dma_start3A_738] : memref<64x577x1536xf32, #tpu.memory_space<hbm>> -> memref<1x64x768xf32, #tpu.memory_space<hbm>>
      %dma_start3A_740 = tpu.memref_squeeze %dma_start3A_739 : memref<1x64x768xf32, #tpu.memory_space<hbm>> -> memref<64x768xf32, #tpu.memory_space<hbm>>
      %dma_start3A_741 = arith.constant 64 : i32
      %dma_start3A_742 = arith.constant 0 : i32
      %dma_start3A_743 = tpu.memref_slice %arg5[%add3A_10, %dma_start3A_741, %dma_start3A_742] : memref<64x577x1536xf32, #tpu.memory_space<hbm>> -> memref<1x64x768xf32, #tpu.memory_space<hbm>>
      %dma_start3A_744 = tpu.memref_squeeze %dma_start3A_743 : memref<1x64x768xf32, #tpu.memory_space<hbm>> -> memref<64x768xf32, #tpu.memory_space<hbm>>
      tpu.enqueue_dma source(%arg7 : memref<64x768xf32, #tpu.memory_space<vmem>>) target(%dma_start3A_744 : memref<64x768xf32, #tpu.memory_space<hbm>>) target_semaphore(%arg16 : memref<!tpu.dma_semaphore, #tpu.memory_space<semaphore_mem>>)
      %dma_wait3A_745 = arith.constant 0 : i32
      %dma_wait3A_746 = arith.constant 0 : i32
      %dma_wait3A_747 = tpu.memref_slice %arg5[%add3A_10, %dma_wait3A_745, %dma_wait3A_746] : memref<64x577x1536xf32, #tpu.memory_space<hbm>> -> memref<1x64x768xf32, #tpu.memory_space<hbm>>
      %dma_wait3A_748 = tpu.memref_squeeze %dma_wait3A_747 : memref<1x64x768xf32, #tpu.memory_space<hbm>> -> memref<64x768xf32, #tpu.memory_space<hbm>>
      %dma_wait3A_749 = arith.constant 0 : i32
      %dma_wait3A_750 = arith.constant 0 : i32
      %dma_wait3A_751 = tpu.memref_slice %arg5[%add3A_10, %dma_wait3A_749, %dma_wait3A_750] : memref<64x577x1536xf32, #tpu.memory_space<hbm>> -> memref<1x64x768xf32, #tpu.memory_space<hbm>>
      %dma_wait3A_752 = tpu.memref_squeeze %dma_wait3A_751 : memref<1x64x768xf32, #tpu.memory_space<hbm>> -> memref<64x768xf32, #tpu.memory_space<hbm>>
      tpu.wait_dma2 semaphore(%arg15 : memref<!tpu.dma_semaphore, #tpu.memory_space<semaphore_mem>>) src(%arg6 : memref<64x768xf32, #tpu.memory_space<vmem>>) dst(%dma_wait3A_752 : memref<64x768xf32, #tpu.memory_space<hbm>>)
      %iota3A_753 = tpu.iota {dimensions = array<i32: 0>} : vector<16xi32>
      %add3A_754 = arith.constant 127 : i32
      %add3A_755 = vector.broadcast %add3A_754 : i32 to vector<16xi32>
      %add3A_756 = arith.addi %iota3A_753, %add3A_755 : vector<16xi32>
      %jit3A_757 = arith.constant 0 : i32
      %jit3A_758 = arith.constant 575 : i32
      %max3A_759 = vector.broadcast %jit3A_757 : i32 to vector<16xi32>
      %max3A_760 = arith.maxsi %max3A_759, %add3A_756 : vector<16xi32>
      %min3A_761 = vector.broadcast %jit3A_758 : i32 to vector<16xi32>
      %min3A_762 = arith.minsi %min3A_761, %max3A_760 : vector<16xi32>
      %add3A_763 = vector.broadcast %mul3A_17 : i32 to vector<16xi32>
      %add3A_764 = arith.addi %min3A_762, %add3A_763 : vector<16xi32>
      %swap3A_765 = arith.constant 0 : index
      %swap3A_766 = tpu.vector_load %arg10[%swap3A_765] {strides = array<i32>} : memref<64xi32, #tpu.memory_space<vmem>>, vector<16xi32>,
      %swap3A_767 = vector.shape_cast %swap3A_766 : vector<16xi32> to vector<16xi32>
      %swap3A_768 = vector.shape_cast %add3A_764 : vector<16xi32> to vector<16xi32>
      tpu.vector_store %arg10[%swap3A_765], %swap3A_768 {strides = array<i32>} : memref<64xi32, #tpu.memory_space<vmem>>, vector<16xi32>,
      %iota3A_769 = tpu.iota {dimensions = array<i32: 0>} : vector<16xi32>
      %add3A_770 = arith.constant 143 : i32
      %add3A_771 = vector.broadcast %add3A_770 : i32 to vector<16xi32>
      %add3A_772 = arith.addi %iota3A_769, %add3A_771 : vector<16xi32>
      %jit3A_773 = arith.constant 0 : i32
      %jit3A_774 = arith.constant 575 : i32
      %max3A_775 = vector.broadcast %jit3A_773 : i32 to vector<16xi32>
      %max3A_776 = arith.maxsi %max3A_775, %add3A_772 : vector<16xi32>
      %min3A_777 = vector.broadcast %jit3A_774 : i32 to vector<16xi32>
      %min3A_778 = arith.minsi %min3A_777, %max3A_776 : vector<16xi32>
      %add3A_779 = vector.broadcast %mul3A_17 : i32 to vector<16xi32>
      %add3A_780 = arith.addi %min3A_778, %add3A_779 : vector<16xi32>
      %swap3A_781 = arith.constant 16 : index
      %swap3A_782 = tpu.vector_load %arg10[%swap3A_781] {strides = array<i32>} : memref<64xi32, #tpu.memory_space<vmem>>, vector<16xi32>,
      %swap3A_783 = vector.shape_cast %swap3A_782 : vector<16xi32> to vector<16xi32>
      %swap3A_784 = vector.shape_cast %add3A_780 : vector<16xi32> to vector<16xi32>
      tpu.vector_store %arg10[%swap3A_781], %swap3A_784 {strides = array<i32>} : memref<64xi32, #tpu.memory_space<vmem>>, vector<16xi32>,
      %iota3A_785 = tpu.iota {dimensions = array<i32: 0>} : vector<16xi32>
      %add3A_786 = arith.constant 159 : i32
      %add3A_787 = vector.broadcast %add3A_786 : i32 to vector<16xi32>
      %add3A_788 = arith.addi %iota3A_785, %add3A_787 : vector<16xi32>
      %jit3A_789 = arith.constant 0 : i32
      %jit3A_790 = arith.constant 575 : i32
      %max3A_791 = vector.broadcast %jit3A_789 : i32 to vector<16xi32>
      %max3A_792 = arith.maxsi %max3A_791, %add3A_788 : vector<16xi32>
      %min3A_793 = vector.broadcast %jit3A_790 : i32 to vector<16xi32>
      %min3A_794 = arith.minsi %min3A_793, %max3A_792 : vector<16xi32>
      %add3A_795 = vector.broadcast %mul3A_17 : i32 to vector<16xi32>
      %add3A_796 = arith.addi %min3A_794, %add3A_795 : vector<16xi32>
      %swap3A_797 = arith.constant 32 : index
      %swap3A_798 = tpu.vector_load %arg10[%swap3A_797] {strides = array<i32>} : memref<64xi32, #tpu.memory_space<vmem>>, vector<16xi32>,
      %swap3A_799 = vector.shape_cast %swap3A_798 : vector<16xi32> to vector<16xi32>
      %swap3A_800 = vector.shape_cast %add3A_796 : vector<16xi32> to vector<16xi32>
      tpu.vector_store %arg10[%swap3A_797], %swap3A_800 {strides = array<i32>} : memref<64xi32, #tpu.memory_space<vmem>>, vector<16xi32>,
      %iota3A_801 = tpu.iota {dimensions = array<i32: 0>} : vector<16xi32>
      %add3A_802 = arith.constant 175 : i32
      %add3A_803 = vector.broadcast %add3A_802 : i32 to vector<16xi32>
      %add3A_804 = arith.addi %iota3A_801, %add3A_803 : vector<16xi32>
      %jit3A_805 = arith.constant 0 : i32
      %jit3A_806 = arith.constant 575 : i32
      %max3A_807 = vector.broadcast %jit3A_805 : i32 to vector<16xi32>
      %max3A_808 = arith.maxsi %max3A_807, %add3A_804 : vector<16xi32>
      %min3A_809 = vector.broadcast %jit3A_806 : i32 to vector<16xi32>
      %min3A_810 = arith.minsi %min3A_809, %max3A_808 : vector<16xi32>
      %add3A_811 = vector.broadcast %mul3A_17 : i32 to vector<16xi32>
      %add3A_812 = arith.addi %min3A_810, %add3A_811 : vector<16xi32>
      %swap3A_813 = arith.constant 48 : index
      %swap3A_814 = tpu.vector_load %arg10[%swap3A_813] {strides = array<i32>} : memref<64xi32, #tpu.memory_space<vmem>>, vector<16xi32>,
      %swap3A_815 = vector.shape_cast %swap3A_814 : vector<16xi32> to vector<16xi32>
      %swap3A_816 = vector.shape_cast %add3A_812 : vector<16xi32> to vector<16xi32>
      tpu.vector_store %arg10[%swap3A_813], %swap3A_816 {strides = array<i32>} : memref<64xi32, #tpu.memory_space<vmem>>, vector<16xi32>,
      %dma_start3A_817 = arith.constant 0 : i32
      %dma_start3A_818 = tpu.memref_slice %arg2[%add3A_37, %dma_start3A_817] : memref<36864x768xf32, #tpu.memory_space<hbm>> -> memref<64x768xf32, #tpu.memory_space<hbm>>
      %dma_start3A_819 = arith.constant 0 : i32
      %dma_start3A_820 = tpu.memref_slice %arg2[%add3A_37, %dma_start3A_819] : memref<36864x768xf32, #tpu.memory_space<hbm>> -> memref<64x768xf32, #tpu.memory_space<hbm>>
      tpu.enqueue_dma source(%dma_start3A_820 : memref<64x768xf32, #tpu.memory_space<hbm>>) target(%arg6 : memref<64x768xf32, #tpu.memory_space<vmem>>) target_semaphore(%arg13 : memref<!tpu.dma_semaphore, #tpu.memory_space<semaphore_mem>>)
      %dma_wait3A_821 = arith.constant 0 : i32
      %dma_wait3A_822 = tpu.memref_slice %arg2[%add3A_37, %dma_wait3A_821] : memref<36864x768xf32, #tpu.memory_space<hbm>> -> memref<64x768xf32, #tpu.memory_space<hbm>>
      %dma_wait3A_823 = arith.constant 0 : i32
      %dma_wait3A_824 = tpu.memref_slice %arg2[%add3A_37, %dma_wait3A_823] : memref<36864x768xf32, #tpu.memory_space<hbm>> -> memref<64x768xf32, #tpu.memory_space<hbm>>
      tpu.wait_dma2 semaphore(%arg13 : memref<!tpu.dma_semaphore, #tpu.memory_space<semaphore_mem>>) src(%dma_wait3A_824 : memref<64x768xf32, #tpu.memory_space<hbm>>) dst(%arg6 : memref<64x768xf32, #tpu.memory_space<vmem>>)
      %dma_start3A_825 = arith.constant 128 : i32
      %dma_start3A_826 = arith.constant 0 : i32
      %dma_start3A_827 = tpu.memref_slice %arg5[%add3A_10, %dma_start3A_825, %dma_start3A_826] : memref<64x577x1536xf32, #tpu.memory_space<hbm>> -> memref<1x64x768xf32, #tpu.memory_space<hbm>>
      %dma_start3A_828 = tpu.memref_squeeze %dma_start3A_827 : memref<1x64x768xf32, #tpu.memory_space<hbm>> -> memref<64x768xf32, #tpu.memory_space<hbm>>
      %dma_start3A_829 = arith.constant 128 : i32
      %dma_start3A_830 = arith.constant 0 : i32
      %dma_start3A_831 = tpu.memref_slice %arg5[%add3A_10, %dma_start3A_829, %dma_start3A_830] : memref<64x577x1536xf32, #tpu.memory_space<hbm>> -> memref<1x64x768xf32, #tpu.memory_space<hbm>>
      %dma_start3A_832 = tpu.memref_squeeze %dma_start3A_831 : memref<1x64x768xf32, #tpu.memory_space<hbm>> -> memref<64x768xf32, #tpu.memory_space<hbm>>
      tpu.enqueue_dma source(%arg6 : memref<64x768xf32, #tpu.memory_space<vmem>>) target(%dma_start3A_832 : memref<64x768xf32, #tpu.memory_space<hbm>>) target_semaphore(%arg15 : memref<!tpu.dma_semaphore, #tpu.memory_space<semaphore_mem>>)
      %dma_wait3A_833 = arith.constant 64 : i32
      %dma_wait3A_834 = arith.constant 0 : i32
      %dma_wait3A_835 = tpu.memref_slice %arg5[%add3A_10, %dma_wait3A_833, %dma_wait3A_834] : memref<64x577x1536xf32, #tpu.memory_space<hbm>> -> memref<1x64x768xf32, #tpu.memory_space<hbm>>
      %dma_wait3A_836 = tpu.memref_squeeze %dma_wait3A_835 : memref<1x64x768xf32, #tpu.memory_space<hbm>> -> memref<64x768xf32, #tpu.memory_space<hbm>>
      %dma_wait3A_837 = arith.constant 64 : i32
      %dma_wait3A_838 = arith.constant 0 : i32
      %dma_wait3A_839 = tpu.memref_slice %arg5[%add3A_10, %dma_wait3A_837, %dma_wait3A_838] : memref<64x577x1536xf32, #tpu.memory_space<hbm>> -> memref<1x64x768xf32, #tpu.memory_space<hbm>>
      %dma_wait3A_840 = tpu.memref_squeeze %dma_wait3A_839 : memref<1x64x768xf32, #tpu.memory_space<hbm>> -> memref<64x768xf32, #tpu.memory_space<hbm>>
      tpu.wait_dma2 semaphore(%arg16 : memref<!tpu.dma_semaphore, #tpu.memory_space<semaphore_mem>>) src(%arg7 : memref<64x768xf32, #tpu.memory_space<vmem>>) dst(%dma_wait3A_840 : memref<64x768xf32, #tpu.memory_space<hbm>>)
      %iota3A_841 = tpu.iota {dimensions = array<i32: 0>} : vector<16xi32>
      %add3A_842 = arith.constant 191 : i32
      %add3A_843 = vector.broadcast %add3A_842 : i32 to vector<16xi32>
      %add3A_844 = arith.addi %iota3A_841, %add3A_843 : vector<16xi32>
      %jit3A_845 = arith.constant 0 : i32
      %jit3A_846 = arith.constant 575 : i32
      %max3A_847 = vector.broadcast %jit3A_845 : i32 to vector<16xi32>
      %max3A_848 = arith.maxsi %max3A_847, %add3A_844 : vector<16xi32>
      %min3A_849 = vector.broadcast %jit3A_846 : i32 to vector<16xi32>
      %min3A_850 = arith.minsi %min3A_849, %max3A_848 : vector<16xi32>
      %add3A_851 = vector.broadcast %mul3A_17 : i32 to vector<16xi32>
      %add3A_852 = arith.addi %min3A_850, %add3A_851 : vector<16xi32>
      %swap3A_853 = arith.constant 0 : index
      %swap3A_854 = tpu.vector_load %arg11[%swap3A_853] {strides = array<i32>} : memref<64xi32, #tpu.memory_space<vmem>>, vector<16xi32>,
      %swap3A_855 = vector.shape_cast %swap3A_854 : vector<16xi32> to vector<16xi32>
      %swap3A_856 = vector.shape_cast %add3A_852 : vector<16xi32> to vector<16xi32>
      tpu.vector_store %arg11[%swap3A_853], %swap3A_856 {strides = array<i32>} : memref<64xi32, #tpu.memory_space<vmem>>, vector<16xi32>,
      %iota3A_857 = tpu.iota {dimensions = array<i32: 0>} : vector<16xi32>
      %add3A_858 = arith.constant 207 : i32
      %add3A_859 = vector.broadcast %add3A_858 : i32 to vector<16xi32>
      %add3A_860 = arith.addi %iota3A_857, %add3A_859 : vector<16xi32>
      %jit3A_861 = arith.constant 0 : i32
      %jit3A_862 = arith.constant 575 : i32
      %max3A_863 = vector.broadcast %jit3A_861 : i32 to vector<16xi32>
      %max3A_864 = arith.maxsi %max3A_863, %add3A_860 : vector<16xi32>
      %min3A_865 = vector.broadcast %jit3A_862 : i32 to vector<16xi32>
      %min3A_866 = arith.minsi %min3A_865, %max3A_864 : vector<16xi32>
      %add3A_867 = vector.broadcast %mul3A_17 : i32 to vector<16xi32>
      %add3A_868 = arith.addi %min3A_866, %add3A_867 : vector<16xi32>
      %swap3A_869 = arith.constant 16 : index
      %swap3A_870 = tpu.vector_load %arg11[%swap3A_869] {strides = array<i32>} : memref<64xi32, #tpu.memory_space<vmem>>, vector<16xi32>,
      %swap3A_871 = vector.shape_cast %swap3A_870 : vector<16xi32> to vector<16xi32>
      %swap3A_872 = vector.shape_cast %add3A_868 : vector<16xi32> to vector<16xi32>
      tpu.vector_store %arg11[%swap3A_869], %swap3A_872 {strides = array<i32>} : memref<64xi32, #tpu.memory_space<vmem>>, vector<16xi32>,
      %iota3A_873 = tpu.iota {dimensions = array<i32: 0>} : vector<16xi32>
      %add3A_874 = arith.constant 223 : i32
      %add3A_875 = vector.broadcast %add3A_874 : i32 to vector<16xi32>
      %add3A_876 = arith.addi %iota3A_873, %add3A_875 : vector<16xi32>
      %jit3A_877 = arith.constant 0 : i32
      %jit3A_878 = arith.constant 575 : i32
      %max3A_879 = vector.broadcast %jit3A_877 : i32 to vector<16xi32>
      %max3A_880 = arith.maxsi %max3A_879, %add3A_876 : vector<16xi32>
      %min3A_881 = vector.broadcast %jit3A_878 : i32 to vector<16xi32>
      %min3A_882 = arith.minsi %min3A_881, %max3A_880 : vector<16xi32>
      %add3A_883 = vector.broadcast %mul3A_17 : i32 to vector<16xi32>
      %add3A_884 = arith.addi %min3A_882, %add3A_883 : vector<16xi32>
      %swap3A_885 = arith.constant 32 : index
      %swap3A_886 = tpu.vector_load %arg11[%swap3A_885] {strides = array<i32>} : memref<64xi32, #tpu.memory_space<vmem>>, vector<16xi32>,
      %swap3A_887 = vector.shape_cast %swap3A_886 : vector<16xi32> to vector<16xi32>
      %swap3A_888 = vector.shape_cast %add3A_884 : vector<16xi32> to vector<16xi32>
      tpu.vector_store %arg11[%swap3A_885], %swap3A_888 {strides = array<i32>} : memref<64xi32, #tpu.memory_space<vmem>>, vector<16xi32>,
      %iota3A_889 = tpu.iota {dimensions = array<i32: 0>} : vector<16xi32>
      %add3A_890 = arith.constant 239 : i32
      %add3A_891 = vector.broadcast %add3A_890 : i32 to vector<16xi32>
      %add3A_892 = arith.addi %iota3A_889, %add3A_891 : vector<16xi32>
      %jit3A_893 = arith.constant 0 : i32
      %jit3A_894 = arith.constant 575 : i32
      %max3A_895 = vector.broadcast %jit3A_893 : i32 to vector<16xi32>
      %max3A_896 = arith.maxsi %max3A_895, %add3A_892 : vector<16xi32>
      %min3A_897 = vector.broadcast %jit3A_894 : i32 to vector<16xi32>
      %min3A_898 = arith.minsi %min3A_897, %max3A_896 : vector<16xi32>
      %add3A_899 = vector.broadcast %mul3A_17 : i32 to vector<16xi32>
      %add3A_900 = arith.addi %min3A_898, %add3A_899 : vector<16xi32>
      %swap3A_901 = arith.constant 48 : index
      %swap3A_902 = tpu.vector_load %arg11[%swap3A_901] {strides = array<i32>} : memref<64xi32, #tpu.memory_space<vmem>>, vector<16xi32>,
      %swap3A_903 = vector.shape_cast %swap3A_902 : vector<16xi32> to vector<16xi32>
      %swap3A_904 = vector.shape_cast %add3A_900 : vector<16xi32> to vector<16xi32>
      tpu.vector_store %arg11[%swap3A_901], %swap3A_904 {strides = array<i32>} : memref<64xi32, #tpu.memory_space<vmem>>, vector<16xi32>,
      %dma_start3A_905 = arith.constant 0 : i32
      %dma_start3A_906 = tpu.memref_slice %arg2[%add3A_39, %dma_start3A_905] : memref<36864x768xf32, #tpu.memory_space<hbm>> -> memref<64x768xf32, #tpu.memory_space<hbm>>
      %dma_start3A_907 = arith.constant 0 : i32
      %dma_start3A_908 = tpu.memref_slice %arg2[%add3A_39, %dma_start3A_907] : memref<36864x768xf32, #tpu.memory_space<hbm>> -> memref<64x768xf32, #tpu.memory_space<hbm>>
      tpu.enqueue_dma source(%dma_start3A_908 : memref<64x768xf32, #tpu.memory_space<hbm>>) target(%arg7 : memref<64x768xf32, #tpu.memory_space<vmem>>) target_semaphore(%arg14 : memref<!tpu.dma_semaphore, #tpu.memory_space<semaphore_mem>>)
      %dma_wait3A_909 = arith.constant 0 : i32
      %dma_wait3A_910 = tpu.memref_slice %arg2[%add3A_39, %dma_wait3A_909] : memref<36864x768xf32, #tpu.memory_space<hbm>> -> memref<64x768xf32, #tpu.memory_space<hbm>>
      %dma_wait3A_911 = arith.constant 0 : i32
      %dma_wait3A_912 = tpu.memref_slice %arg2[%add3A_39, %dma_wait3A_911] : memref<36864x768xf32, #tpu.memory_space<hbm>> -> memref<64x768xf32, #tpu.memory_space<hbm>>
      tpu.wait_dma2 semaphore(%arg14 : memref<!tpu.dma_semaphore, #tpu.memory_space<semaphore_mem>>) src(%dma_wait3A_912 : memref<64x768xf32, #tpu.memory_space<hbm>>) dst(%arg7 : memref<64x768xf32, #tpu.memory_space<vmem>>)
      %dma_start3A_913 = arith.constant 192 : i32
      %dma_start3A_914 = arith.constant 0 : i32
      %dma_start3A_915 = tpu.memref_slice %arg5[%add3A_10, %dma_start3A_913, %dma_start3A_914] : memref<64x577x1536xf32, #tpu.memory_space<hbm>> -> memref<1x64x768xf32, #tpu.memory_space<hbm>>
      %dma_start3A_916 = tpu.memref_squeeze %dma_start3A_915 : memref<1x64x768xf32, #tpu.memory_space<hbm>> -> memref<64x768xf32, #tpu.memory_space<hbm>>
      %dma_start3A_917 = arith.constant 192 : i32
      %dma_start3A_918 = arith.constant 0 : i32
      %dma_start3A_919 = tpu.memref_slice %arg5[%add3A_10, %dma_start3A_917, %dma_start3A_918] : memref<64x577x1536xf32, #tpu.memory_space<hbm>> -> memref<1x64x768xf32, #tpu.memory_space<hbm>>
      %dma_start3A_920 = tpu.memref_squeeze %dma_start3A_919 : memref<1x64x768xf32, #tpu.memory_space<hbm>> -> memref<64x768xf32, #tpu.memory_space<hbm>>
      tpu.enqueue_dma source(%arg7 : memref<64x768xf32, #tpu.memory_space<vmem>>) target(%dma_start3A_920 : memref<64x768xf32, #tpu.memory_space<hbm>>) target_semaphore(%arg16 : memref<!tpu.dma_semaphore, #tpu.memory_space<semaphore_mem>>)
      %dma_wait3A_921 = arith.constant 128 : i32
      %dma_wait3A_922 = arith.constant 0 : i32
      %dma_wait3A_923 = tpu.memref_slice %arg5[%add3A_10, %dma_wait3A_921, %dma_wait3A_922] : memref<64x577x1536xf32, #tpu.memory_space<hbm>> -> memref<1x64x768xf32, #tpu.memory_space<hbm>>
      %dma_wait3A_924 = tpu.memref_squeeze %dma_wait3A_923 : memref<1x64x768xf32, #tpu.memory_space<hbm>> -> memref<64x768xf32, #tpu.memory_space<hbm>>
      %dma_wait3A_925 = arith.constant 128 : i32
      %dma_wait3A_926 = arith.constant 0 : i32
      %dma_wait3A_927 = tpu.memref_slice %arg5[%add3A_10, %dma_wait3A_925, %dma_wait3A_926] : memref<64x577x1536xf32, #tpu.memory_space<hbm>> -> memref<1x64x768xf32, #tpu.memory_space<hbm>>
      %dma_wait3A_928 = tpu.memref_squeeze %dma_wait3A_927 : memref<1x64x768xf32, #tpu.memory_space<hbm>> -> memref<64x768xf32, #tpu.memory_space<hbm>>
      tpu.wait_dma2 semaphore(%arg15 : memref<!tpu.dma_semaphore, #tpu.memory_space<semaphore_mem>>) src(%arg6 : memref<64x768xf32, #tpu.memory_space<vmem>>) dst(%dma_wait3A_928 : memref<64x768xf32, #tpu.memory_space<hbm>>)
      %iota3A_929 = tpu.iota {dimensions = array<i32: 0>} : vector<16xi32>
      %add3A_930 = arith.constant 255 : i32
      %add3A_931 = vector.broadcast %add3A_930 : i32 to vector<16xi32>
      %add3A_932 = arith.addi %iota3A_929, %add3A_931 : vector<16xi32>
      %jit3A_933 = arith.constant 0 : i32
      %jit3A_934 = arith.constant 575 : i32
      %max3A_935 = vector.broadcast %jit3A_933 : i32 to vector<16xi32>
      %max3A_936 = arith.maxsi %max3A_935, %add3A_932 : vector<16xi32>
      %min3A_937 = vector.broadcast %jit3A_934 : i32 to vector<16xi32>
      %min3A_938 = arith.minsi %min3A_937, %max3A_936 : vector<16xi32>
      %add3A_939 = vector.broadcast %mul3A_17 : i32 to vector<16xi32>
      %add3A_940 = arith.addi %min3A_938, %add3A_939 : vector<16xi32>
      %swap3A_941 = arith.constant 0 : index
      %swap3A_942 = tpu.vector_load %arg10[%swap3A_941] {strides = array<i32>} : memref<64xi32, #tpu.memory_space<vmem>>, vector<16xi32>,
      %swap3A_943 = vector.shape_cast %swap3A_942 : vector<16xi32> to vector<16xi32>
      %swap3A_944 = vector.shape_cast %add3A_940 : vector<16xi32> to vector<16xi32>
      tpu.vector_store %arg10[%swap3A_941], %swap3A_944 {strides = array<i32>} : memref<64xi32, #tpu.memory_space<vmem>>, vector<16xi32>,
      %iota3A_945 = tpu.iota {dimensions = array<i32: 0>} : vector<16xi32>
      %add3A_946 = arith.constant 271 : i32
      %add3A_947 = vector.broadcast %add3A_946 : i32 to vector<16xi32>
      %add3A_948 = arith.addi %iota3A_945, %add3A_947 : vector<16xi32>
      %jit3A_949 = arith.constant 0 : i32
      %jit3A_950 = arith.constant 575 : i32
      %max3A_951 = vector.broadcast %jit3A_949 : i32 to vector<16xi32>
      %max3A_952 = arith.maxsi %max3A_951, %add3A_948 : vector<16xi32>
      %min3A_953 = vector.broadcast %jit3A_950 : i32 to vector<16xi32>
      %min3A_954 = arith.minsi %min3A_953, %max3A_952 : vector<16xi32>
      %add3A_955 = vector.broadcast %mul3A_17 : i32 to vector<16xi32>
      %add3A_956 = arith.addi %min3A_954, %add3A_955 : vector<16xi32>
      %swap3A_957 = arith.constant 16 : index
      %swap3A_958 = tpu.vector_load %arg10[%swap3A_957] {strides = array<i32>} : memref<64xi32, #tpu.memory_space<vmem>>, vector<16xi32>,
      %swap3A_959 = vector.shape_cast %swap3A_958 : vector<16xi32> to vector<16xi32>
      %swap3A_960 = vector.shape_cast %add3A_956 : vector<16xi32> to vector<16xi32>
      tpu.vector_store %arg10[%swap3A_957], %swap3A_960 {strides = array<i32>} : memref<64xi32, #tpu.memory_space<vmem>>, vector<16xi32>,
      %iota3A_961 = tpu.iota {dimensions = array<i32: 0>} : vector<16xi32>
      %add3A_962 = arith.constant 287 : i32
      %add3A_963 = vector.broadcast %add3A_962 : i32 to vector<16xi32>
      %add3A_964 = arith.addi %iota3A_961, %add3A_963 : vector<16xi32>
      %jit3A_965 = arith.constant 0 : i32
      %jit3A_966 = arith.constant 575 : i32
      %max3A_967 = vector.broadcast %jit3A_965 : i32 to vector<16xi32>
      %max3A_968 = arith.maxsi %max3A_967, %add3A_964 : vector<16xi32>
      %min3A_969 = vector.broadcast %jit3A_966 : i32 to vector<16xi32>
      %min3A_970 = arith.minsi %min3A_969, %max3A_968 : vector<16xi32>
      %add3A_971 = vector.broadcast %mul3A_17 : i32 to vector<16xi32>
      %add3A_972 = arith.addi %min3A_970, %add3A_971 : vector<16xi32>
      %swap3A_973 = arith.constant 32 : index
      %swap3A_974 = tpu.vector_load %arg10[%swap3A_973] {strides = array<i32>} : memref<64xi32, #tpu.memory_space<vmem>>, vector<16xi32>,
      %swap3A_975 = vector.shape_cast %swap3A_974 : vector<16xi32> to vector<16xi32>
      %swap3A_976 = vector.shape_cast %add3A_972 : vector<16xi32> to vector<16xi32>
      tpu.vector_store %arg10[%swap3A_973], %swap3A_976 {strides = array<i32>} : memref<64xi32, #tpu.memory_space<vmem>>, vector<16xi32>,
      %iota3A_977 = tpu.iota {dimensions = array<i32: 0>} : vector<16xi32>
      %add3A_978 = arith.constant 303 : i32
      %add3A_979 = vector.broadcast %add3A_978 : i32 to vector<16xi32>
      %add3A_980 = arith.addi %iota3A_977, %add3A_979 : vector<16xi32>
      %jit3A_981 = arith.constant 0 : i32
      %jit3A_982 = arith.constant 575 : i32
      %max3A_983 = vector.broadcast %jit3A_981 : i32 to vector<16xi32>
      %max3A_984 = arith.maxsi %max3A_983, %add3A_980 : vector<16xi32>
      %min3A_985 = vector.broadcast %jit3A_982 : i32 to vector<16xi32>
      %min3A_986 = arith.minsi %min3A_985, %max3A_984 : vector<16xi32>
      %add3A_987 = vector.broadcast %mul3A_17 : i32 to vector<16xi32>
      %add3A_988 = arith.addi %min3A_986, %add3A_987 : vector<16xi32>
      %swap3A_989 = arith.constant 48 : index
      %swap3A_990 = tpu.vector_load %arg10[%swap3A_989] {strides = array<i32>} : memref<64xi32, #tpu.memory_space<vmem>>, vector<16xi32>,
      %swap3A_991 = vector.shape_cast %swap3A_990 : vector<16xi32> to vector<16xi32>
      %swap3A_992 = vector.shape_cast %add3A_988 : vector<16xi32> to vector<16xi32>
      tpu.vector_store %arg10[%swap3A_989], %swap3A_992 {strides = array<i32>} : memref<64xi32, #tpu.memory_space<vmem>>, vector<16xi32>,
      %dma_start3A_993 = arith.constant 0 : i32
      %dma_start3A_994 = tpu.memref_slice %arg2[%add3A_41, %dma_start3A_993] : memref<36864x768xf32, #tpu.memory_space<hbm>> -> memref<64x768xf32, #tpu.memory_space<hbm>>
      %dma_start3A_995 = arith.constant 0 : i32
      %dma_start3A_996 = tpu.memref_slice %arg2[%add3A_41, %dma_start3A_995] : memref<36864x768xf32, #tpu.memory_space<hbm>> -> memref<64x768xf32, #tpu.memory_space<hbm>>
      tpu.enqueue_dma source(%dma_start3A_996 : memref<64x768xf32, #tpu.memory_space<hbm>>) target(%arg6 : memref<64x768xf32, #tpu.memory_space<vmem>>) target_semaphore(%arg13 : memref<!tpu.dma_semaphore, #tpu.memory_space<semaphore_mem>>)
      %dma_wait3A_997 = arith.constant 0 : i32
      %dma_wait3A_998 = tpu.memref_slice %arg2[%add3A_41, %dma_wait3A_997] : memref<36864x768xf32, #tpu.memory_space<hbm>> -> memref<64x768xf32, #tpu.memory_space<hbm>>
      %dma_wait3A_999 = arith.constant 0 : i32
      %dma_wait3A_1000 = tpu.memref_slice %arg2[%add3A_41, %dma_wait3A_999] : memref<36864x768xf32, #tpu.memory_space<hbm>> -> memref<64x768xf32, #tpu.memory_space<hbm>>
      tpu.wait_dma2 semaphore(%arg13 : memref<!tpu.dma_semaphore, #tpu.memory_space<semaphore_mem>>) src(%dma_wait3A_1000 : memref<64x768xf32, #tpu.memory_space<hbm>>) dst(%arg6 : memref<64x768xf32, #tpu.memory_space<vmem>>)
      %dma_start3A_1001 = arith.constant 256 : i32
      %dma_start3A_1002 = arith.constant 0 : i32
      %dma_start3A_1003 = tpu.memref_slice %arg5[%add3A_10, %dma_start3A_1001, %dma_start3A_1002] : memref<64x577x1536xf32, #tpu.memory_space<hbm>> -> memref<1x64x768xf32, #tpu.memory_space<hbm>>
      %dma_start3A_1004 = tpu.memref_squeeze %dma_start3A_1003 : memref<1x64x768xf32, #tpu.memory_space<hbm>> -> memref<64x768xf32, #tpu.memory_space<hbm>>
      %dma_start3A_1005 = arith.constant 256 : i32
      %dma_start3A_1006 = arith.constant 0 : i32
      %dma_start3A_1007 = tpu.memref_slice %arg5[%add3A_10, %dma_start3A_1005, %dma_start3A_1006] : memref<64x577x1536xf32, #tpu.memory_space<hbm>> -> memref<1x64x768xf32, #tpu.memory_space<hbm>>
      %dma_start3A_1008 = tpu.memref_squeeze %dma_start3A_1007 : memref<1x64x768xf32, #tpu.memory_space<hbm>> -> memref<64x768xf32, #tpu.memory_space<hbm>>
      tpu.enqueue_dma source(%arg6 : memref<64x768xf32, #tpu.memory_space<vmem>>) target(%dma_start3A_1008 : memref<64x768xf32, #tpu.memory_space<hbm>>) target_semaphore(%arg15 : memref<!tpu.dma_semaphore, #tpu.memory_space<semaphore_mem>>)
      %dma_wait3A_1009 = arith.constant 192 : i32
      %dma_wait3A_1010 = arith.constant 0 : i32
      %dma_wait3A_1011 = tpu.memref_slice %arg5[%add3A_10, %dma_wait3A_1009, %dma_wait3A_1010] : memref<64x577x1536xf32, #tpu.memory_space<hbm>> -> memref<1x64x768xf32, #tpu.memory_space<hbm>>
      %dma_wait3A_1012 = tpu.memref_squeeze %dma_wait3A_1011 : memref<1x64x768xf32, #tpu.memory_space<hbm>> -> memref<64x768xf32, #tpu.memory_space<hbm>>
      %dma_wait3A_1013 = arith.constant 192 : i32
      %dma_wait3A_1014 = arith.constant 0 : i32
      %dma_wait3A_1015 = tpu.memref_slice %arg5[%add3A_10, %dma_wait3A_1013, %dma_wait3A_1014] : memref<64x577x1536xf32, #tpu.memory_space<hbm>> -> memref<1x64x768xf32, #tpu.memory_space<hbm>>
      %dma_wait3A_1016 = tpu.memref_squeeze %dma_wait3A_1015 : memref<1x64x768xf32, #tpu.memory_space<hbm>> -> memref<64x768xf32, #tpu.memory_space<hbm>>
      tpu.wait_dma2 semaphore(%arg16 : memref<!tpu.dma_semaphore, #tpu.memory_space<semaphore_mem>>) src(%arg7 : memref<64x768xf32, #tpu.memory_space<vmem>>) dst(%dma_wait3A_1016 : memref<64x768xf32, #tpu.memory_space<hbm>>)
      %iota3A_1017 = tpu.iota {dimensions = array<i32: 0>} : vector<16xi32>
      %add3A_1018 = arith.constant 319 : i32
      %add3A_1019 = vector.broadcast %add3A_1018 : i32 to vector<16xi32>
      %add3A_1020 = arith.addi %iota3A_1017, %add3A_1019 : vector<16xi32>
      %jit3A_1021 = arith.constant 0 : i32
      %jit3A_1022 = arith.constant 575 : i32
      %max3A_1023 = vector.broadcast %jit3A_1021 : i32 to vector<16xi32>
      %max3A_1024 = arith.maxsi %max3A_1023, %add3A_1020 : vector<16xi32>
      %min3A_1025 = vector.broadcast %jit3A_1022 : i32 to vector<16xi32>
      %min3A_1026 = arith.minsi %min3A_1025, %max3A_1024 : vector<16xi32>
      %add3A_1027 = vector.broadcast %mul3A_17 : i32 to vector<16xi32>
      %add3A_1028 = arith.addi %min3A_1026, %add3A_1027 : vector<16xi32>
      %swap3A_1029 = arith.constant 0 : index
      %swap3A_1030 = tpu.vector_load %arg11[%swap3A_1029] {strides = array<i32>} : memref<64xi32, #tpu.memory_space<vmem>>, vector<16xi32>,
      %swap3A_1031 = vector.shape_cast %swap3A_1030 : vector<16xi32> to vector<16xi32>
      %swap3A_1032 = vector.shape_cast %add3A_1028 : vector<16xi32> to vector<16xi32>
      tpu.vector_store %arg11[%swap3A_1029], %swap3A_1032 {strides = array<i32>} : memref<64xi32, #tpu.memory_space<vmem>>, vector<16xi32>,
      %iota3A_1033 = tpu.iota {dimensions = array<i32: 0>} : vector<16xi32>
      %add3A_1034 = arith.constant 335 : i32
      %add3A_1035 = vector.broadcast %add3A_1034 : i32 to vector<16xi32>
      %add3A_1036 = arith.addi %iota3A_1033, %add3A_1035 : vector<16xi32>
      %jit3A_1037 = arith.constant 0 : i32
      %jit3A_1038 = arith.constant 575 : i32
      %max3A_1039 = vector.broadcast %jit3A_1037 : i32 to vector<16xi32>
      %max3A_1040 = arith.maxsi %max3A_1039, %add3A_1036 : vector<16xi32>
      %min3A_1041 = vector.broadcast %jit3A_1038 : i32 to vector<16xi32>
      %min3A_1042 = arith.minsi %min3A_1041, %max3A_1040 : vector<16xi32>
      %add3A_1043 = vector.broadcast %mul3A_17 : i32 to vector<16xi32>
      %add3A_1044 = arith.addi %min3A_1042, %add3A_1043 : vector<16xi32>
      %swap3A_1045 = arith.constant 16 : index
      %swap3A_1046 = tpu.vector_load %arg11[%swap3A_1045] {strides = array<i32>} : memref<64xi32, #tpu.memory_space<vmem>>, vector<16xi32>,
      %swap3A_1047 = vector.shape_cast %swap3A_1046 : vector<16xi32> to vector<16xi32>
      %swap3A_1048 = vector.shape_cast %add3A_1044 : vector<16xi32> to vector<16xi32>
      tpu.vector_store %arg11[%swap3A_1045], %swap3A_1048 {strides = array<i32>} : memref<64xi32, #tpu.memory_space<vmem>>, vector<16xi32>,
      %iota3A_1049 = tpu.iota {dimensions = array<i32: 0>} : vector<16xi32>
      %add3A_1050 = arith.constant 351 : i32
      %add3A_1051 = vector.broadcast %add3A_1050 : i32 to vector<16xi32>
      %add3A_1052 = arith.addi %iota3A_1049, %add3A_1051 : vector<16xi32>
      %jit3A_1053 = arith.constant 0 : i32
      %jit3A_1054 = arith.constant 575 : i32
      %max3A_1055 = vector.broadcast %jit3A_1053 : i32 to vector<16xi32>
      %max3A_1056 = arith.maxsi %max3A_1055, %add3A_1052 : vector<16xi32>
      %min3A_1057 = vector.broadcast %jit3A_1054 : i32 to vector<16xi32>
      %min3A_1058 = arith.minsi %min3A_1057, %max3A_1056 : vector<16xi32>
      %add3A_1059 = vector.broadcast %mul3A_17 : i32 to vector<16xi32>
      %add3A_1060 = arith.addi %min3A_1058, %add3A_1059 : vector<16xi32>
      %swap3A_1061 = arith.constant 32 : index
      %swap3A_1062 = tpu.vector_load %arg11[%swap3A_1061] {strides = array<i32>} : memref<64xi32, #tpu.memory_space<vmem>>, vector<16xi32>,
      %swap3A_1063 = vector.shape_cast %swap3A_1062 : vector<16xi32> to vector<16xi32>
      %swap3A_1064 = vector.shape_cast %add3A_1060 : vector<16xi32> to vector<16xi32>
      tpu.vector_store %arg11[%swap3A_1061], %swap3A_1064 {strides = array<i32>} : memref<64xi32, #tpu.memory_space<vmem>>, vector<16xi32>,
      %iota3A_1065 = tpu.iota {dimensions = array<i32: 0>} : vector<16xi32>
      %add3A_1066 = arith.constant 367 : i32
      %add3A_1067 = vector.broadcast %add3A_1066 : i32 to vector<16xi32>
      %add3A_1068 = arith.addi %iota3A_1065, %add3A_1067 : vector<16xi32>
      %jit3A_1069 = arith.constant 0 : i32
      %jit3A_1070 = arith.constant 575 : i32
      %max3A_1071 = vector.broadcast %jit3A_1069 : i32 to vector<16xi32>
      %max3A_1072 = arith.maxsi %max3A_1071, %add3A_1068 : vector<16xi32>
      %min3A_1073 = vector.broadcast %jit3A_1070 : i32 to vector<16xi32>
      %min3A_1074 = arith.minsi %min3A_1073, %max3A_1072 : vector<16xi32>
      %add3A_1075 = vector.broadcast %mul3A_17 : i32 to vector<16xi32>
      %add3A_1076 = arith.addi %min3A_1074, %add3A_1075 : vector<16xi32>
      %swap3A_1077 = arith.constant 48 : index
      %swap3A_1078 = tpu.vector_load %arg11[%swap3A_1077] {strides = array<i32>} : memref<64xi32, #tpu.memory_space<vmem>>, vector<16xi32>,
      %swap3A_1079 = vector.shape_cast %swap3A_1078 : vector<16xi32> to vector<16xi32>
      %swap3A_1080 = vector.shape_cast %add3A_1076 : vector<16xi32> to vector<16xi32>
      tpu.vector_store %arg11[%swap3A_1077], %swap3A_1080 {strides = array<i32>} : memref<64xi32, #tpu.memory_space<vmem>>, vector<16xi32>,
      %dma_start3A_1081 = arith.constant 0 : i32
      %dma_start3A_1082 = tpu.memref_slice %arg2[%add3A_43, %dma_start3A_1081] : memref<36864x768xf32, #tpu.memory_space<hbm>> -> memref<64x768xf32, #tpu.memory_space<hbm>>
      %dma_start3A_1083 = arith.constant 0 : i32
      %dma_start3A_1084 = tpu.memref_slice %arg2[%add3A_43, %dma_start3A_1083] : memref<36864x768xf32, #tpu.memory_space<hbm>> -> memref<64x768xf32, #tpu.memory_space<hbm>>
      tpu.enqueue_dma source(%dma_start3A_1084 : memref<64x768xf32, #tpu.memory_space<hbm>>) target(%arg7 : memref<64x768xf32, #tpu.memory_space<vmem>>) target_semaphore(%arg14 : memref<!tpu.dma_semaphore, #tpu.memory_space<semaphore_mem>>)
      %dma_wait3A_1085 = arith.constant 0 : i32
      %dma_wait3A_1086 = tpu.memref_slice %arg2[%add3A_43, %dma_wait3A_1085] : memref<36864x768xf32, #tpu.memory_space<hbm>> -> memref<64x768xf32, #tpu.memory_space<hbm>>
      %dma_wait3A_1087 = arith.constant 0 : i32
      %dma_wait3A_1088 = tpu.memref_slice %arg2[%add3A_43, %dma_wait3A_1087] : memref<36864x768xf32, #tpu.memory_space<hbm>> -> memref<64x768xf32, #tpu.memory_space<hbm>>
      tpu.wait_dma2 semaphore(%arg14 : memref<!tpu.dma_semaphore, #tpu.memory_space<semaphore_mem>>) src(%dma_wait3A_1088 : memref<64x768xf32, #tpu.memory_space<hbm>>) dst(%arg7 : memref<64x768xf32, #tpu.memory_space<vmem>>)
      %dma_start3A_1089 = arith.constant 320 : i32
      %dma_start3A_1090 = arith.constant 0 : i32
      %dma_start3A_1091 = tpu.memref_slice %arg5[%add3A_10, %dma_start3A_1089, %dma_start3A_1090] : memref<64x577x1536xf32, #tpu.memory_space<hbm>> -> memref<1x64x768xf32, #tpu.memory_space<hbm>>
      %dma_start3A_1092 = tpu.memref_squeeze %dma_start3A_1091 : memref<1x64x768xf32, #tpu.memory_space<hbm>> -> memref<64x768xf32, #tpu.memory_space<hbm>>
      %dma_start3A_1093 = arith.constant 320 : i32
      %dma_start3A_1094 = arith.constant 0 : i32
      %dma_start3A_1095 = tpu.memref_slice %arg5[%add3A_10, %dma_start3A_1093, %dma_start3A_1094] : memref<64x577x1536xf32, #tpu.memory_space<hbm>> -> memref<1x64x768xf32, #tpu.memory_space<hbm>>
      %dma_start3A_1096 = tpu.memref_squeeze %dma_start3A_1095 : memref<1x64x768xf32, #tpu.memory_space<hbm>> -> memref<64x768xf32, #tpu.memory_space<hbm>>
      tpu.enqueue_dma source(%arg7 : memref<64x768xf32, #tpu.memory_space<vmem>>) target(%dma_start3A_1096 : memref<64x768xf32, #tpu.memory_space<hbm>>) target_semaphore(%arg16 : memref<!tpu.dma_semaphore, #tpu.memory_space<semaphore_mem>>)
      %dma_wait3A_1097 = arith.constant 256 : i32
      %dma_wait3A_1098 = arith.constant 0 : i32
      %dma_wait3A_1099 = tpu.memref_slice %arg5[%add3A_10, %dma_wait3A_1097, %dma_wait3A_1098] : memref<64x577x1536xf32, #tpu.memory_space<hbm>> -> memref<1x64x768xf32, #tpu.memory_space<hbm>>
      %dma_wait3A_1100 = tpu.memref_squeeze %dma_wait3A_1099 : memref<1x64x768xf32, #tpu.memory_space<hbm>> -> memref<64x768xf32, #tpu.memory_space<hbm>>
      %dma_wait3A_1101 = arith.constant 256 : i32
      %dma_wait3A_1102 = arith.constant 0 : i32
      %dma_wait3A_1103 = tpu.memref_slice %arg5[%add3A_10, %dma_wait3A_1101, %dma_wait3A_1102] : memref<64x577x1536xf32, #tpu.memory_space<hbm>> -> memref<1x64x768xf32, #tpu.memory_space<hbm>>
      %dma_wait3A_1104 = tpu.memref_squeeze %dma_wait3A_1103 : memref<1x64x768xf32, #tpu.memory_space<hbm>> -> memref<64x768xf32, #tpu.memory_space<hbm>>
      tpu.wait_dma2 semaphore(%arg15 : memref<!tpu.dma_semaphore, #tpu.memory_space<semaphore_mem>>) src(%arg6 : memref<64x768xf32, #tpu.memory_space<vmem>>) dst(%dma_wait3A_1104 : memref<64x768xf32, #tpu.memory_space<hbm>>)
      %iota3A_1105 = tpu.iota {dimensions = array<i32: 0>} : vector<16xi32>
      %add3A_1106 = arith.constant 383 : i32
      %add3A_1107 = vector.broadcast %add3A_1106 : i32 to vector<16xi32>
      %add3A_1108 = arith.addi %iota3A_1105, %add3A_1107 : vector<16xi32>
      %jit3A_1109 = arith.constant 0 : i32
      %jit3A_1110 = arith.constant 575 : i32
      %max3A_1111 = vector.broadcast %jit3A_1109 : i32 to vector<16xi32>
      %max3A_1112 = arith.maxsi %max3A_1111, %add3A_1108 : vector<16xi32>
      %min3A_1113 = vector.broadcast %jit3A_1110 : i32 to vector<16xi32>
      %min3A_1114 = arith.minsi %min3A_1113, %max3A_1112 : vector<16xi32>
      %add3A_1115 = vector.broadcast %mul3A_17 : i32 to vector<16xi32>
      %add3A_1116 = arith.addi %min3A_1114, %add3A_1115 : vector<16xi32>
      %swap3A_1117 = arith.constant 0 : index
      %swap3A_1118 = tpu.vector_load %arg10[%swap3A_1117] {strides = array<i32>} : memref<64xi32, #tpu.memory_space<vmem>>, vector<16xi32>,
      %swap3A_1119 = vector.shape_cast %swap3A_1118 : vector<16xi32> to vector<16xi32>
      %swap3A_1120 = vector.shape_cast %add3A_1116 : vector<16xi32> to vector<16xi32>
      tpu.vector_store %arg10[%swap3A_1117], %swap3A_1120 {strides = array<i32>} : memref<64xi32, #tpu.memory_space<vmem>>, vector<16xi32>,
      %iota3A_1121 = tpu.iota {dimensions = array<i32: 0>} : vector<16xi32>
      %add3A_1122 = arith.constant 399 : i32
      %add3A_1123 = vector.broadcast %add3A_1122 : i32 to vector<16xi32>
      %add3A_1124 = arith.addi %iota3A_1121, %add3A_1123 : vector<16xi32>
      %jit3A_1125 = arith.constant 0 : i32
      %jit3A_1126 = arith.constant 575 : i32
      %max3A_1127 = vector.broadcast %jit3A_1125 : i32 to vector<16xi32>
      %max3A_1128 = arith.maxsi %max3A_1127, %add3A_1124 : vector<16xi32>
      %min3A_1129 = vector.broadcast %jit3A_1126 : i32 to vector<16xi32>
      %min3A_1130 = arith.minsi %min3A_1129, %max3A_1128 : vector<16xi32>
      %add3A_1131 = vector.broadcast %mul3A_17 : i32 to vector<16xi32>
      %add3A_1132 = arith.addi %min3A_1130, %add3A_1131 : vector<16xi32>
      %swap3A_1133 = arith.constant 16 : index
      %swap3A_1134 = tpu.vector_load %arg10[%swap3A_1133] {strides = array<i32>} : memref<64xi32, #tpu.memory_space<vmem>>, vector<16xi32>,
      %swap3A_1135 = vector.shape_cast %swap3A_1134 : vector<16xi32> to vector<16xi32>
      %swap3A_1136 = vector.shape_cast %add3A_1132 : vector<16xi32> to vector<16xi32>
      tpu.vector_store %arg10[%swap3A_1133], %swap3A_1136 {strides = array<i32>} : memref<64xi32, #tpu.memory_space<vmem>>, vector<16xi32>,
      %iota3A_1137 = tpu.iota {dimensions = array<i32: 0>} : vector<16xi32>
      %add3A_1138 = arith.constant 415 : i32
      %add3A_1139 = vector.broadcast %add3A_1138 : i32 to vector<16xi32>
      %add3A_1140 = arith.addi %iota3A_1137, %add3A_1139 : vector<16xi32>
      %jit3A_1141 = arith.constant 0 : i32
      %jit3A_1142 = arith.constant 575 : i32
      %max3A_1143 = vector.broadcast %jit3A_1141 : i32 to vector<16xi32>
      %max3A_1144 = arith.maxsi %max3A_1143, %add3A_1140 : vector<16xi32>
      %min3A_1145 = vector.broadcast %jit3A_1142 : i32 to vector<16xi32>
      %min3A_1146 = arith.minsi %min3A_1145, %max3A_1144 : vector<16xi32>
      %add3A_1147 = vector.broadcast %mul3A_17 : i32 to vector<16xi32>
      %add3A_1148 = arith.addi %min3A_1146, %add3A_1147 : vector<16xi32>
      %swap3A_1149 = arith.constant 32 : index
      %swap3A_1150 = tpu.vector_load %arg10[%swap3A_1149] {strides = array<i32>} : memref<64xi32, #tpu.memory_space<vmem>>, vector<16xi32>,
      %swap3A_1151 = vector.shape_cast %swap3A_1150 : vector<16xi32> to vector<16xi32>
      %swap3A_1152 = vector.shape_cast %add3A_1148 : vector<16xi32> to vector<16xi32>
      tpu.vector_store %arg10[%swap3A_1149], %swap3A_1152 {strides = array<i32>} : memref<64xi32, #tpu.memory_space<vmem>>, vector<16xi32>,
      %iota3A_1153 = tpu.iota {dimensions = array<i32: 0>} : vector<16xi32>
      %add3A_1154 = arith.constant 431 : i32
      %add3A_1155 = vector.broadcast %add3A_1154 : i32 to vector<16xi32>
      %add3A_1156 = arith.addi %iota3A_1153, %add3A_1155 : vector<16xi32>
      %jit3A_1157 = arith.constant 0 : i32
      %jit3A_1158 = arith.constant 575 : i32
      %max3A_1159 = vector.broadcast %jit3A_1157 : i32 to vector<16xi32>
      %max3A_1160 = arith.maxsi %max3A_1159, %add3A_1156 : vector<16xi32>
      %min3A_1161 = vector.broadcast %jit3A_1158 : i32 to vector<16xi32>
      %min3A_1162 = arith.minsi %min3A_1161, %max3A_1160 : vector<16xi32>
      %add3A_1163 = vector.broadcast %mul3A_17 : i32 to vector<16xi32>
      %add3A_1164 = arith.addi %min3A_1162, %add3A_1163 : vector<16xi32>
      %swap3A_1165 = arith.constant 48 : index
      %swap3A_1166 = tpu.vector_load %arg10[%swap3A_1165] {strides = array<i32>} : memref<64xi32, #tpu.memory_space<vmem>>, vector<16xi32>,
      %swap3A_1167 = vector.shape_cast %swap3A_1166 : vector<16xi32> to vector<16xi32>
      %swap3A_1168 = vector.shape_cast %add3A_1164 : vector<16xi32> to vector<16xi32>
      tpu.vector_store %arg10[%swap3A_1165], %swap3A_1168 {strides = array<i32>} : memref<64xi32, #tpu.memory_space<vmem>>, vector<16xi32>,
      %dma_start3A_1169 = arith.constant 0 : i32
      %dma_start3A_1170 = tpu.memref_slice %arg2[%add3A_45, %dma_start3A_1169] : memref<36864x768xf32, #tpu.memory_space<hbm>> -> memref<64x768xf32, #tpu.memory_space<hbm>>
      %dma_start3A_1171 = arith.constant 0 : i32
      %dma_start3A_1172 = tpu.memref_slice %arg2[%add3A_45, %dma_start3A_1171] : memref<36864x768xf32, #tpu.memory_space<hbm>> -> memref<64x768xf32, #tpu.memory_space<hbm>>
      tpu.enqueue_dma source(%dma_start3A_1172 : memref<64x768xf32, #tpu.memory_space<hbm>>) target(%arg6 : memref<64x768xf32, #tpu.memory_space<vmem>>) target_semaphore(%arg13 : memref<!tpu.dma_semaphore, #tpu.memory_space<semaphore_mem>>)
      %dma_wait3A_1173 = arith.constant 0 : i32
      %dma_wait3A_1174 = tpu.memref_slice %arg2[%add3A_45, %dma_wait3A_1173] : memref<36864x768xf32, #tpu.memory_space<hbm>> -> memref<64x768xf32, #tpu.memory_space<hbm>>
      %dma_wait3A_1175 = arith.constant 0 : i32
      %dma_wait3A_1176 = tpu.memref_slice %arg2[%add3A_45, %dma_wait3A_1175] : memref<36864x768xf32, #tpu.memory_space<hbm>> -> memref<64x768xf32, #tpu.memory_space<hbm>>
      tpu.wait_dma2 semaphore(%arg13 : memref<!tpu.dma_semaphore, #tpu.memory_space<semaphore_mem>>) src(%dma_wait3A_1176 : memref<64x768xf32, #tpu.memory_space<hbm>>) dst(%arg6 : memref<64x768xf32, #tpu.memory_space<vmem>>)
      %dma_start3A_1177 = arith.constant 384 : i32
      %dma_start3A_1178 = arith.constant 0 : i32
      %dma_start3A_1179 = tpu.memref_slice %arg5[%add3A_10, %dma_start3A_1177, %dma_start3A_1178] : memref<64x577x1536xf32, #tpu.memory_space<hbm>> -> memref<1x64x768xf32, #tpu.memory_space<hbm>>
      %dma_start3A_1180 = tpu.memref_squeeze %dma_start3A_1179 : memref<1x64x768xf32, #tpu.memory_space<hbm>> -> memref<64x768xf32, #tpu.memory_space<hbm>>
      %dma_start3A_1181 = arith.constant 384 : i32
      %dma_start3A_1182 = arith.constant 0 : i32
      %dma_start3A_1183 = tpu.memref_slice %arg5[%add3A_10, %dma_start3A_1181, %dma_start3A_1182] : memref<64x577x1536xf32, #tpu.memory_space<hbm>> -> memref<1x64x768xf32, #tpu.memory_space<hbm>>
      %dma_start3A_1184 = tpu.memref_squeeze %dma_start3A_1183 : memref<1x64x768xf32, #tpu.memory_space<hbm>> -> memref<64x768xf32, #tpu.memory_space<hbm>>
      tpu.enqueue_dma source(%arg6 : memref<64x768xf32, #tpu.memory_space<vmem>>) target(%dma_start3A_1184 : memref<64x768xf32, #tpu.memory_space<hbm>>) target_semaphore(%arg15 : memref<!tpu.dma_semaphore, #tpu.memory_space<semaphore_mem>>)
      %dma_wait3A_1185 = arith.constant 320 : i32
      %dma_wait3A_1186 = arith.constant 0 : i32
      %dma_wait3A_1187 = tpu.memref_slice %arg5[%add3A_10, %dma_wait3A_1185, %dma_wait3A_1186] : memref<64x577x1536xf32, #tpu.memory_space<hbm>> -> memref<1x64x768xf32, #tpu.memory_space<hbm>>
      %dma_wait3A_1188 = tpu.memref_squeeze %dma_wait3A_1187 : memref<1x64x768xf32, #tpu.memory_space<hbm>> -> memref<64x768xf32, #tpu.memory_space<hbm>>
      %dma_wait3A_1189 = arith.constant 320 : i32
      %dma_wait3A_1190 = arith.constant 0 : i32
      %dma_wait3A_1191 = tpu.memref_slice %arg5[%add3A_10, %dma_wait3A_1189, %dma_wait3A_1190] : memref<64x577x1536xf32, #tpu.memory_space<hbm>> -> memref<1x64x768xf32, #tpu.memory_space<hbm>>
      %dma_wait3A_1192 = tpu.memref_squeeze %dma_wait3A_1191 : memref<1x64x768xf32, #tpu.memory_space<hbm>> -> memref<64x768xf32, #tpu.memory_space<hbm>>
      tpu.wait_dma2 semaphore(%arg16 : memref<!tpu.dma_semaphore, #tpu.memory_space<semaphore_mem>>) src(%arg7 : memref<64x768xf32, #tpu.memory_space<vmem>>) dst(%dma_wait3A_1192 : memref<64x768xf32, #tpu.memory_space<hbm>>)
      %iota3A_1193 = tpu.iota {dimensions = array<i32: 0>} : vector<16xi32>
      %add3A_1194 = arith.constant 447 : i32
      %add3A_1195 = vector.broadcast %add3A_1194 : i32 to vector<16xi32>
      %add3A_1196 = arith.addi %iota3A_1193, %add3A_1195 : vector<16xi32>
      %jit3A_1197 = arith.constant 0 : i32
      %jit3A_1198 = arith.constant 575 : i32
      %max3A_1199 = vector.broadcast %jit3A_1197 : i32 to vector<16xi32>
      %max3A_1200 = arith.maxsi %max3A_1199, %add3A_1196 : vector<16xi32>
      %min3A_1201 = vector.broadcast %jit3A_1198 : i32 to vector<16xi32>
      %min3A_1202 = arith.minsi %min3A_1201, %max3A_1200 : vector<16xi32>
      %add3A_1203 = vector.broadcast %mul3A_17 : i32 to vector<16xi32>
      %add3A_1204 = arith.addi %min3A_1202, %add3A_1203 : vector<16xi32>
      %swap3A_1205 = arith.constant 0 : index
      %swap3A_1206 = tpu.vector_load %arg11[%swap3A_1205] {strides = array<i32>} : memref<64xi32, #tpu.memory_space<vmem>>, vector<16xi32>,
      %swap3A_1207 = vector.shape_cast %swap3A_1206 : vector<16xi32> to vector<16xi32>
      %swap3A_1208 = vector.shape_cast %add3A_1204 : vector<16xi32> to vector<16xi32>
      tpu.vector_store %arg11[%swap3A_1205], %swap3A_1208 {strides = array<i32>} : memref<64xi32, #tpu.memory_space<vmem>>, vector<16xi32>,
      %iota3A_1209 = tpu.iota {dimensions = array<i32: 0>} : vector<16xi32>
      %add3A_1210 = arith.constant 463 : i32
      %add3A_1211 = vector.broadcast %add3A_1210 : i32 to vector<16xi32>
      %add3A_1212 = arith.addi %iota3A_1209, %add3A_1211 : vector<16xi32>
      %jit3A_1213 = arith.constant 0 : i32
      %jit3A_1214 = arith.constant 575 : i32
      %max3A_1215 = vector.broadcast %jit3A_1213 : i32 to vector<16xi32>
      %max3A_1216 = arith.maxsi %max3A_1215, %add3A_1212 : vector<16xi32>
      %min3A_1217 = vector.broadcast %jit3A_1214 : i32 to vector<16xi32>
      %min3A_1218 = arith.minsi %min3A_1217, %max3A_1216 : vector<16xi32>
      %add3A_1219 = vector.broadcast %mul3A_17 : i32 to vector<16xi32>
      %add3A_1220 = arith.addi %min3A_1218, %add3A_1219 : vector<16xi32>
      %swap3A_1221 = arith.constant 16 : index
      %swap3A_1222 = tpu.vector_load %arg11[%swap3A_1221] {strides = array<i32>} : memref<64xi32, #tpu.memory_space<vmem>>, vector<16xi32>,
      %swap3A_1223 = vector.shape_cast %swap3A_1222 : vector<16xi32> to vector<16xi32>
      %swap3A_1224 = vector.shape_cast %add3A_1220 : vector<16xi32> to vector<16xi32>
      tpu.vector_store %arg11[%swap3A_1221], %swap3A_1224 {strides = array<i32>} : memref<64xi32, #tpu.memory_space<vmem>>, vector<16xi32>,
      %iota3A_1225 = tpu.iota {dimensions = array<i32: 0>} : vector<16xi32>
      %add3A_1226 = arith.constant 479 : i32
      %add3A_1227 = vector.broadcast %add3A_1226 : i32 to vector<16xi32>
      %add3A_1228 = arith.addi %iota3A_1225, %add3A_1227 : vector<16xi32>
      %jit3A_1229 = arith.constant 0 : i32
      %jit3A_1230 = arith.constant 575 : i32
      %max3A_1231 = vector.broadcast %jit3A_1229 : i32 to vector<16xi32>
      %max3A_1232 = arith.maxsi %max3A_1231, %add3A_1228 : vector<16xi32>
      %min3A_1233 = vector.broadcast %jit3A_1230 : i32 to vector<16xi32>
      %min3A_1234 = arith.minsi %min3A_1233, %max3A_1232 : vector<16xi32>
      %add3A_1235 = vector.broadcast %mul3A_17 : i32 to vector<16xi32>
      %add3A_1236 = arith.addi %min3A_1234, %add3A_1235 : vector<16xi32>
      %swap3A_1237 = arith.constant 32 : index
      %swap3A_1238 = tpu.vector_load %arg11[%swap3A_1237] {strides = array<i32>} : memref<64xi32, #tpu.memory_space<vmem>>, vector<16xi32>,
      %swap3A_1239 = vector.shape_cast %swap3A_1238 : vector<16xi32> to vector<16xi32>
      %swap3A_1240 = vector.shape_cast %add3A_1236 : vector<16xi32> to vector<16xi32>
      tpu.vector_store %arg11[%swap3A_1237], %swap3A_1240 {strides = array<i32>} : memref<64xi32, #tpu.memory_space<vmem>>, vector<16xi32>,
      %iota3A_1241 = tpu.iota {dimensions = array<i32: 0>} : vector<16xi32>
      %add3A_1242 = arith.constant 495 : i32
      %add3A_1243 = vector.broadcast %add3A_1242 : i32 to vector<16xi32>
      %add3A_1244 = arith.addi %iota3A_1241, %add3A_1243 : vector<16xi32>
      %jit3A_1245 = arith.constant 0 : i32
      %jit3A_1246 = arith.constant 575 : i32
      %max3A_1247 = vector.broadcast %jit3A_1245 : i32 to vector<16xi32>
      %max3A_1248 = arith.maxsi %max3A_1247, %add3A_1244 : vector<16xi32>
      %min3A_1249 = vector.broadcast %jit3A_1246 : i32 to vector<16xi32>
      %min3A_1250 = arith.minsi %min3A_1249, %max3A_1248 : vector<16xi32>
      %add3A_1251 = vector.broadcast %mul3A_17 : i32 to vector<16xi32>
      %add3A_1252 = arith.addi %min3A_1250, %add3A_1251 : vector<16xi32>
      %swap3A_1253 = arith.constant 48 : index
      %swap3A_1254 = tpu.vector_load %arg11[%swap3A_1253] {strides = array<i32>} : memref<64xi32, #tpu.memory_space<vmem>>, vector<16xi32>,
      %swap3A_1255 = vector.shape_cast %swap3A_1254 : vector<16xi32> to vector<16xi32>
      %swap3A_1256 = vector.shape_cast %add3A_1252 : vector<16xi32> to vector<16xi32>
      tpu.vector_store %arg11[%swap3A_1253], %swap3A_1256 {strides = array<i32>} : memref<64xi32, #tpu.memory_space<vmem>>, vector<16xi32>,
      %dma_start3A_1257 = arith.constant 0 : i32
      %dma_start3A_1258 = tpu.memref_slice %arg2[%add3A_47, %dma_start3A_1257] : memref<36864x768xf32, #tpu.memory_space<hbm>> -> memref<64x768xf32, #tpu.memory_space<hbm>>
      %dma_start3A_1259 = arith.constant 0 : i32
      %dma_start3A_1260 = tpu.memref_slice %arg2[%add3A_47, %dma_start3A_1259] : memref<36864x768xf32, #tpu.memory_space<hbm>> -> memref<64x768xf32, #tpu.memory_space<hbm>>
      tpu.enqueue_dma source(%dma_start3A_1260 : memref<64x768xf32, #tpu.memory_space<hbm>>) target(%arg7 : memref<64x768xf32, #tpu.memory_space<vmem>>) target_semaphore(%arg14 : memref<!tpu.dma_semaphore, #tpu.memory_space<semaphore_mem>>)
      %dma_wait3A_1261 = arith.constant 0 : i32
      %dma_wait3A_1262 = tpu.memref_slice %arg2[%add3A_47, %dma_wait3A_1261] : memref<36864x768xf32, #tpu.memory_space<hbm>> -> memref<64x768xf32, #tpu.memory_space<hbm>>
      %dma_wait3A_1263 = arith.constant 0 : i32
      %dma_wait3A_1264 = tpu.memref_slice %arg2[%add3A_47, %dma_wait3A_1263] : memref<36864x768xf32, #tpu.memory_space<hbm>> -> memref<64x768xf32, #tpu.memory_space<hbm>>
      tpu.wait_dma2 semaphore(%arg14 : memref<!tpu.dma_semaphore, #tpu.memory_space<semaphore_mem>>) src(%dma_wait3A_1264 : memref<64x768xf32, #tpu.memory_space<hbm>>) dst(%arg7 : memref<64x768xf32, #tpu.memory_space<vmem>>)
      %dma_start3A_1265 = arith.constant 448 : i32
      %dma_start3A_1266 = arith.constant 0 : i32
      %dma_start3A_1267 = tpu.memref_slice %arg5[%add3A_10, %dma_start3A_1265, %dma_start3A_1266] : memref<64x577x1536xf32, #tpu.memory_space<hbm>> -> memref<1x64x768xf32, #tpu.memory_space<hbm>>
      %dma_start3A_1268 = tpu.memref_squeeze %dma_start3A_1267 : memref<1x64x768xf32, #tpu.memory_space<hbm>> -> memref<64x768xf32, #tpu.memory_space<hbm>>
      %dma_start3A_1269 = arith.constant 448 : i32
      %dma_start3A_1270 = arith.constant 0 : i32
      %dma_start3A_1271 = tpu.memref_slice %arg5[%add3A_10, %dma_start3A_1269, %dma_start3A_1270] : memref<64x577x1536xf32, #tpu.memory_space<hbm>> -> memref<1x64x768xf32, #tpu.memory_space<hbm>>
      %dma_start3A_1272 = tpu.memref_squeeze %dma_start3A_1271 : memref<1x64x768xf32, #tpu.memory_space<hbm>> -> memref<64x768xf32, #tpu.memory_space<hbm>>
      tpu.enqueue_dma source(%arg7 : memref<64x768xf32, #tpu.memory_space<vmem>>) target(%dma_start3A_1272 : memref<64x768xf32, #tpu.memory_space<hbm>>) target_semaphore(%arg16 : memref<!tpu.dma_semaphore, #tpu.memory_space<semaphore_mem>>)
      %dma_wait3A_1273 = arith.constant 384 : i32
      %dma_wait3A_1274 = arith.constant 0 : i32
      %dma_wait3A_1275 = tpu.memref_slice %arg5[%add3A_10, %dma_wait3A_1273, %dma_wait3A_1274] : memref<64x577x1536xf32, #tpu.memory_space<hbm>> -> memref<1x64x768xf32, #tpu.memory_space<hbm>>
      %dma_wait3A_1276 = tpu.memref_squeeze %dma_wait3A_1275 : memref<1x64x768xf32, #tpu.memory_space<hbm>> -> memref<64x768xf32, #tpu.memory_space<hbm>>
      %dma_wait3A_1277 = arith.constant 384 : i32
      %dma_wait3A_1278 = arith.constant 0 : i32
      %dma_wait3A_1279 = tpu.memref_slice %arg5[%add3A_10, %dma_wait3A_1277, %dma_wait3A_1278] : memref<64x577x1536xf32, #tpu.memory_space<hbm>> -> memref<1x64x768xf32, #tpu.memory_space<hbm>>
      %dma_wait3A_1280 = tpu.memref_squeeze %dma_wait3A_1279 : memref<1x64x768xf32, #tpu.memory_space<hbm>> -> memref<64x768xf32, #tpu.memory_space<hbm>>
      tpu.wait_dma2 semaphore(%arg15 : memref<!tpu.dma_semaphore, #tpu.memory_space<semaphore_mem>>) src(%arg6 : memref<64x768xf32, #tpu.memory_space<vmem>>) dst(%dma_wait3A_1280 : memref<64x768xf32, #tpu.memory_space<hbm>>)
      %iota3A_1281 = tpu.iota {dimensions = array<i32: 0>} : vector<16xi32>
      %add3A_1282 = arith.constant 511 : i32
      %add3A_1283 = vector.broadcast %add3A_1282 : i32 to vector<16xi32>
      %add3A_1284 = arith.addi %iota3A_1281, %add3A_1283 : vector<16xi32>
      %jit3A_1285 = arith.constant 0 : i32
      %jit3A_1286 = arith.constant 575 : i32
      %max3A_1287 = vector.broadcast %jit3A_1285 : i32 to vector<16xi32>
      %max3A_1288 = arith.maxsi %max3A_1287, %add3A_1284 : vector<16xi32>
      %min3A_1289 = vector.broadcast %jit3A_1286 : i32 to vector<16xi32>
      %min3A_1290 = arith.minsi %min3A_1289, %max3A_1288 : vector<16xi32>
      %add3A_1291 = vector.broadcast %mul3A_17 : i32 to vector<16xi32>
      %add3A_1292 = arith.addi %min3A_1290, %add3A_1291 : vector<16xi32>
      %swap3A_1293 = arith.constant 0 : index
      %swap3A_1294 = tpu.vector_load %arg10[%swap3A_1293] {strides = array<i32>} : memref<64xi32, #tpu.memory_space<vmem>>, vector<16xi32>,
      %swap3A_1295 = vector.shape_cast %swap3A_1294 : vector<16xi32> to vector<16xi32>
      %swap3A_1296 = vector.shape_cast %add3A_1292 : vector<16xi32> to vector<16xi32>
      tpu.vector_store %arg10[%swap3A_1293], %swap3A_1296 {strides = array<i32>} : memref<64xi32, #tpu.memory_space<vmem>>, vector<16xi32>,
      %iota3A_1297 = tpu.iota {dimensions = array<i32: 0>} : vector<16xi32>
      %add3A_1298 = arith.constant 527 : i32
      %add3A_1299 = vector.broadcast %add3A_1298 : i32 to vector<16xi32>
      %add3A_1300 = arith.addi %iota3A_1297, %add3A_1299 : vector<16xi32>
      %jit3A_1301 = arith.constant 0 : i32
      %jit3A_1302 = arith.constant 575 : i32
      %max3A_1303 = vector.broadcast %jit3A_1301 : i32 to vector<16xi32>
      %max3A_1304 = arith.maxsi %max3A_1303, %add3A_1300 : vector<16xi32>
      %min3A_1305 = vector.broadcast %jit3A_1302 : i32 to vector<16xi32>
      %min3A_1306 = arith.minsi %min3A_1305, %max3A_1304 : vector<16xi32>
      %add3A_1307 = vector.broadcast %mul3A_17 : i32 to vector<16xi32>
      %add3A_1308 = arith.addi %min3A_1306, %add3A_1307 : vector<16xi32>
      %swap3A_1309 = arith.constant 16 : index
      %swap3A_1310 = tpu.vector_load %arg10[%swap3A_1309] {strides = array<i32>} : memref<64xi32, #tpu.memory_space<vmem>>, vector<16xi32>,
      %swap3A_1311 = vector.shape_cast %swap3A_1310 : vector<16xi32> to vector<16xi32>
      %swap3A_1312 = vector.shape_cast %add3A_1308 : vector<16xi32> to vector<16xi32>
      tpu.vector_store %arg10[%swap3A_1309], %swap3A_1312 {strides = array<i32>} : memref<64xi32, #tpu.memory_space<vmem>>, vector<16xi32>,
      %iota3A_1313 = tpu.iota {dimensions = array<i32: 0>} : vector<16xi32>
      %add3A_1314 = arith.constant 543 : i32
      %add3A_1315 = vector.broadcast %add3A_1314 : i32 to vector<16xi32>
      %add3A_1316 = arith.addi %iota3A_1313, %add3A_1315 : vector<16xi32>
      %jit3A_1317 = arith.constant 0 : i32
      %jit3A_1318 = arith.constant 575 : i32
      %max3A_1319 = vector.broadcast %jit3A_1317 : i32 to vector<16xi32>
      %max3A_1320 = arith.maxsi %max3A_1319, %add3A_1316 : vector<16xi32>
      %min3A_1321 = vector.broadcast %jit3A_1318 : i32 to vector<16xi32>
      %min3A_1322 = arith.minsi %min3A_1321, %max3A_1320 : vector<16xi32>
      %add3A_1323 = vector.broadcast %mul3A_17 : i32 to vector<16xi32>
      %add3A_1324 = arith.addi %min3A_1322, %add3A_1323 : vector<16xi32>
      %swap3A_1325 = arith.constant 32 : index
      %swap3A_1326 = tpu.vector_load %arg10[%swap3A_1325] {strides = array<i32>} : memref<64xi32, #tpu.memory_space<vmem>>, vector<16xi32>,
      %swap3A_1327 = vector.shape_cast %swap3A_1326 : vector<16xi32> to vector<16xi32>
      %swap3A_1328 = vector.shape_cast %add3A_1324 : vector<16xi32> to vector<16xi32>
      tpu.vector_store %arg10[%swap3A_1325], %swap3A_1328 {strides = array<i32>} : memref<64xi32, #tpu.memory_space<vmem>>, vector<16xi32>,
      %iota3A_1329 = tpu.iota {dimensions = array<i32: 0>} : vector<16xi32>
      %add3A_1330 = arith.constant 559 : i32
      %add3A_1331 = vector.broadcast %add3A_1330 : i32 to vector<16xi32>
      %add3A_1332 = arith.addi %iota3A_1329, %add3A_1331 : vector<16xi32>
      %jit3A_1333 = arith.constant 0 : i32
      %jit3A_1334 = arith.constant 575 : i32
      %max3A_1335 = vector.broadcast %jit3A_1333 : i32 to vector<16xi32>
      %max3A_1336 = arith.maxsi %max3A_1335, %add3A_1332 : vector<16xi32>
      %min3A_1337 = vector.broadcast %jit3A_1334 : i32 to vector<16xi32>
      %min3A_1338 = arith.minsi %min3A_1337, %max3A_1336 : vector<16xi32>
      %add3A_1339 = vector.broadcast %mul3A_17 : i32 to vector<16xi32>
      %add3A_1340 = arith.addi %min3A_1338, %add3A_1339 : vector<16xi32>
      %swap3A_1341 = arith.constant 48 : index
      %swap3A_1342 = tpu.vector_load %arg10[%swap3A_1341] {strides = array<i32>} : memref<64xi32, #tpu.memory_space<vmem>>, vector<16xi32>,
      %swap3A_1343 = vector.shape_cast %swap3A_1342 : vector<16xi32> to vector<16xi32>
      %swap3A_1344 = vector.shape_cast %add3A_1340 : vector<16xi32> to vector<16xi32>
      tpu.vector_store %arg10[%swap3A_1341], %swap3A_1344 {strides = array<i32>} : memref<64xi32, #tpu.memory_space<vmem>>, vector<16xi32>,
      %dma_start3A_1345 = arith.constant 0 : i32
      %dma_start3A_1346 = tpu.memref_slice %arg2[%add3A_49, %dma_start3A_1345] : memref<36864x768xf32, #tpu.memory_space<hbm>> -> memref<64x768xf32, #tpu.memory_space<hbm>>
      %dma_start3A_1347 = arith.constant 0 : i32
      %dma_start3A_1348 = tpu.memref_slice %arg2[%add3A_49, %dma_start3A_1347] : memref<36864x768xf32, #tpu.memory_space<hbm>> -> memref<64x768xf32, #tpu.memory_space<hbm>>
      tpu.enqueue_dma source(%dma_start3A_1348 : memref<64x768xf32, #tpu.memory_space<hbm>>) target(%arg6 : memref<64x768xf32, #tpu.memory_space<vmem>>) target_semaphore(%arg13 : memref<!tpu.dma_semaphore, #tpu.memory_space<semaphore_mem>>)
      %dma_wait3A_1349 = arith.constant 0 : i32
      %dma_wait3A_1350 = tpu.memref_slice %arg2[%add3A_49, %dma_wait3A_1349] : memref<36864x768xf32, #tpu.memory_space<hbm>> -> memref<64x768xf32, #tpu.memory_space<hbm>>
      %dma_wait3A_1351 = arith.constant 0 : i32
      %dma_wait3A_1352 = tpu.memref_slice %arg2[%add3A_49, %dma_wait3A_1351] : memref<36864x768xf32, #tpu.memory_space<hbm>> -> memref<64x768xf32, #tpu.memory_space<hbm>>
      tpu.wait_dma2 semaphore(%arg13 : memref<!tpu.dma_semaphore, #tpu.memory_space<semaphore_mem>>) src(%dma_wait3A_1352 : memref<64x768xf32, #tpu.memory_space<hbm>>) dst(%arg6 : memref<64x768xf32, #tpu.memory_space<vmem>>)
      %dma_start3A_1353 = arith.constant 512 : i32
      %dma_start3A_1354 = arith.constant 0 : i32
      %dma_start3A_1355 = tpu.memref_slice %arg5[%add3A_10, %dma_start3A_1353, %dma_start3A_1354] : memref<64x577x1536xf32, #tpu.memory_space<hbm>> -> memref<1x64x768xf32, #tpu.memory_space<hbm>>
      %dma_start3A_1356 = tpu.memref_squeeze %dma_start3A_1355 : memref<1x64x768xf32, #tpu.memory_space<hbm>> -> memref<64x768xf32, #tpu.memory_space<hbm>>
      %dma_start3A_1357 = arith.constant 512 : i32
      %dma_start3A_1358 = arith.constant 0 : i32
      %dma_start3A_1359 = tpu.memref_slice %arg5[%add3A_10, %dma_start3A_1357, %dma_start3A_1358] : memref<64x577x1536xf32, #tpu.memory_space<hbm>> -> memref<1x64x768xf32, #tpu.memory_space<hbm>>
      %dma_start3A_1360 = tpu.memref_squeeze %dma_start3A_1359 : memref<1x64x768xf32, #tpu.memory_space<hbm>> -> memref<64x768xf32, #tpu.memory_space<hbm>>
      tpu.enqueue_dma source(%arg6 : memref<64x768xf32, #tpu.memory_space<vmem>>) target(%dma_start3A_1360 : memref<64x768xf32, #tpu.memory_space<hbm>>) target_semaphore(%arg15 : memref<!tpu.dma_semaphore, #tpu.memory_space<semaphore_mem>>)
      %dma_wait3A_1361 = arith.constant 448 : i32
      %dma_wait3A_1362 = arith.constant 0 : i32
      %dma_wait3A_1363 = tpu.memref_slice %arg5[%add3A_10, %dma_wait3A_1361, %dma_wait3A_1362] : memref<64x577x1536xf32, #tpu.memory_space<hbm>> -> memref<1x64x768xf32, #tpu.memory_space<hbm>>
      %dma_wait3A_1364 = tpu.memref_squeeze %dma_wait3A_1363 : memref<1x64x768xf32, #tpu.memory_space<hbm>> -> memref<64x768xf32, #tpu.memory_space<hbm>>
      %dma_wait3A_1365 = arith.constant 448 : i32
      %dma_wait3A_1366 = arith.constant 0 : i32
      %dma_wait3A_1367 = tpu.memref_slice %arg5[%add3A_10, %dma_wait3A_1365, %dma_wait3A_1366] : memref<64x577x1536xf32, #tpu.memory_space<hbm>> -> memref<1x64x768xf32, #tpu.memory_space<hbm>>
      %dma_wait3A_1368 = tpu.memref_squeeze %dma_wait3A_1367 : memref<1x64x768xf32, #tpu.memory_space<hbm>> -> memref<64x768xf32, #tpu.memory_space<hbm>>
      tpu.wait_dma2 semaphore(%arg16 : memref<!tpu.dma_semaphore, #tpu.memory_space<semaphore_mem>>) src(%arg7 : memref<64x768xf32, #tpu.memory_space<vmem>>) dst(%dma_wait3A_1368 : memref<64x768xf32, #tpu.memory_space<hbm>>)
      %dma_wait3A_1369 = arith.constant 512 : i32
      %dma_wait3A_1370 = arith.constant 0 : i32
      %dma_wait3A_1371 = tpu.memref_slice %arg5[%add3A_10, %dma_wait3A_1369, %dma_wait3A_1370] : memref<64x577x1536xf32, #tpu.memory_space<hbm>> -> memref<1x64x768xf32, #tpu.memory_space<hbm>>
      %dma_wait3A_1372 = tpu.memref_squeeze %dma_wait3A_1371 : memref<1x64x768xf32, #tpu.memory_space<hbm>> -> memref<64x768xf32, #tpu.memory_space<hbm>>
      %dma_wait3A_1373 = arith.constant 512 : i32
      %dma_wait3A_1374 = arith.constant 0 : i32
      %dma_wait3A_1375 = tpu.memref_slice %arg5[%add3A_10, %dma_wait3A_1373, %dma_wait3A_1374] : memref<64x577x1536xf32, #tpu.memory_space<hbm>> -> memref<1x64x768xf32, #tpu.memory_space<hbm>>
      %dma_wait3A_1376 = tpu.memref_squeeze %dma_wait3A_1375 : memref<1x64x768xf32, #tpu.memory_space<hbm>> -> memref<64x768xf32, #tpu.memory_space<hbm>>
      tpu.wait_dma2 semaphore(%arg15 : memref<!tpu.dma_semaphore, #tpu.memory_space<semaphore_mem>>) src(%arg6 : memref<64x768xf32, #tpu.memory_space<vmem>>) dst(%dma_wait3A_1376 : memref<64x768xf32, #tpu.memory_space<hbm>>)
      %dma_wait3A_1377 = arith.constant 576 : i32
      %dma_wait3A_1378 = arith.constant 0 : i32
      %dma_wait3A_1379 = tpu.memref_slice %arg5[%add3A_10, %dma_wait3A_1377, %dma_wait3A_1378] : memref<64x577x1536xf32, #tpu.memory_space<hbm>> -> memref<1x1x768xf32, #tpu.memory_space<hbm>>
      %dma_wait3A_1380 = tpu.memref_squeeze %dma_wait3A_1379 : memref<1x1x768xf32, #tpu.memory_space<hbm>> -> memref<1x768xf32, #tpu.memory_space<hbm>>
      %dma_wait3A_1381 = arith.constant 576 : i32
      %dma_wait3A_1382 = arith.constant 0 : i32
      %dma_wait3A_1383 = tpu.memref_slice %arg5[%add3A_10, %dma_wait3A_1381, %dma_wait3A_1382] : memref<64x577x1536xf32, #tpu.memory_space<hbm>> -> memref<1x1x768xf32, #tpu.memory_space<hbm>>
      %dma_wait3A_1384 = tpu.memref_squeeze %dma_wait3A_1383 : memref<1x1x768xf32, #tpu.memory_space<hbm>> -> memref<1x768xf32, #tpu.memory_space<hbm>>
      tpu.wait_dma2 semaphore(%arg18 : memref<!tpu.dma_semaphore, #tpu.memory_space<semaphore_mem>>) src(%arg9 : memref<1x768xf32, #tpu.memory_space<vmem>>) dst(%dma_wait3A_1384 : memref<1x768xf32, #tpu.memory_space<hbm>>)
      %dma_wait3A_1385 = arith.constant 0 : i32
      %dma_wait3A_1386 = arith.constant 768 : i32
      %dma_wait3A_1387 = tpu.memref_slice %arg5[%add3A_10, %dma_wait3A_1385, %dma_wait3A_1386] : memref<64x577x1536xf32, #tpu.memory_space<hbm>> -> memref<1x577x768xf32, #tpu.memory_space<hbm>>
      %dma_wait3A_1388 = tpu.memref_squeeze %dma_wait3A_1387 : memref<1x577x768xf32, #tpu.memory_space<hbm>> -> memref<577x768xf32, #tpu.memory_space<hbm>>
      tpu.wait_dma2 semaphore(%arg17 : memref<!tpu.dma_semaphore, #tpu.memory_space<semaphore_mem>>) src(%arg4 : memref<577x768xf32, #tpu.memory_space<hbm>>) dst(%dma_wait3A_1388 : memref<577x768xf32, #tpu.memory_space<hbm>>)
    } else {
    }
    return
  }
}

</mosaic_0001>

<sc_bundles>
// kernel: kernel.3.cloned.1.call-start
scs
__scs_entry_jumppad:
0x0: {  	(pc) =	sbr.rel $0x88, $3  }
0x1: {  	(tag) =	ssettag $0x0;
	lr =	simm.s32 $0x1  }
0x2: {  	[smem:$0x3F9E] =	sst lr;
	_ =	strace $0xD0000000  }
0x3: {  	_ = 	snop  }
0x4: {  	_ = 	snop  }
0x5: {  	_ = 	snop  }
0x6: {  	_ = 	snop  }
0x7: {  	_ = 	snop  }
__scs_overlays_trampoline_lowered:
0x8: {  	[smem:$0x3FAD] =	sst s0  }
0x9: {  	[smem:$0x3FAE] =	sst s1  }
0xa: {  	[smem:$0x3FAF] =	sst s2  }
0xb: {  	[smem:$0x3FB0] =	sst s3  }
0xc: {  	[smem:$0x3FB1] =	sst s4  }
0xd: {  	[smem:$0x3FB2] =	sst s5  }
0xe: {  	[smem:$0x3FB3] =	sst s6  }
0xf: {  	[smem:$0x3FB4] =	sst s7  }
0x10: {  	[smem:$0x3FB5] =	sst s8  }
0x11: {  	[smem:$0x3FB6] =	sst s9;
	s0 =	simm.s32 @!p0 $0x0  }
0x12: {  	s1 =	sld [smem:$0x3F9C];
	s0 =	simm.s32 @p0 $0x1  }
0x13: {  	[smem:$0x3FB7] =	sst s0;
	s0 =	simm.s32 @!p1 $0x0  }
0x14: {  	s2 =	sld [smem:$0x3F9B];
	s0 =	simm.s32 @p1 $0x1  }
0x15: {  	[smem:$0x3FB8] =	sst s0;
	s0 =	simm.s32 @!p2 $0x0  }
0x16: {  	s3 =	sld [smem:$0x3FDB];
	s0 =	simm.s32 @p2 $0x1  }
0x17: {  	s4 =	simm.s32 $0x1BF5;
	[smem:$0x3FBA] =	sst s0  }
0x18: {  	s0 =	sld [smem:$0x3F9D];
	_ =	swait.ge [sflag:s4], $0x0  }
0x19: {  	s7 =	sld [smem:$0x3F9E]  }
0x1a: {  	s8 =	sadd.s32 $0xFFFFE003, lr  }
0x1b: {  	s9 =	sadd.s32 $0xFFFFFEF7, lr;
	s5 =	simm.s32 $0xFFFFFFFF;
	p2 =	slt.u32 s8, $0xFFFFF086  }
0x1c: {  	p1 =	slt.u32 s9, $0xF7A;
	s5 =	simm.s32 @!p2 $0x0  }
0x1d: {  	s5 =	simm.s32 @p1 $0x1;
	p0 =	seq.s32 s7, s2  }
0x1e: {  	s7 =	smul.u32 @!p0 $0xF7A, s2;
	p2 =	seq.s32 @!p0 s5, $0x0  }
0x1f: {  	s9 =	smul.u32 $0xF7A, s1;
	s8 =	simm.s32 @!p0 $0x1BF5;
	p2 =	por !p2, p0  }
0x20: {  	[sflag:s8] =	ssyncset.s32 @!p0 $0xFFFFF086;
	s6 =	sadd.s32 @!p0 s3, s7;
	s7 =	simm.s32 @!p0 $0x108  }
0x21: {  	s3 =	sadd.s32 s3, s9;
	s6 =	sadd.s32 @!p0 $0x88, s6;
	s7 =	simm.s32 @p2 $0x1082  }
0x22: {  	[simem:s7], [sflag:s8] =	dma.local @!p0 [hbm:s6], $0xF7A  }
0x23: {  	s9 =	sor.u32 $0xD0000000, s2;
	s6 =	simm.s32 $0x108;
	_ =	swait.ge @!p0 [sflag:s8], $0x0  }
0x24: {  	s3 =	sadd.s32 $0x88, s3;
	s6 =	simm.s32 @!p1 $0x1082;
	[sflag:s4] =	ssyncset.s32 $0xFFFFF086  }
0x25: {  	[simem:s6], [sflag:s4] =	dma.local [hbm:s3], $0xF7A  }
0x26: {  	[smem:$0x3F9E] =	sst s1;
	(tag) =	ssettag s2;
	_ =	strace s9  }
0x27: {  	s1 =	sld [smem:$0x3FAE]  }
0x28: {  	s2 =	sld [smem:$0x3FAF]  }
0x29: {  	s4 =	sld [smem:$0x3FB1]  }
0x2a: {  	p0 =	seq.s32 s5, $0x0;
	s5 =	sld [smem:$0x3FB2]  }
0x2b: {  	s6 =	sld [smem:$0x3FB3]  }
0x2c: {  	s7 =	sld [smem:$0x3FB4]  }
0x2d: {  	s3 =	simm.s32 $0x108;
	s8 =	sld [smem:$0x3FB5]  }
0x2e: {  	s3 =	simm.s32 @!p0 $0x1082;
	s9 =	sld [smem:$0x3FB6]  }
0x2f: {  	lr =	sadd.s32 s0, s3;
	s0 =	sld [smem:$0x3FAD]  }
0x30: {  	s3 =	sld [smem:$0x3FB0]  }
0x31: {  	[smem:$0x3FB9] =	sst s10  }
0x32: {  	s10 =	sld [smem:$0x3FB7];
	_ =	sdelay $0x3  }
0x33: {  	p0 =	seq.s32 s10, $0x1;
	s10 =	sld [smem:$0x3FB9];
	_ =	sdelay $0x3  }
0x34: {  	[smem:$0x3FB9] =	sst s10  }
0x35: {  	s10 =	sld [smem:$0x3FB8];
	_ =	sdelay $0x3  }
0x36: {  	p1 =	seq.s32 s10, $0x1;
	s10 =	sld [smem:$0x3FB9];
	_ =	sdelay $0x3  }
0x37: {  	[smem:$0x3FB9] =	sst s10  }
0x38: {  	s10 =	sld [smem:$0x3FBA]  }
0x39: {  	_ = 	snop;
	(pc) =	sbr.ind lr, $3  }
0x3a: {  	_ = 	snop  }
0x3b: {  	_ = 	snop  }
0x3c: {  	p2 =	seq.s32 s10, $0x1;
	s10 =	sld [smem:$0x3FB9]  }
0x3d: {  	_ =	shalt  }
0x3e: {  	_ =	shalt  }
0x3f: {  	_ =	shalt  }
0x40: {  	_ =	shalt  }
0x41: {  	_ =	shalt  }
0x42: {  	_ =	shalt  }
0x43: {  	_ =	shalt  }
0x44: {  	_ =	shalt  }
0x45: {  	_ =	shalt  }
0x46: {  	_ =	shalt  }
0x47: {  	_ =	shalt  }
0x48: {  	_ =	shalt  }
0x49: {  	_ =	shalt  }
0x4a: {  	_ =	shalt  }
0x4b: {  	_ =	shalt  }
0x4c: {  	_ =	shalt  }
0x4d: {  	_ =	shalt  }
0x4e: {  	_ =	shalt  }
0x4f: {  	_ =	shalt  }
0x50: {  	_ =	shalt  }
0x51: {  	_ =	shalt  }
0x52: {  	_ =	shalt  }
0x53: {  	_ =	shalt  }
0x54: {  	_ =	shalt  }
0x55: {  	_ =	shalt  }
0x56: {  	_ =	shalt  }
0x57: {  	_ =	shalt  }
0x58: {  	_ =	shalt  }
0x59: {  	_ =	shalt  }
0x5a: {  	_ =	shalt  }
0x5b: {  	_ =	shalt  }
0x5c: {  	_ =	shalt  }
0x5d: {  	_ =	shalt  }
0x5e: {  	_ =	shalt  }
0x5f: {  	_ =	shalt  }
0x60: {  	_ =	shalt  }
0x61: {  	_ =	shalt  }
0x62: {  	_ =	shalt  }
0x63: {  	_ =	shalt  }
0x64: {  	_ =	shalt  }
0x65: {  	_ =	shalt  }
0x66: {  	_ =	shalt  }
0x67: {  	_ =	shalt  }
0x68: {  	_ =	shalt  }
0x69: {  	_ =	shalt  }
0x6a: {  	_ =	shalt  }
0x6b: {  	_ =	shalt  }
0x6c: {  	_ =	shalt  }
0x6d: {  	_ =	shalt  }
0x6e: {  	_ =	shalt  }
0x6f: {  	_ =	shalt  }
0x70: {  	_ =	shalt  }
0x71: {  	_ =	shalt  }
0x72: {  	_ =	shalt  }
0x73: {  	_ =	shalt  }
0x74: {  	_ =	shalt  }
0x75: {  	_ =	shalt  }
0x76: {  	_ =	shalt  }
0x77: {  	_ =	shalt  }
0x78: {  	_ =	shalt  }
0x79: {  	_ =	shalt  }
0x7a: {  	_ =	shalt  }
0x7b: {  	_ =	shalt  }
0x7c: {  	_ =	shalt  }
0x7d: {  	_ =	shalt  }
0x7e: {  	_ =	shalt  }
0x7f: {  	_ =	shalt  }
0x80: {  	_ =	shalt  }
0x81: {  	_ =	shalt  }
0x82: {  	_ =	shalt  }
0x83: {  	_ =	shalt  }
0x84: {  	_ =	shalt  }
0x85: {  	_ =	shalt  }
0x86: {  	_ =	shalt  }
0x87: {  	_ =	shalt  }
.Lfunc_end0:
.L_simem_size_0:
called_computation_lowered:
.L_overlay_start_0:
0x88: {  	s2 =	sld [smem:$0x3FD9]  }
0x89: {  	s3 =	sld [smem:$0x3FFE];
	_ =	sdelay $0x1  }
0x8a: {  	s1 =	srdreg.scid  }
0x8b: {  	s0 =	sand.u32 $0x1, s1  }
0x8c: {  	s17 =	sshll.u32 s0, $0xA;
	s2 =	sadd.s32 s3, s2  }
0x8d: {  	s2 =	sadd.s32 s2, s17  }
0x8e: {  	[smem:$0x3FC5] =	sst s2  }
0x8f: {  	_ = 	snop  }
0x90: {  	s2 =	sld [smem:$0x3FC9]  }
0x91: {  	s18 =	sld [smem:$0x3FC8]  }
0x92: {  	s4 =	sld [smem:$0x3FC7];
	(tm) =	ssettm $0x1  }
0x93: {  	s5 =	sld [smem:$0x3FFB];
	_ =	sdelay $0x3  }
0x94: {  	_ =	strace s5  }
0x95: {  	s5 =	sld [smem:$0x3FFC];
	_ =	sdelay $0x3  }
0x96: {  	_ =	strace s5  }
0x97: {  	s5 =	sld [smem:$0x3FFD];
	_ =	sdelay $0x3  }
0x98: {  	_ =	strace s5  }
0x99: {  	_ =	strace $0x8FFFFFFF  }
0x9a: {  	s19 =	sld [smem:$0x3FDB];
	_ =	sdelay $0x1  }
0x9b: {  	s6 =	simm.s32 $_scs_section_size  }
0x9c: {  	s7 =	simm.s32 $_size__tile_overlayer_lowered;
	s8 =	simm.s32 $_tile_overlayer_lowered  }
0x9d: {  	s22 =	simm.s32 $0x1BFF;
	s21 =	sshll.u32 s8, $0x1;
	s5 =	sadd.s32 s6, s19  }
0x9e: {  	s9 =	simm.s32 $0x0;
	s20 =	sshll.u32 s7, $0x1;
	s7 =	sadd.s32 s21, s5  }
0x9f: {  	[timem:s9], [sflag:s22] =	dma.local [hbm:s7], s20  }
0xa0: {  	_ =	swait.ge [sflag:s22], s20  }
0xa1: {  	s6 =	ssub.s32 $0x0, s20;
	[sflag:s22] =	ssyncset.done $0x0  }
0xa2: {  	[sflag:s22] =	ssyncadd.s32 s6;
	_ =	sdelay $0x1  }
0xa3: {  	s23 =	simm.s32 $0x1B8B  }
0xa4: {  	_ =	swait.ge [sflag:s23], $0x1  }
0xa5: {  	[sflag:s23] =	ssyncset.done $0x0  }
0xa6: {  	s25 =	simm.s32 $0x1B8E;
	s24 =	sld [smem:$0x3FFE];
	[sflag:s23] =	ssyncadd.s32 $0xFFFFFFFF  }
0xa7: {  	s26 =	simm.s32 $execute0_lowered;
	[smem:$0x3FD2] =	sst s25  }
0xa8: {  	s7 =	sshll.u32 s26, $0x1;
	_ =	strace $0x80000046;
	[dreg:$0x1] =	wrdreg $0xFFFFFFFF  }
0xa9: {  	s28 =	simm.s32 $_size_execute0_lowered;
	s5 =	sadd.s32 s5, s7;
	[dreg:$0x0] =	wrdreg $0x0  }
0xaa: {  	s7 =	sshll.u32 s28, $0x1;
	[dreg:$0x2] =	wrdreg s5  }
0xab: {  	[dreg:$0x3] =	wrdreg s7  }
0xac: {  	[dreg:$0x4] =	wrdreg $0xC0  }
0xad: {  	_ =	task [dreg:s9], $0x5FFFF  }
0xae: {  	[dreg:$0x1] =	wrdreg $0xFFFFFFFF  }
0xaf: {  	[dreg:$0x0] =	wrdreg $0x60  }
0xb0: {  	[dreg:$0x2] =	wrdreg s2  }
0xb1: {  	[dreg:$0x3] =	wrdreg s18  }
0xb2: {  	[dreg:$0x4] =	wrdreg s4  }
0xb3: {  	[dreg:$0x5] =	wrdreg s24  }
0xb4: {  	[dreg:$0x6] =	wrdreg $0x9  }
0xb5: {  	_ =	task.clear_ibuf [dreg:s9], $0x7FFFF;
	_ =	strace $0x90000046  }
0xb6: {  	s29 =	simm.s32 $0x9;
	_ =	strace $0x80000048  }
0xb7: {  	_ =	swait.ge [sflag:s29], $0x1  }
0xb8: {  	[sflag:s29] =	ssyncadd.s32 $0xFFFFFFFF  }
0xb9: {  	_ =	strace $0x90000048  }
0xba: {  	_ =	sfence  }
0xbb: {  	s30 =	sld [smem:$0x0];
	_ =	sdelay $0x2  }
0xbc: {  	s31 =	sshll.u32 s1, $0xD;
	s1 =	sshrl.u32 s1, $0x2  }
0xbd: {  	s3 =	sand.u32 $0x4000, s31;
	s1 =	sadd.s32 s1, s30  }
0xbe: {  	s0 =	sor.u32 s3, s0;
	s1 =	sshll.u32 s1, $0x11  }
0xbf: {  	s0 =	sor.u32 s1, s0  }
0xc0: {  	s0 =	sadd.s32 $0x8F2B, s0  }
0xc1: {  	[sflag:s0] =	ssyncadd.remote.s32 $0x1  }
0xc2: {  	_ =	sfence.sel $0xFFFF  }
0xc3: {  	[dreg:$0x0] =	wrdreg $0xFFFFFFFF;
	(pc) =	sbr.abs _section_cstart, $3  }
0xc4: {  	[dreg:$0x1] =	wrdreg $0xFFFFFFFF  }
0xc5: {  	_ =	task.clear_ibuf [dreg:s9], $0x2FFFF;
	_ =	strace $0x9FFFFFFF  }
0xc6: {  	(tm) =	ssettm $0x7FFFFFFF  }
0xc7: {  	_ =	shalt  }
tec
execute0_lowered:
.L_overlay_start_1:
0x0: {  	(tag) =	ssettag $0x1  }
0x1: {  	s2 =	srdreg.scid;
	s0 =	stileid.u32  }
0x2: {  	s1 =	rddreg [dreg:$0x0];
	s9 =	sand.u32 $0x1, s2;
	s21 =	sshll.u32 s0, $0x1  }
0x3: {  	s3 =	rddreg [dreg:$0x1];
	s8 =	sor.u32 s9, s21  }
0x4: {  	s5 =	rddreg [dreg:$0x3];
	s6 =	smul.u32 $0x1B6000, s8  }
0x5: {  	s4 =	simm.s32 $0x0;
	v0 =	vimm.s32 $0xEDCBA987;
	v1 =	vimm.s32 $0x65432100;
	v13 =	vlaneseq.u32;
	[dreg:$0x5] =	wrdreg s3  }
0x6: {  	vm0 =	vmmov $0x3f;
	s3 =	rddreg [dreg:$0x2];
	s7 =	sadd.s32 $0x400, s5;
	v0 =	vunpack.c.l.s4.s8 v0;
	v1 =	vunpack.c.l.s4.s8 v1;
	s22 =	sshrl.u32 s6, $0x3  }
0x7: {  	[smem:$0x7FF] =	sst s4;
	v2 =	vadd.s32 $0x1F, v13;
	v3 =	vadd.s32 $0x2F, v13;
	v4 =	vadd.s32 $0x3F, v13;
	s5 =	sadd.s32 s7, s22  }
0x8: {  	s2 =	rddreg [dreg:$0x4];
	v5 =	vadd.s32 $0x4F, v13;
	v6 =	vadd.s32 $0x5F, v13;
	v7 =	vadd.s32 $0x6F, v13;
	_ =	strace $0x80000047;
	s11 =	sadd.s32 $0x300, s5  }
0x9: {  	v8 =	vadd.s32 $0x7F, v13;
	v9 =	vadd.s32 $0x8F, v13;
	v10 =	vadd.s32 $0x9F, v13;
	s23 =	smul.u32 $0x480, s8;
	s25 =	sadd.s32 $0x1B000, s5;
	[dreg:$0x6] =	wrdreg s11  }
0xa: {  	v11 =	vadd.s32 $0xAF, v13;
	v12 =	vadd.s32 $0xBF, v13;
	v45 =	vadd.s32 $0xCF, v13;
	s8 =	sshllo.u32 s8, $0x1;
	s26 =	sadd.s32 $0x3000, s5;
	[dreg:$0x7] =	wrdreg s25  }
0xb: {  	v46 =	vadd.s32 $0xDF, v13;
	v47 =	vadd.s32 $0xEF, v13;
	v48 =	vadd.s32 $0xFF, v13;
	s20 =	smul.u32 $0xDB000, s8;
	s31 =	sadd.s32 $0x6000, s5;
	[dreg:$0x9] =	wrdreg s26  }
0xc: {  	v49 =	vadd.s32 $0x10F, v13;
	v50 =	vadd.s32 $0x11F, v13;
	v51 =	vadd.s32 $0x12F, v13;
	s24 =	sshrl.u32 s23, $0x3;
	s12 =	sadd.s32 $0x9000, s5;
	[dreg:$0xb] =	wrdreg s31  }
0xd: {  	v52 =	vadd.s32 $0x13F, v13;
	v53 =	vadd.s32 $0x14F, v13;
	v54 =	vadd.s32 $0x15F, v13;
	s10 =	smul.u32 $0x1800, s24;
	s14 =	sadd.s32 $0xC000, s5;
	[dreg:$0xd] =	wrdreg s12  }
0xe: {  	v55 =	vadd.s32 $0x16F, v13;
	v56 =	vadd.s32 $0x17F, v13;
	v57 =	vadd.s32 $0x18F, v13;
	s6 =	smul.u32 $0x300, s24;
	s16 =	sadd.s32 $0xF000, s5;
	[dreg:$0xf] =	wrdreg s14  }
0xf: {  	v58 =	vadd.s32 $0x19F, v13;
	v59 =	vadd.s32 $0x1AF, v13;
	v0 =	vunpack.c.0.s8.s32 v0;
	s24 =	sshrl.u32 s20, $0x3;
	s18 =	sadd.s32 $0x12000, s5;
	[dreg:$0x11] =	wrdreg s16  }
0x10: {  	v60 =	vadd.s32 $0x1BF, v13;
	v61 =	vadd.s32 $0x1CF, v13;
	v62 =	vadd.s32 $0x1DF, v13;
	s21 =	sadd.s32 $0x15000, s5;
	s7 =	sadd.s32 s7, s24;
	[dreg:$0x13] =	wrdreg s18  }
0x11: {  	v1 =	vunpack.c.0.s8.s32 v1;
	v0 =	vand.u32 $0xF, v0;
	v18 =	vadd.s32 s23, v49;
	[dreg:$0x15] =	wrdreg s21;
	s12 =	sadd.s32 $0x1B000, s7  }
0x12: {  	v19 =	vadd.s32 s23, v50;
	v20 =	vadd.s32 s23, v51;
	v21 =	vadd.s32 s23, v52;
	s14 =	sadd.s32 $0x3000, s7;
	[dreg:$0x19] =	wrdreg s12  }
0x13: {  	v22 =	vadd.s32 s23, v53;
	v23 =	vadd.s32 s23, v54;
	v32 =	vcombine.low v1, v0;
	s16 =	sadd.s32 $0x6000, s7;
	[dreg:$0x1b] =	wrdreg s14  }
0x14: {  	s28 =	simm.s32 $0x4;
	v24 =	vadd.s32 s23, v55;
	v25 =	vadd.s32 s23, v56;
	v26 =	vadd.s32 s23, v57;
	s18 =	sadd.s32 $0x9000, s7;
	[dreg:$0x1d] =	wrdreg s16  }
0x15: {  	v27 =	vadd.s32 s23, v58;
	v1 =	vadd.s32 $0xF, v13;
	s6 =	sadd.s32 s1, s6;
	v0 =	vor.u32 s23, v32;
	s20 =	sadd.s32 $0xC000, s7;
	[dreg:$0x1f] =	wrdreg s18  }
0x16: {  	v28 =	vadd.s32 s23, v59;
	v29 =	vadd.s32 s23, v60;
	s26 =	smul.u32 $0x240, s8;
	s24 =	sadd.s32 $0xF000, s7;
	[tilespmem:$0x1FEF0] =	vst v0;
	v0 =	vor.u32 s23, v1;
	[smem:$0x7F8] =	sst s20  }
0x17: {  	s29 =	simm.s32 $0x5;
	v30 =	vadd.s32 s23, v61;
	v31 =	vadd.s32 s23, v62;
	s30 =	sadd.s32 $0x3000, s6;
	[smem:$0x7FA] =	sst s24;
	[tilespmem:$0x1FF00] =	vst v0;
	v0 =	vor.u32 s23, v2  }
0x18: {  	s9 =	ssub.s32 $0x2, s9;
	s11 =	sadd.s32 $0x4800, s6;
	[dreg:$0xa] =	wrdreg s30;
	v32 =	vor.u32 s26, v32;
	v33 =	vor.u32 s26, v1;
	v34 =	vor.u32 s26, v2  }
0x19: {  	s10 =	sshrl.u32 s10, $0x3;
	s13 =	sadd.s32 $0x6000, s6;
	[dreg:$0xc] =	wrdreg s11;
	v35 =	vor.u32 s26, v3;
	v36 =	vadd.s32 s26, v4;
	v37 =	vadd.s32 s26, v5  }
0x1a: {  	s10 =	sadd.s32 s1, s10;
	s15 =	sadd.s32 $0x7800, s6;
	[dreg:$0xe] =	wrdreg s13;
	v38 =	vadd.s32 s26, v6;
	v39 =	vadd.s32 s26, v7;
	v40 =	vadd.s32 s26, v8  }
0x1b: {  	s17 =	sadd.s32 $0x9000, s6;
	s19 =	sadd.s32 $0xA800, s6;
	[dreg:$0x10] =	wrdreg s15;
	v41 =	vadd.s32 s26, v9;
	v42 =	vadd.s32 s26, v10;
	v43 =	vadd.s32 s26, v11  }
0x1c: {  	s22 =	sadd.s32 $0xC000, s6;
	s14 =	simm.s32 $0x6;
	[dreg:$0x12] =	wrdreg s17;
	v44 =	vadd.s32 s26, v12;
	v49 =	vadd.s32 s26, v49;
	[tilespmem:$0x1FF10] =	vst v0;
	v0 =	vor.u32 s23, v3  }
0x1d: {  	s16 =	simm.s32 $0x600;
	s18 =	simm.s32 $0x18300;
	[dreg:$0x14] =	wrdreg s19;
	v50 =	vadd.s32 s26, v50;
	v51 =	vadd.s32 s26, v51;
	[tilespmem:$0x1FF20] =	vst v0;
	v0 =	vor.u32 s23, v4  }
0x1e: {  	s10 =	sadd.s32 $0x1800, s10;
	[dreg:$0x16] =	wrdreg s22;
	s25 =	sshrl.u32 s26, $0x3;
	v52 =	vadd.s32 s26, v52;
	v53 =	vadd.s32 s26, v53;
	[tilespmem:$0x1FF30] =	vst v0;
	v0 =	vor.u32 s23, v5  }
0x1f: {  	s30 =	sadd.s32 $0x18000, s5;
	v54 =	vadd.s32 s26, v54;
	v55 =	vadd.s32 s26, v55;
	[dreg:$0x8] =	wrdreg s10;
	s31 =	smul.u32 $0x300, s25;
	[tilespmem:$0x1FF40] =	vst v0;
	v0 =	vor.u32 s23, v6  }
0x20: {  	s20 =	simm.s32 $0x400;
	s11 =	sadd.s32 $0x300, s7;
	v56 =	vadd.s32 s26, v56;
	v57 =	vadd.s32 s26, v57;
	[dreg:$0x17] =	wrdreg s30;
	[tilespmem:$0x1FF50] =	vst v0;
	v0 =	vor.u32 s23, v7  }
0x21: {  	v58 =	vadd.s32 s26, v58;
	v59 =	vadd.s32 s26, v59;
	[dreg:$0x18] =	wrdreg s11;
	s30 =	sadd.s32 $0x12000, s7;
	s8 =	sadd.s32 s1, s31;
	[tilespmem:$0x1FF60] =	vst v0;
	v0 =	vadd.s32 s23, v8  }
0x22: {  	s22 =	sshrl.u32 s9, $0x1;
	v60 =	vadd.s32 s26, v60;
	v61 =	vadd.s32 s26, v61;
	[smem:$0x7FC] =	sst s30;
	s13 =	sadd.s32 $0x1800, s8;
	[tilespmem:$0x1FF70] =	vst v0;
	v0 =	vadd.s32 s23, v9  }
0x23: {  	s24 =	sadd.s32 $0x23F, s26;
	v62 =	vadd.s32 s26, v62;
	v3 =	vadd.s32 $0x1FF, v13;
	s15 =	sadd.s32 $0x3000, s8;
	[dreg:$0x1a] =	wrdreg s13;
	[tilespmem:$0x1FF80] =	vst v0;
	v0 =	vadd.s32 s23, v10  }
0x24: {  	s12 =	ssub.s32 s9, s22;
	v2 =	vadd.s32 s23, v3;
	v3 =	vadd.s32 s26, v3;
	s17 =	sadd.s32 $0x4800, s8;
	[dreg:$0x1c] =	wrdreg s15;
	[tilespmem:$0x1FF90] =	vst v0;
	v0 =	vadd.s32 s23, v11  }
0x25: {  	s22 =	sadd.s32 $0x23F, s23;
	s19 =	sadd.s32 $0x6000, s8;
	[dreg:$0x1e] =	wrdreg s17;
	v8 =	vmov s24;
	v9 =	vadd.s32 $0x21F, v13;
	[tilespmem:$0x1FFA0] =	vst v0;
	v0 =	vadd.s32 s23, v12  }
0x26: {  	s9 =	sadd.s32 $0x15000, s7;
	s21 =	sadd.s32 $0x7800, s8;
	[smem:$0x7F7] =	sst s19;
	v10 =	vadd.s32 $0x22F, v13;
	v6 =	vadd.s32 s23, v9;
	[tilespmem:$0x1FFB0] =	vst v0;
	v0 =	vadd.s32 s23, v45  }
0x27: {  	s11 =	sadd.s32 $0x18000, s7;
	s25 =	sadd.s32 $0x9000, s8;
	[smem:$0x7F9] =	sst s21;
	v9 =	vadd.s32 s26, v9;
	v7 =	vadd.s32 s23, v10;
	[tilespmem:$0x1FFC0] =	vst v0;
	v0 =	vadd.s32 s23, v46  }
0x28: {  	s12 =	smax.u32 s12, $0x1;
	s31 =	sadd.s32 $0xA800, s8;
	[smem:$0x7FB] =	sst s25;
	v10 =	vadd.s32 s26, v10;
	v11 =	vimm.s32 $0x0;
	[tilespmem:$0x1FFD0] =	vst v0;
	v0 =	vadd.s32 s23, v47  }
0x29: {  	s10 =	sadd.s32 $0xC000, s8;
	[smem:$0x7FD] =	sst s31;
	s13 =	simm.s32 $0x18000;
	v45 =	vadd.s32 s26, v45;
	v46 =	vadd.s32 s26, v46;
	[tilespmem:$0x1FFE0] =	vst v0;
	v0 =	vadd.s32 s23, v48  }
0x2a: {  	s15 =	simm.s32 $0x30;
	s17 =	simm.s32 $0x300;
	s19 =	simm.s32 $0x80;
	v47 =	vadd.s32 s26, v47;
	v48 =	vadd.s32 s26, v48;
	[tilespmem:$0x1FFF0] =	vst v0;
	v0 =	vadd.s32 $0x1EF, v13  }
0x2b: {  	s21 =	simm.s32 $0x1;
	s25 =	simm.s32 $0x2;
	s24 =	simm.s32 $0xC000;
	v63 =	vadd.s32 s23, v0;
	v1 =	vadd.s32 s26, v0;
	v0 =	vadd.s32 $0x20F, v13  }
0x2c: {  	v4 =	vadd.s32 s23, v0;
	v5 =	vadd.s32 s26, v0;
	v0 =	vmov s22;
	s22 =	simm.s32 $0x1800;
	s23 =	simm.s32 $0x3000;
	s26 =	simm.s32 $0x3  }
.LBB2_1:
0x2d: {  	s30 =	rddreg [dreg:$0x5]  }
0x2e: {  	[tilespmem:s13], [sflag:$0x6] =	stream.linear.gather [hbm4b:s30+s4], $0x300, $0x38;
	[tilespmem:$0x18780] =	vst v63  }
0x2f: {  	_ =	swait.ge [sflag:s14], $0x300  }
0x30: {  	s30 =	sshll.u32 s0, $0x6;
	[sflag:s14] =	ssyncset.done $0x0  }
0x31: {  	s30 =	sor.u32 $0x1C05, s30;
	s31 =	rddreg [dreg:$0x6];
	[sflag:s14] =	ssyncadd.s32 $0xFFFFFD00  }
0x32: {  	[hbm:s31@s16], [sflag:s30] =	dma.strided [hbm:s3@s17], $0xDB00, s15, $0x10 ;
	[tilespmem:$0x18700] =	vst v0  }
0x33: {  	v12 =	vld.msk [tilespmem:$0x18700], $0x1;
	_ =	sdelay $0x4  }
0x34: {  	v13 =	vshrl.u32 v12, $0x3  }
0x35: {  	v13 =	vmul.u32 $0x30, v13  }
0x36: {  	v12 =	vand.u32 $0x7, v12  }
0x37: {  	v12 =	vor.u32 v12, v13  }
0x38: {  	v13 =	vperm.xlane v12, v11;
	v12 =	vlaneseq.u32  }
0x39: {  	v12 =	vmul.u32 $0x8, v12;
	_ =	sdelay $0x1  }
0x3a: {  	v13 =	vadd.s32 v12, v13;
	_ =	sdelay $0x4  }
0x3b: {  	[tilespmem:s18], [sflag:$0x6] =	stream.indirect_vreg.gather [hbm4b:s1+s4], $0x80, v13, vm0, $0xb8;
	v13 =	vld [tilespmem:$0x1FEF0]  }
0x3c: {  	_ =	sdelay $0x3  }
0x3d: {  	[tilespmem:$0x18600] =	vst v13;
	v13 =	vld [tilespmem:$0x1FF00];
	_ =	sdelay $0x4  }
0x3e: {  	[tilespmem:$0x18610] =	vst v13;
	v13 =	vld [tilespmem:$0x1FF10];
	_ =	sdelay $0x4  }
0x3f: {  	[tilespmem:$0x18620] =	vst v13;
	v13 =	vld [tilespmem:$0x1FF20];
	_ =	sdelay $0x4  }
0x40: {  	[tilespmem:$0x18630] =	vst v13  }
0x41: {  	[tilespmem:s4], [sflag:$0x1] =	stream.linear.gather [hbm4b:s6+s4], $0xC000, $0x38;
	[tilespmem:$0x18780] =	vst v63  }
0x42: {  	_ =	swait.ge [sflag:s14], $0x300  }
0x43: {  	[sflag:s14] =	ssyncset.done $0x0  }
0x44: {  	s31 =	rddreg [dreg:$0x7];
	[sflag:s14] =	ssyncadd.s32 $0xFFFFFD00  }
0x45: {  	[hbm4b:s31+s19] =	stream.strided.scatter [tilespmem:s18], [sflag:$0x6], $0x300, s20, s19, $0x38;
	[tilespmem:$0x18780] =	vst v63  }
0x46: {  	_ =	swait.ge [sflag:s21], $0xC000  }
0x47: {  	[sflag:s21] =	ssyncset.done $0x0  }
0x48: {  	[sflag:s21] =	ssyncadd.s32 $0xFFFF4000  }
0x49: {  	v13 =	vld [tilespmem:$0x18000];
	_ =	sdelay $0x1  }
0x4a: {  	v14 =	vld [tilespmem:$0x18010]  }
0x4b: {  	v15 =	vld [tilespmem:$0x18020]  }
0x4c: {  	v16 =	vld [tilespmem:$0x18030]  }
0x4d: {  	[tilespmem:$0x0] =	vst v13;
	v13 =	vld [tilespmem:$0x18050]  }
0x4e: {  	v17 =	vld [tilespmem:$0x18040]  }
0x4f: {  	[tilespmem:$0x10] =	vst v14;
	v14 =	vld [tilespmem:$0x18060]  }
0x50: {  	[tilespmem:$0x20] =	vst v15;
	v15 =	vld [tilespmem:$0x18070]  }
0x51: {  	[tilespmem:$0x30] =	vst v16;
	v16 =	vld [tilespmem:$0x18080]  }
0x52: {  	[tilespmem:$0x50] =	vst v13;
	v13 =	vld [tilespmem:$0x180A0]  }
0x53: {  	[tilespmem:$0x40] =	vst v17;
	v17 =	vld [tilespmem:$0x18090]  }
0x54: {  	[tilespmem:$0x60] =	vst v14;
	v14 =	vld [tilespmem:$0x180B0]  }
0x55: {  	[tilespmem:$0x70] =	vst v15;
	v15 =	vld [tilespmem:$0x180C0]  }
0x56: {  	[tilespmem:$0x400] =	vst v16;
	v16 =	vld [tilespmem:$0x180D0]  }
0x57: {  	[tilespmem:$0x420] =	vst v13;
	v13 =	vld [tilespmem:$0x180F0]  }
0x58: {  	[tilespmem:$0x410] =	vst v17;
	v17 =	vld [tilespmem:$0x180E0]  }
0x59: {  	[tilespmem:$0x430] =	vst v14;
	v14 =	vld [tilespmem:$0x18100]  }
0x5a: {  	[tilespmem:$0x440] =	vst v15;
	v15 =	vld [tilespmem:$0x18110]  }
0x5b: {  	[tilespmem:$0x450] =	vst v16;
	v16 =	vld [tilespmem:$0x18120]  }
0x5c: {  	[tilespmem:$0x470] =	vst v13;
	v13 =	vld [tilespmem:$0x18140]  }
0x5d: {  	[tilespmem:$0x460] =	vst v17;
	v17 =	vld [tilespmem:$0x18130]  }
0x5e: {  	[tilespmem:$0x800] =	vst v14;
	v14 =	vld [tilespmem:$0x18150]  }
0x5f: {  	[tilespmem:$0x810] =	vst v15;
	v15 =	vld [tilespmem:$0x18160]  }
0x60: {  	[tilespmem:$0x820] =	vst v16;
	v16 =	vld [tilespmem:$0x18170]  }
0x61: {  	[tilespmem:$0x840] =	vst v13;
	v13 =	vld [tilespmem:$0x18190]  }
0x62: {  	[tilespmem:$0x830] =	vst v17;
	v17 =	vld [tilespmem:$0x18180]  }
0x63: {  	[tilespmem:$0x850] =	vst v14;
	v14 =	vld [tilespmem:$0x181A0]  }
0x64: {  	[tilespmem:$0x860] =	vst v15;
	v15 =	vld [tilespmem:$0x181B0]  }
0x65: {  	[tilespmem:$0x870] =	vst v16;
	v16 =	vld [tilespmem:$0x181C0]  }
0x66: {  	[tilespmem:$0xC10] =	vst v13;
	v13 =	vld [tilespmem:$0x181E0]  }
0x67: {  	[tilespmem:$0xC00] =	vst v17;
	v17 =	vld [tilespmem:$0x181D0]  }
0x68: {  	[tilespmem:$0xC20] =	vst v14;
	v14 =	vld [tilespmem:$0x181F0]  }
0x69: {  	[tilespmem:$0xC30] =	vst v15;
	v15 =	vld [tilespmem:$0x18200]  }
0x6a: {  	[tilespmem:$0xC40] =	vst v16;
	v16 =	vld [tilespmem:$0x18210]  }
0x6b: {  	[tilespmem:$0xC60] =	vst v13;
	v13 =	vld [tilespmem:$0x18230]  }
0x6c: {  	[tilespmem:$0xC50] =	vst v17;
	v17 =	vld [tilespmem:$0x18220]  }
0x6d: {  	[tilespmem:$0xC70] =	vst v14;
	v14 =	vld [tilespmem:$0x18240]  }
0x6e: {  	[tilespmem:$0x1000] =	vst v15;
	v15 =	vld [tilespmem:$0x18250]  }
0x6f: {  	[tilespmem:$0x1010] =	vst v16;
	v16 =	vld [tilespmem:$0x18260]  }
0x70: {  	[tilespmem:$0x1030] =	vst v13;
	v13 =	vld [tilespmem:$0x18280]  }
0x71: {  	[tilespmem:$0x1020] =	vst v17;
	v17 =	vld [tilespmem:$0x18270]  }
0x72: {  	[tilespmem:$0x1040] =	vst v14;
	v14 =	vld [tilespmem:$0x18290]  }
0x73: {  	[tilespmem:$0x1050] =	vst v15;
	v15 =	vld [tilespmem:$0x182A0]  }
0x74: {  	[tilespmem:$0x1060] =	vst v16;
	v16 =	vld [tilespmem:$0x182B0]  }
0x75: {  	[tilespmem:$0x1400] =	vst v13;
	v13 =	vld [tilespmem:$0x182D0]  }
0x76: {  	[tilespmem:$0x1070] =	vst v17;
	v17 =	vld [tilespmem:$0x182C0]  }
0x77: {  	[tilespmem:$0x1410] =	vst v14;
	v14 =	vld [tilespmem:$0x182E0]  }
0x78: {  	[tilespmem:$0x1420] =	vst v15;
	v15 =	vld [tilespmem:$0x182F0]  }
0x79: {  	[tilespmem:$0x1430] =	vst v16  }
0x7a: {  	[tilespmem:$0x1450] =	vst v13;
	v13 =	vld [tilespmem:$0x1FF30]  }
0x7b: {  	[tilespmem:$0x1440] =	vst v17  }
0x7c: {  	[tilespmem:$0x1460] =	vst v14  }
0x7d: {  	[tilespmem:$0x1470] =	vst v15  }
0x7e: {  	[hbm4b:s5+s22] =	stream.strided.scatter [tilespmem:s4], [sflag:$0x3], $0xC000, s23, s22, $0x38;
	[tilespmem:$0x18780] =	vst v63  }
0x7f: {  	[tilespmem:$0x18680] =	vst v13;
	v13 =	vld [tilespmem:$0x1FF40];
	_ =	sdelay $0x4  }
0x80: {  	[tilespmem:$0x18690] =	vst v13;
	v13 =	vld [tilespmem:$0x1FF50];
	_ =	sdelay $0x4  }
0x81: {  	[tilespmem:$0x186A0] =	vst v13;
	v13 =	vld [tilespmem:$0x1FF60];
	_ =	sdelay $0x4  }
0x82: {  	s31 =	rddreg [dreg:$0x8];
	[tilespmem:$0x186B0] =	vst v13  }
0x83: {  	[tilespmem:s24], [sflag:$0x2] =	stream.linear.gather [hbm4b:s31+s4], $0xC000, $0x38;
	[tilespmem:$0x18780] =	vst v63  }
0x84: {  	_ =	swait.ge [sflag:s25], $0xC000  }
0x85: {  	[sflag:s25] =	ssyncset.done $0x0  }
0x86: {  	s31 =	rddreg [dreg:$0x9];
	[sflag:s25] =	ssyncadd.s32 $0xFFFF4000  }
0x87: {  	[hbm4b:s31+s22] =	stream.strided.scatter [tilespmem:s24], [sflag:$0x4], $0xC000, s23, s22, $0x38;
	[tilespmem:$0x18780] =	vst v63  }
0x88: {  	_ =	swait.ge [sflag:s26], $0xC000  }
0x89: {  	v13 =	vld [tilespmem:$0x1FF70];
	_ =	sdelay $0x2  }
0x8a: {  	[sflag:s26] =	ssyncset.done $0x0  }
0x8b: {  	[sflag:s26] =	ssyncadd.s32 $0xFFFF4000  }
0x8c: {  	[tilespmem:$0x18600] =	vst v13;
	v13 =	vld [tilespmem:$0x1FF80];
	_ =	sdelay $0x4  }
0x8d: {  	[tilespmem:$0x18610] =	vst v13;
	v13 =	vld [tilespmem:$0x1FF90];
	_ =	sdelay $0x4  }
0x8e: {  	[tilespmem:$0x18620] =	vst v13;
	v13 =	vld [tilespmem:$0x1FFA0];
	_ =	sdelay $0x4  }
0x8f: {  	s31 =	rddreg [dreg:$0xa];
	[tilespmem:$0x18630] =	vst v13  }
0x90: {  	[tilespmem:s4], [sflag:$0x1] =	stream.linear.gather [hbm4b:s31+s4], $0xC000, $0x38;
	[tilespmem:$0x18780] =	vst v63  }
0x91: {  	_ =	swait.ge [sflag:s21], $0xC000  }
0x92: {  	[sflag:s21] =	ssyncset.done $0x0  }
0x93: {  	s31 =	rddreg [dreg:$0xb];
	[sflag:s21] =	ssyncadd.s32 $0xFFFF4000  }
0x94: {  	[hbm4b:s31+s22] =	stream.strided.scatter [tilespmem:s4], [sflag:$0x3], $0xC000, s23, s22, $0x38;
	[tilespmem:$0x18780] =	vst v63  }
0x95: {  	_ =	swait.ge [sflag:s28], $0xC000  }
0x96: {  	v13 =	vld [tilespmem:$0x1FFB0];
	_ =	sdelay $0x2  }
0x97: {  	[sflag:s28] =	ssyncset.done $0x0  }
0x98: {  	[sflag:s28] =	ssyncadd.s32 $0xFFFF4000  }
0x99: {  	[tilespmem:$0x18680] =	vst v13;
	v13 =	vld [tilespmem:$0x1FFC0];
	_ =	sdelay $0x4  }
0x9a: {  	[tilespmem:$0x18690] =	vst v13;
	v13 =	vld [tilespmem:$0x1FFD0];
	_ =	sdelay $0x4  }
0x9b: {  	[tilespmem:$0x186A0] =	vst v13;
	v13 =	vld [tilespmem:$0x1FFE0];
	_ =	sdelay $0x4  }
0x9c: {  	s31 =	rddreg [dreg:$0xc];
	[tilespmem:$0x186B0] =	vst v13  }
0x9d: {  	[tilespmem:s24], [sflag:$0x2] =	stream.linear.gather [hbm4b:s31+s4], $0xC000, $0x38;
	[tilespmem:$0x18780] =	vst v63  }
0x9e: {  	_ =	swait.ge [sflag:s25], $0xC000  }
0x9f: {  	[sflag:s25] =	ssyncset.done $0x0  }
0xa0: {  	s31 =	rddreg [dreg:$0xd];
	[sflag:s25] =	ssyncadd.s32 $0xFFFF4000  }
0xa1: {  	[hbm4b:s31+s22] =	stream.strided.scatter [tilespmem:s24], [sflag:$0x4], $0xC000, s23, s22, $0x38;
	[tilespmem:$0x18780] =	vst v63  }
0xa2: {  	_ =	swait.ge [sflag:s26], $0xC000  }
0xa3: {  	[sflag:s26] =	ssyncset.done $0x0;
	v13 =	vld [tilespmem:$0x1FFF0]  }
0xa4: {  	[sflag:s26] =	ssyncadd.s32 $0xFFFF4000  }
0xa5: {  	[tilespmem:$0x18610] =	vst v18  }
0xa6: {  	[tilespmem:$0x18620] =	vst v19  }
0xa7: {  	[tilespmem:$0x18630] =	vst v20  }
0xa8: {  	s31 =	rddreg [dreg:$0xe];
	[tilespmem:$0x18600] =	vst v13  }
0xa9: {  	[tilespmem:s4], [sflag:$0x1] =	stream.linear.gather [hbm4b:s31+s4], $0xC000, $0x38;
	[tilespmem:$0x18780] =	vst v63  }
0xaa: {  	_ =	swait.ge [sflag:s21], $0xC000  }
0xab: {  	[sflag:s21] =	ssyncset.done $0x0  }
0xac: {  	s31 =	rddreg [dreg:$0xf];
	[sflag:s21] =	ssyncadd.s32 $0xFFFF4000  }
0xad: {  	[hbm4b:s31+s22] =	stream.strided.scatter [tilespmem:s4], [sflag:$0x3], $0xC000, s23, s22, $0x38;
	[tilespmem:$0x18780] =	vst v63  }
0xae: {  	_ =	swait.ge [sflag:s28], $0xC000  }
0xaf: {  	[sflag:s28] =	ssyncset.done $0x0  }
0xb0: {  	[sflag:s28] =	ssyncadd.s32 $0xFFFF4000  }
0xb1: {  	[tilespmem:$0x18680] =	vst v21  }
0xb2: {  	[tilespmem:$0x18690] =	vst v22  }
0xb3: {  	[tilespmem:$0x186A0] =	vst v23  }
0xb4: {  	s31 =	rddreg [dreg:$0x10];
	[tilespmem:$0x186B0] =	vst v24  }
0xb5: {  	[tilespmem:s24], [sflag:$0x2] =	stream.linear.gather [hbm4b:s31+s4], $0xC000, $0x38;
	[tilespmem:$0x18780] =	vst v63  }
0xb6: {  	_ =	swait.ge [sflag:s25], $0xC000  }
0xb7: {  	[sflag:s25] =	ssyncset.done $0x0  }
0xb8: {  	s31 =	rddreg [dreg:$0x11];
	[sflag:s25] =	ssyncadd.s32 $0xFFFF4000  }
0xb9: {  	[hbm4b:s31+s22] =	stream.strided.scatter [tilespmem:s24], [sflag:$0x4], $0xC000, s23, s22, $0x38;
	[tilespmem:$0x18780] =	vst v63  }
0xba: {  	_ =	swait.ge [sflag:s26], $0xC000  }
0xbb: {  	[sflag:s26] =	ssyncset.done $0x0  }
0xbc: {  	[sflag:s26] =	ssyncadd.s32 $0xFFFF4000  }
0xbd: {  	[tilespmem:$0x18600] =	vst v25  }
0xbe: {  	[tilespmem:$0x18610] =	vst v26  }
0xbf: {  	[tilespmem:$0x18620] =	vst v27  }
0xc0: {  	s31 =	rddreg [dreg:$0x12];
	[tilespmem:$0x18630] =	vst v28  }
0xc1: {  	[tilespmem:s4], [sflag:$0x1] =	stream.linear.gather [hbm4b:s31+s4], $0xC000, $0x38;
	[tilespmem:$0x18780] =	vst v63  }
0xc2: {  	_ =	swait.ge [sflag:s21], $0xC000  }
0xc3: {  	[sflag:s21] =	ssyncset.done $0x0  }
0xc4: {  	s31 =	rddreg [dreg:$0x13];
	[sflag:s21] =	ssyncadd.s32 $0xFFFF4000  }
0xc5: {  	[hbm4b:s31+s22] =	stream.strided.scatter [tilespmem:s4], [sflag:$0x3], $0xC000, s23, s22, $0x38;
	[tilespmem:$0x18780] =	vst v63  }
0xc6: {  	_ =	swait.ge [sflag:s28], $0xC000  }
0xc7: {  	[sflag:s28] =	ssyncset.done $0x0  }
0xc8: {  	[sflag:s28] =	ssyncadd.s32 $0xFFFF4000  }
0xc9: {  	[tilespmem:$0x18680] =	vst v29  }
0xca: {  	[tilespmem:$0x18690] =	vst v30  }
0xcb: {  	[tilespmem:$0x186A0] =	vst v31  }
0xcc: {  	s31 =	rddreg [dreg:$0x14];
	[tilespmem:$0x186B0] =	vst v63  }
0xcd: {  	[tilespmem:s24], [sflag:$0x2] =	stream.linear.gather [hbm4b:s31+s4], $0xC000, $0x38;
	[tilespmem:$0x18780] =	vst v63  }
0xce: {  	_ =	swait.ge [sflag:s25], $0xC000  }
0xcf: {  	[sflag:s25] =	ssyncset.done $0x0  }
0xd0: {  	s31 =	rddreg [dreg:$0x15];
	[sflag:s25] =	ssyncadd.s32 $0xFFFF4000  }
0xd1: {  	[hbm4b:s31+s22] =	stream.strided.scatter [tilespmem:s24], [sflag:$0x4], $0xC000, s23, s22, $0x38;
	[tilespmem:$0x18780] =	vst v63  }
0xd2: {  	_ =	swait.ge [sflag:s26], $0xC000  }
0xd3: {  	[sflag:s26] =	ssyncset.done $0x0  }
0xd4: {  	[sflag:s26] =	ssyncadd.s32 $0xFFFF4000  }
0xd5: {  	[tilespmem:$0x18600] =	vst v2  }
0xd6: {  	[tilespmem:$0x18610] =	vst v4  }
0xd7: {  	[tilespmem:$0x18620] =	vst v6  }
0xd8: {  	s31 =	rddreg [dreg:$0x16];
	[tilespmem:$0x18630] =	vst v7  }
0xd9: {  	[tilespmem:s4], [sflag:$0x1] =	stream.linear.gather [hbm4b:s31+s4], $0xC000, $0x38;
	[tilespmem:$0x18780] =	vst v63  }
0xda: {  	_ =	swait.ge [sflag:s21], $0xC000  }
0xdb: {  	[sflag:s21] =	ssyncset.done $0x0  }
0xdc: {  	s31 =	rddreg [dreg:$0x17];
	[sflag:s21] =	ssyncadd.s32 $0xFFFF4000  }
0xdd: {  	[hbm4b:s31+s22] =	stream.strided.scatter [tilespmem:s4], [sflag:$0x3], $0xC000, s23, s22, $0x38;
	[tilespmem:$0x18780] =	vst v63  }
0xde: {  	_ =	swait.ge [sflag:s28], $0xC000  }
0xdf: {  	[sflag:s28] =	ssyncset.done $0x0  }
0xe0: {  	[sflag:s28] =	ssyncadd.s32 $0xFFFF4000  }
0xe1: {  	_ =	swait.ge [sflag:s26], $0xC000  }
0xe2: {  	[sflag:s26] =	ssyncset.done $0x0  }
0xe3: {  	[sflag:s26] =	ssyncadd.s32 $0xFFFF4000  }
0xe4: {  	_ =	swait.ge [sflag:s14], $0x300  }
0xe5: {  	[sflag:s14] =	ssyncset.done $0x0  }
0xe6: {  	[sflag:s14] =	ssyncadd.s32 $0xFFFFFD00  }
0xe7: {  	_ =	swait.ge [sflag:s29], $0xDB00  }
0xe8: {  	[sflag:s29] =	ssyncset.done $0x0  }
0xe9: {  	s31 =	rddreg [dreg:$0x18];
	[sflag:s29] =	ssyncadd.s32 $0xFFFF2500  }
0xea: {  	[hbm:s31@s16], [sflag:s30] =	dma.strided [hbm:s3@s17], $0xDB00, s15, $0x10 ;
	[tilespmem:$0x18700] =	vst v8  }
0xeb: {  	v13 =	vld.msk [tilespmem:$0x18700], $0x1;
	_ =	sdelay $0x4  }
0xec: {  	v14 =	vshrl.u32 v13, $0x3  }
0xed: {  	v14 =	vmul.u32 $0x30, v14  }
0xee: {  	v13 =	vand.u32 $0x7, v13  }
0xef: {  	v13 =	vor.u32 v13, v14  }
0xf0: {  	v13 =	vperm.xlane v13, v11;
	_ =	sdelay $0x1  }
0xf1: {  	v12 =	vadd.s32 v12, v13;
	_ =	sdelay $0x4  }
0xf2: {  	[tilespmem:s18], [sflag:$0x6] =	stream.indirect_vreg.gather [hbm4b:s1+s4], $0x80, v12, vm0, $0xb8;
	[tilespmem:$0x18780] =	vst v63  }
0xf3: {  	[tilespmem:$0x18600] =	vst v32  }
0xf4: {  	[tilespmem:$0x18610] =	vst v33  }
0xf5: {  	[tilespmem:$0x18620] =	vst v34  }
0xf6: {  	[tilespmem:$0x18630] =	vst v35  }
0xf7: {  	[tilespmem:s4], [sflag:$0x1] =	stream.linear.gather [hbm4b:s8+s4], $0xC000, $0x38;
	[tilespmem:$0x18780] =	vst v63  }
0xf8: {  	_ =	swait.ge [sflag:s14], $0x300  }
0xf9: {  	[sflag:s14] =	ssyncset.done $0x0  }
0xfa: {  	s31 =	rddreg [dreg:$0x19];
	[sflag:s14] =	ssyncadd.s32 $0xFFFFFD00  }
0xfb: {  	[hbm4b:s31+s19] =	stream.strided.scatter [tilespmem:s18], [sflag:$0x6], $0x300, s20, s19, $0x38;
	[tilespmem:$0x18780] =	vst v63  }
0xfc: {  	_ =	swait.ge [sflag:s21], $0xC000  }
0xfd: {  	[sflag:s21] =	ssyncset.done $0x0  }
0xfe: {  	[sflag:s21] =	ssyncadd.s32 $0xFFFF4000  }
0xff: {  	v12 =	vld [tilespmem:$0x18000]  }
0x100: {  	v13 =	vld [tilespmem:$0x18010]  }
0x101: {  	v14 =	vld [tilespmem:$0x18020]  }
0x102: {  	v15 =	vld [tilespmem:$0x18030]  }
0x103: {  	v16 =	vld [tilespmem:$0x18040]  }
0x104: {  	[tilespmem:$0x0] =	vst v12;
	v12 =	vld [tilespmem:$0x18050]  }
0x105: {  	[tilespmem:$0x10] =	vst v13;
	v13 =	vld [tilespmem:$0x18060]  }
0x106: {  	[tilespmem:$0x20] =	vst v14;
	v14 =	vld [tilespmem:$0x18070]  }
0x107: {  	[tilespmem:$0x30] =	vst v15;
	v15 =	vld [tilespmem:$0x18080]  }
0x108: {  	[tilespmem:$0x40] =	vst v16;
	v16 =	vld [tilespmem:$0x18090]  }
0x109: {  	[tilespmem:$0x50] =	vst v12;
	v12 =	vld [tilespmem:$0x180A0]  }
0x10a: {  	[tilespmem:$0x60] =	vst v13;
	v13 =	vld [tilespmem:$0x180B0]  }
0x10b: {  	[tilespmem:$0x70] =	vst v14;
	v14 =	vld [tilespmem:$0x180C0]  }
0x10c: {  	[tilespmem:$0x400] =	vst v15;
	v15 =	vld [tilespmem:$0x180D0]  }
0x10d: {  	[tilespmem:$0x410] =	vst v16;
	v16 =	vld [tilespmem:$0x180E0]  }
0x10e: {  	[tilespmem:$0x420] =	vst v12;
	v12 =	vld [tilespmem:$0x180F0]  }
0x10f: {  	[tilespmem:$0x430] =	vst v13;
	v13 =	vld [tilespmem:$0x18100]  }
0x110: {  	[tilespmem:$0x440] =	vst v14;
	v14 =	vld [tilespmem:$0x18110]  }
0x111: {  	[tilespmem:$0x450] =	vst v15;
	v15 =	vld [tilespmem:$0x18120]  }
0x112: {  	[tilespmem:$0x460] =	vst v16;
	v16 =	vld [tilespmem:$0x18130]  }
0x113: {  	[tilespmem:$0x470] =	vst v12;
	v12 =	vld [tilespmem:$0x18140]  }
0x114: {  	[tilespmem:$0x800] =	vst v13;
	v13 =	vld [tilespmem:$0x18150]  }
0x115: {  	[tilespmem:$0x810] =	vst v14;
	v14 =	vld [tilespmem:$0x18160]  }
0x116: {  	[tilespmem:$0x820] =	vst v15;
	v15 =	vld [tilespmem:$0x18170]  }
0x117: {  	[tilespmem:$0x830] =	vst v16;
	v16 =	vld [tilespmem:$0x18180]  }
0x118: {  	[tilespmem:$0x840] =	vst v12;
	v12 =	vld [tilespmem:$0x18190]  }
0x119: {  	[tilespmem:$0x850] =	vst v13;
	v13 =	vld [tilespmem:$0x181A0]  }
0x11a: {  	[tilespmem:$0x860] =	vst v14;
	v14 =	vld [tilespmem:$0x181B0]  }
0x11b: {  	[tilespmem:$0x870] =	vst v15;
	v15 =	vld [tilespmem:$0x181C0]  }
0x11c: {  	[tilespmem:$0xC00] =	vst v16;
	v16 =	vld [tilespmem:$0x181D0]  }
0x11d: {  	[tilespmem:$0xC10] =	vst v12;
	v12 =	vld [tilespmem:$0x181E0]  }
0x11e: {  	[tilespmem:$0xC20] =	vst v13;
	v13 =	vld [tilespmem:$0x181F0]  }
0x11f: {  	[tilespmem:$0xC30] =	vst v14;
	v14 =	vld [tilespmem:$0x18200]  }
0x120: {  	[tilespmem:$0xC40] =	vst v15;
	v15 =	vld [tilespmem:$0x18210]  }
0x121: {  	[tilespmem:$0xC50] =	vst v16;
	v16 =	vld [tilespmem:$0x18220]  }
0x122: {  	[tilespmem:$0xC60] =	vst v12;
	v12 =	vld [tilespmem:$0x18230]  }
0x123: {  	[tilespmem:$0xC70] =	vst v13;
	v13 =	vld [tilespmem:$0x18240]  }
0x124: {  	[tilespmem:$0x1000] =	vst v14;
	v14 =	vld [tilespmem:$0x18250]  }
0x125: {  	[tilespmem:$0x1010] =	vst v15;
	v15 =	vld [tilespmem:$0x18260]  }
0x126: {  	[tilespmem:$0x1020] =	vst v16;
	v16 =	vld [tilespmem:$0x18270]  }
0x127: {  	[tilespmem:$0x1030] =	vst v12;
	v12 =	vld [tilespmem:$0x18280]  }
0x128: {  	[tilespmem:$0x1040] =	vst v13;
	v13 =	vld [tilespmem:$0x18290]  }
0x129: {  	[tilespmem:$0x1050] =	vst v14;
	v14 =	vld [tilespmem:$0x182A0]  }
0x12a: {  	[tilespmem:$0x1060] =	vst v15;
	v15 =	vld [tilespmem:$0x182B0]  }
0x12b: {  	[tilespmem:$0x1070] =	vst v16;
	v16 =	vld [tilespmem:$0x182C0]  }
0x12c: {  	[tilespmem:$0x1400] =	vst v12;
	v12 =	vld [tilespmem:$0x182D0]  }
0x12d: {  	[tilespmem:$0x1410] =	vst v13;
	v13 =	vld [tilespmem:$0x182E0]  }
0x12e: {  	[tilespmem:$0x1420] =	vst v14;
	v14 =	vld [tilespmem:$0x182F0]  }
0x12f: {  	[tilespmem:$0x1430] =	vst v15  }
0x130: {  	[tilespmem:$0x1440] =	vst v16  }
0x131: {  	[tilespmem:$0x1450] =	vst v12  }
0x132: {  	[tilespmem:$0x1460] =	vst v13  }
0x133: {  	[tilespmem:$0x1470] =	vst v14  }
0x134: {  	[hbm4b:s7+s22] =	stream.strided.scatter [tilespmem:s4], [sflag:$0x3], $0xC000, s23, s22, $0x38;
	[tilespmem:$0x18780] =	vst v63  }
0x135: {  	[tilespmem:$0x18680] =	vst v36  }
0x136: {  	[tilespmem:$0x18690] =	vst v37  }
0x137: {  	[tilespmem:$0x186A0] =	vst v38  }
0x138: {  	s31 =	rddreg [dreg:$0x1a];
	[tilespmem:$0x186B0] =	vst v39  }
0x139: {  	[tilespmem:s24], [sflag:$0x2] =	stream.linear.gather [hbm4b:s31+s4], $0xC000, $0x38;
	[tilespmem:$0x18780] =	vst v63  }
0x13a: {  	_ =	swait.ge [sflag:s25], $0xC000  }
0x13b: {  	[sflag:s25] =	ssyncset.done $0x0  }
0x13c: {  	s31 =	rddreg [dreg:$0x1b];
	[sflag:s25] =	ssyncadd.s32 $0xFFFF4000  }
0x13d: {  	[hbm4b:s31+s22] =	stream.strided.scatter [tilespmem:s24], [sflag:$0x4], $0xC000, s23, s22, $0x38;
	[tilespmem:$0x18780] =	vst v63  }
0x13e: {  	_ =	swait.ge [sflag:s26], $0xC000  }
0x13f: {  	[sflag:s26] =	ssyncset.done $0x0  }
0x140: {  	[sflag:s26] =	ssyncadd.s32 $0xFFFF4000  }
0x141: {  	[tilespmem:$0x18600] =	vst v40  }
0x142: {  	[tilespmem:$0x18610] =	vst v41  }
0x143: {  	[tilespmem:$0x18620] =	vst v42  }
0x144: {  	s31 =	rddreg [dreg:$0x1c];
	[tilespmem:$0x18630] =	vst v43  }
0x145: {  	[tilespmem:s4], [sflag:$0x1] =	stream.linear.gather [hbm4b:s31+s4], $0xC000, $0x38;
	[tilespmem:$0x18780] =	vst v63  }
0x146: {  	_ =	swait.ge [sflag:s21], $0xC000  }
0x147: {  	[sflag:s21] =	ssyncset.done $0x0  }
0x148: {  	s31 =	rddreg [dreg:$0x1d];
	[sflag:s21] =	ssyncadd.s32 $0xFFFF4000  }
0x149: {  	[hbm4b:s31+s22] =	stream.strided.scatter [tilespmem:s4], [sflag:$0x3], $0xC000, s23, s22, $0x38;
	[tilespmem:$0x18780] =	vst v63  }
0x14a: {  	_ =	swait.ge [sflag:s28], $0xC000  }
0x14b: {  	[sflag:s28] =	ssyncset.done $0x0  }
0x14c: {  	[sflag:s28] =	ssyncadd.s32 $0xFFFF4000  }
0x14d: {  	[tilespmem:$0x18680] =	vst v44  }
0x14e: {  	[tilespmem:$0x18690] =	vst v45  }
0x14f: {  	[tilespmem:$0x186A0] =	vst v46  }
0x150: {  	s31 =	rddreg [dreg:$0x1e];
	[tilespmem:$0x186B0] =	vst v47  }
0x151: {  	[tilespmem:s24], [sflag:$0x2] =	stream.linear.gather [hbm4b:s31+s4], $0xC000, $0x38;
	[tilespmem:$0x18780] =	vst v63  }
0x152: {  	_ =	swait.ge [sflag:s25], $0xC000  }
0x153: {  	[sflag:s25] =	ssyncset.done $0x0  }
0x154: {  	s31 =	rddreg [dreg:$0x1f];
	[sflag:s25] =	ssyncadd.s32 $0xFFFF4000  }
0x155: {  	[hbm4b:s31+s22] =	stream.strided.scatter [tilespmem:s24], [sflag:$0x4], $0xC000, s23, s22, $0x38;
	[tilespmem:$0x18780] =	vst v63  }
0x156: {  	_ =	swait.ge [sflag:s26], $0xC000  }
0x157: {  	[sflag:s26] =	ssyncset.done $0x0  }
0x158: {  	[sflag:s26] =	ssyncadd.s32 $0xFFFF4000  }
0x159: {  	[tilespmem:$0x18600] =	vst v48  }
0x15a: {  	s31 =	sld [smem:$0x7F7];
	[tilespmem:$0x18610] =	vst v49  }
0x15b: {  	[tilespmem:$0x18620] =	vst v50  }
0x15c: {  	[tilespmem:$0x18630] =	vst v51  }
0x15d: {  	[tilespmem:s4], [sflag:$0x1] =	stream.linear.gather [hbm4b:s31+s4], $0xC000, $0x38;
	[tilespmem:$0x18780] =	vst v63  }
0x15e: {  	_ =	swait.ge [sflag:s21], $0xC000  }
0x15f: {  	s31 =	sld [smem:$0x7F8]  }
0x160: {  	[sflag:s21] =	ssyncset.done $0x0  }
0x161: {  	[sflag:s21] =	ssyncadd.s32 $0xFFFF4000  }
0x162: {  	[hbm4b:s31+s22] =	stream.strided.scatter [tilespmem:s4], [sflag:$0x3], $0xC000, s23, s22, $0x38;
	[tilespmem:$0x18780] =	vst v63  }
0x163: {  	_ =	swait.ge [sflag:s28], $0xC000  }
0x164: {  	[sflag:s28] =	ssyncset.done $0x0  }
0x165: {  	[sflag:s28] =	ssyncadd.s32 $0xFFFF4000  }
0x166: {  	[tilespmem:$0x18680] =	vst v52  }
0x167: {  	s31 =	sld [smem:$0x7F9];
	[tilespmem:$0x18690] =	vst v53  }
0x168: {  	[tilespmem:$0x186A0] =	vst v54  }
0x169: {  	[tilespmem:$0x186B0] =	vst v55  }
0x16a: {  	[tilespmem:s24], [sflag:$0x2] =	stream.linear.gather [hbm4b:s31+s4], $0xC000, $0x38;
	[tilespmem:$0x18780] =	vst v63  }
0x16b: {  	_ =	swait.ge [sflag:s25], $0xC000  }
0x16c: {  	s31 =	sld [smem:$0x7FA]  }
0x16d: {  	[sflag:s25] =	ssyncset.done $0x0  }
0x16e: {  	[sflag:s25] =	ssyncadd.s32 $0xFFFF4000  }
0x16f: {  	[hbm4b:s31+s22] =	stream.strided.scatter [tilespmem:s24], [sflag:$0x4], $0xC000, s23, s22, $0x38;
	[tilespmem:$0x18780] =	vst v63  }
0x170: {  	_ =	swait.ge [sflag:s26], $0xC000  }
0x171: {  	[sflag:s26] =	ssyncset.done $0x0  }
0x172: {  	[sflag:s26] =	ssyncadd.s32 $0xFFFF4000  }
0x173: {  	[tilespmem:$0x18600] =	vst v56  }
0x174: {  	s31 =	sld [smem:$0x7FB];
	[tilespmem:$0x18610] =	vst v57  }
0x175: {  	[tilespmem:$0x18620] =	vst v58  }
0x176: {  	[tilespmem:$0x18630] =	vst v59  }
0x177: {  	[tilespmem:s4], [sflag:$0x1] =	stream.linear.gather [hbm4b:s31+s4], $0xC000, $0x38;
	[tilespmem:$0x18780] =	vst v63  }
0x178: {  	_ =	swait.ge [sflag:s21], $0xC000  }
0x179: {  	s31 =	sld [smem:$0x7FC]  }
0x17a: {  	[sflag:s21] =	ssyncset.done $0x0  }
0x17b: {  	[sflag:s21] =	ssyncadd.s32 $0xFFFF4000  }
0x17c: {  	[hbm4b:s31+s22] =	stream.strided.scatter [tilespmem:s4], [sflag:$0x3], $0xC000, s23, s22, $0x38;
	[tilespmem:$0x18780] =	vst v63  }
0x17d: {  	_ =	swait.ge [sflag:s28], $0xC000  }
0x17e: {  	[sflag:s28] =	ssyncset.done $0x0  }
0x17f: {  	[sflag:s28] =	ssyncadd.s32 $0xFFFF4000  }
0x180: {  	[tilespmem:$0x18680] =	vst v60  }
0x181: {  	s31 =	sld [smem:$0x7FD];
	[tilespmem:$0x18690] =	vst v61  }
0x182: {  	[tilespmem:$0x186A0] =	vst v62  }
0x183: {  	[tilespmem:$0x186B0] =	vst v1  }
0x184: {  	[tilespmem:s24], [sflag:$0x2] =	stream.linear.gather [hbm4b:s31+s4], $0xC000, $0x38;
	[tilespmem:$0x18780] =	vst v63  }
0x185: {  	_ =	swait.ge [sflag:s25], $0xC000  }
0x186: {  	[sflag:s25] =	ssyncset.done $0x0  }
0x187: {  	[sflag:s25] =	ssyncadd.s32 $0xFFFF4000  }
0x188: {  	[hbm4b:s9+s22] =	stream.strided.scatter [tilespmem:s24], [sflag:$0x4], $0xC000, s23, s22, $0x38;
	[tilespmem:$0x18780] =	vst v63  }
0x189: {  	_ =	swait.ge [sflag:s26], $0xC000  }
0x18a: {  	[sflag:s26] =	ssyncset.done $0x0  }
0x18b: {  	[sflag:s26] =	ssyncadd.s32 $0xFFFF4000  }
0x18c: {  	[tilespmem:$0x18600] =	vst v3  }
0x18d: {  	[tilespmem:$0x18610] =	vst v5  }
0x18e: {  	[tilespmem:$0x18620] =	vst v9  }
0x18f: {  	[tilespmem:$0x18630] =	vst v10  }
0x190: {  	[tilespmem:s4], [sflag:$0x1] =	stream.linear.gather [hbm4b:s10+s4], $0xC000, $0x38;
	[tilespmem:$0x18780] =	vst v63  }
0x191: {  	_ =	swait.ge [sflag:s21], $0xC000  }
0x192: {  	[sflag:s21] =	ssyncset.done $0x0  }
0x193: {  	[sflag:s21] =	ssyncadd.s32 $0xFFFF4000  }
0x194: {  	[hbm4b:s11+s22] =	stream.strided.scatter [tilespmem:s4], [sflag:$0x3], $0xC000, s23, s22, $0x38;
	[tilespmem:$0x18780] =	vst v63  }
0x195: {  	_ =	swait.ge [sflag:s28], $0xC000  }
0x196: {  	[sflag:s28] =	ssyncset.done $0x0  }
0x197: {  	[sflag:s28] =	ssyncadd.s32 $0xFFFF4000  }
0x198: {  	_ =	swait.ge [sflag:s26], $0xC000  }
0x199: {  	[sflag:s26] =	ssyncset.done $0x0  }
0x19a: {  	[sflag:s26] =	ssyncadd.s32 $0xFFFF4000  }
0x19b: {  	p0 =	sne.s32 s12, $0x1;
	_ =	swait.ge [sflag:s14], $0x300  }
.Ltmp0:
0x19c: {  	[sflag:s14] =	ssyncset.done $0x0;
	(pc) =	sbr.rel @p0 .LBB2_1-.Ltmp0, $4  }
0x19d: {  	[sflag:s14] =	ssyncadd.s32 $0xFFFFFD00  }
0x19e: {  	_ =	swait.ge [sflag:s29], $0xDB00  }
0x19f: {  	[sflag:s29] =	ssyncset.done $0x0  }
0x1a0: {  	s12 =	sadd.s32 $0xFFFFFFFF, s12;
	[sflag:s29] =	ssyncadd.s32 $0xFFFF2500  }
0x1a1: {  	_ =	sfence.sel $0x180000  }
0x1a2: {  	[bflag:$0x0] =	sbarrier.arrive $0xFFFF  }
0x1a3: {  	p0 =	sne.s32 s0, $0x0;
	_ =	strace $0x90000047  }
0x1a4: {  	s0 =	sadd.s32 @!p0 $0x100000, s2;
	[bflag:$0x2] =	sbarrier.arrive $0xFFFF  }
0x1a5: {  	[sflag:s0] =	ssyncadd.tile.s32 @!p0 $0x1;
	_ =	shalt  }
.Lfunc_end2:
_tile_overlayer_lowered:
.L_overlay_start_2:
0x1a6: {  	(tag) =	ssettag $0x2  }
0x1a7: {  	s0 =	rddreg [dreg:$0x0];
	s2 =	stileid.u32  }
0x1a8: {  	s1 =	rddreg [dreg:$0x1];
	p0 =	sne.s32 s2, $0x0  }
0x1a9: {  	s3 =	rddreg [dreg:$0x2];
	[bflag:$0x3] =	sbarrier.arrive $0xFFFF;
	s2 =	simm.s32 @!p0 $0x1C07  }
0x1aa: {  	[timem:s3], [sflag:s2] =	dma.local @!p0 [hbm:s0], s1  }
0x1ab: {  	s0 =	simm.s32 @!p0 $0x7  }
0x1ac: {  	_ =	swait.ge @!p0 [sflag:s0], s1  }
0x1ad: {  	s1 =	ssub.s32 @!p0 $0x0, s1;
	[sflag:s0] =	ssyncset.done @!p0 $0x0  }
0x1ae: {  	[sflag:s0] =	ssyncadd.s32 @!p0 s1  }
0x1af: {  	[bflag:$0x3] =	sbarrier.arrive $0xFFFF  }
0x1b0: {  	_ =	shalt  }

</sc_bundles>
